<compile_context>
chip_gen: v7x
topology: tpu7x:2x2x1
jax: 0.10.2.dev20260603
libtpu: 0.0.44.dev20260713+nightly
codegen_flags: <defaults>
</compile_context>

<pallas_src>
import jax
import jax.numpy as jnp
from jax import lax
from jax.experimental import pallas as pl
from jax.experimental.pallas import tpu as pltpu

B, S, K, D = 4096, 20, 64, 32
BB = 128
NBLK = B // BB
N = K * BB
CC = 256
KC = CC // BB
NC = N // CC


def _body(s_ref, m_ref, k_ref, ut_ref, vt_ref, wt_ref, o_ref, h_ref, kv_ref):
    f32 = jnp.float32
    ut = ut_ref[...]
    vt = vt_ref[...]
    wt = wt_ref[...]
    kt_full = k_ref[0]
    kv_ref[...] = jnp.dot(vt, kt_full, preferred_element_type=f32)
    h_ref[...] = kt_full

    def step(t, carry):
        s_t = s_ref[pl.ds(t, 1)].reshape(D, BB)
        m_t = m_ref[pl.ds(t, 1)].reshape(1, BB)
        sw_t = jnp.dot(wt, s_t, preferred_element_type=f32)
        s_rep = jnp.concatenate([s_t] * KC, axis=1)
        sw_rep = jnp.concatenate([sw_t] * KC, axis=1)
        m_rep = jnp.concatenate([m_t] * KC, axis=1)
        for c in range(NC):
            sl = pl.ds(c * CC, CC)
            h = h_ref[:, sl]
            kt = k_ref[0, :, sl]
            g_half = 0.5 * jnp.sum(s_rep * (h + kt), axis=0, keepdims=True)
            g4 = 0.25 * jnp.tanh(g_half) + 0.25
            hu = jnp.dot(ut, h, preferred_element_type=f32)
            z = hu + kv_ref[:, sl] + sw_rep
            upd = h + g4 * (jnp.tanh(z) + 1.0)
            sq = jnp.sum(upd * upd, axis=0, keepdims=True)
            upd = upd * lax.rsqrt(jnp.maximum(sq, 1e-12))
            h_ref[:, sl] = jnp.where(m_rep > 0.5, upd, h)
        return carry

    lax.fori_loop(0, S, step, 0)
    o_ref[0] = h_ref[...]


@jax.jit
def kernel(encoded_sents, mask, keys, U, V, W):
    f32 = jnp.float32
    s_t = (jnp.transpose(encoded_sents, (1, 2, 0))
           .reshape(S, D, NBLK, BB).transpose(0, 2, 1, 3))
    m_t = jnp.swapaxes(mask, 0, 1).astype(f32).reshape(S, NBLK, 1, BB)
    k_t = (jnp.transpose(keys, (2, 1, 0))
           .reshape(D, K, NBLK, BB).transpose(2, 0, 1, 3)
           .reshape(NBLK, D, N))
    grid = (NBLK,)
    out_t = pl.pallas_call(
        _body,
        grid=grid,
        in_specs=[
            pl.BlockSpec((S, 1, D, BB), lambda i: (0, i, 0, 0)),
            pl.BlockSpec((S, 1, 1, BB), lambda i: (0, i, 0, 0)),
            pl.BlockSpec((1, D, N), lambda i: (i, 0, 0)),
            pl.BlockSpec((D, D), lambda i: (0, 0)),
            pl.BlockSpec((D, D), lambda i: (0, 0)),
            pl.BlockSpec((D, D), lambda i: (0, 0)),
        ],
        out_specs=pl.BlockSpec((1, D, N), lambda i: (i, 0, 0)),
        out_shape=jax.ShapeDtypeStruct((NBLK, D, N), f32),
        scratch_shapes=[
            pltpu.VMEM((D, N), f32),
            pltpu.VMEM((D, N), f32),
        ],
    )(s_t, m_t, k_t, 0.5 * U.T, 0.5 * V.T, 0.5 * W.T)
    return (out_t.reshape(NBLK, D, K, BB).transpose(0, 3, 2, 1)
            .reshape(B, K, D))

# --- scband reference (transcript-rebuilt; emitter-appended) ---
"""Pipeline reference for scband-basic-recurrent-entity-encoder-44530220925018 (READ-ONLY COPY).

The authoritative reference and input builder live on the scoring server;
editing this copy changes nothing except your own understanding.
"""

import jax, jax.numpy as jnp
import numpy as np

B, S, K, D = 4096, 20, 64, 32


def setup_inputs(seed: int = 0) -> dict:
    key = jax.random.key(seed)
    k1, k2, k3, k4, k5, k6 = jax.random.split(key, 6)
    encoded_sents = jax.random.normal(k1, (B, S, D), dtype=jnp.float32)
    mask = jax.random.randint(k2, (B, S), 0, 2).astype(bool)
    keys = jax.random.normal(k3, (B, K, D), dtype=jnp.float32)
    U = jax.random.truncated_normal(k4, -2.0, 2.0, (D, D), dtype=jnp.float32)
    V = jax.random.truncated_normal(k5, -2.0, 2.0, (D, D), dtype=jnp.float32)
    W = jax.random.truncated_normal(k6, -2.0, 2.0, (D, D), dtype=jnp.float32)
    return {"encoded_sents": encoded_sents, "mask": mask, "keys": keys, "U": U, "V": V, "W": W}


def _entity_cell_step(s, h, k, U, V, W):
    # gates: Eq.2 of https://arxiv.org/pdf/1612.03969.pdf -> [B, K]
    gates = jax.nn.sigmoid(jnp.sum(s[:, None, :] * h + s[:, None, :] * k, axis=2))
    # h_tilda: Eq.3 -> [B, K, D]  (activation = sigmoid, the module default)
    s_tiled = jnp.broadcast_to(s[:, None, :], h.shape)
    h_tilda = jax.nn.sigmoid(
        jnp.einsum('bkd,de->bke', h, U)
        + jnp.einsum('bkd,de->bke', k, V)
        + jnp.einsum('bkd,de->bke', s_tiled, W)
    )
    updated = h + gates[..., None] * h_tilda
    # tf.nn.l2_normalize(axis=2)
    sq = jnp.sum(updated * updated, axis=2, keepdims=True)
    return updated * jax.lax.rsqrt(jnp.maximum(sq, 1e-12))


def reference(encoded_sents, mask, keys, U, V, W):
    # simple_entity_network with return_last=True.
    # initial entity hidden state = keys (EntityRNN initializes slots with their keys).
    # The TF version gathers the masked rows, updates them, and scatters the delta
    # back (h + scatter_nd(idx, upd - prev)). That is mathematically identical to a
    # masked select: h = where(mask, updated, h).
    init = keys
    xs = (jnp.swapaxes(encoded_sents, 0, 1), jnp.swapaxes(mask, 0, 1))

    def body(h, x):
        s, m = x
        upd = _entity_cell_step(s, h, keys, U, V, W)
        h = jnp.where(m[:, None, None], upd, h)
        return h, None

    h, _ = jax.lax.scan(body, init, xs)
    return h

if __name__ == "__main__":
    import jax
    _d = setup_inputs()
    print(jax.jit(kernel)(*tuple(_d.values())))

</pallas_src>

<mosaic_0001>
module attributes {stable_mosaic.version = 14 : i64} {
  func.func @_body(%arg0: i32, %arg1: memref<20x1x32x128xf32, #tpu.memory_space<vmem>>, %arg2: memref<20x1x1x128xf32, #tpu.memory_space<vmem>>, %arg3: memref<1x32x8192xf32, #tpu.memory_space<vmem>>, %arg4: memref<32x32xf32, #tpu.memory_space<vmem>>, %arg5: memref<32x32xf32, #tpu.memory_space<vmem>>, %arg6: memref<32x32xf32, #tpu.memory_space<vmem>>, %arg7: memref<1x32x8192xf32, #tpu.memory_space<vmem>>, %arg8: memref<32x8192xf32, #tpu.memory_space<vmem>>, %arg9: memref<32x8192xf32, #tpu.memory_space<vmem>>) attributes {dimension_semantics = [#tpu.dimension_semantics<arbitrary>], iteration_bounds = array<i64: 32>, scalar_prefetch = 0 : i64, scratch_operands = 2 : i64, tpu.core_type = #tpu.core_type<tc>, window_params = [{transform_indices = @transform_0, window_bounds = array<i64: 20, 1, 32, 128>}, {transform_indices = @transform_1, window_bounds = array<i64: 20, 1, 1, 128>}, {transform_indices = @transform_2, window_bounds = array<i64: 1, 32, 8192>}, {pipeline_mode = #tpu.pipeline_mode<synchronous>, transform_indices = @transform_3, window_bounds = array<i64: 32, 32>}, {pipeline_mode = #tpu.pipeline_mode<synchronous>, transform_indices = @transform_4, window_bounds = array<i64: 32, 32>}, {pipeline_mode = #tpu.pipeline_mode<synchronous>, transform_indices = @transform_5, window_bounds = array<i64: 32, 32>}, {transform_indices = @transform_6, window_bounds = array<i64: 1, 32, 8192>}]} {
    %get3A = arith.constant 0 : index
    %get3A_0 = arith.constant 0 : index
    %get3A_1 = vector.load %arg4[%get3A, %get3A_0] : memref<32x32xf32, #tpu.memory_space<vmem>>, vector<32x32xf32>
    %get3A_2 = arith.constant 0 : index
    %get3A_3 = arith.constant 0 : index
    %get3A_4 = vector.load %arg5[%get3A_2, %get3A_3] : memref<32x32xf32, #tpu.memory_space<vmem>>, vector<32x32xf32>
    %get3A_5 = arith.constant 0 : index
    %get3A_6 = arith.constant 0 : index
    %get3A_7 = vector.load %arg6[%get3A_5, %get3A_6] : memref<32x32xf32, #tpu.memory_space<vmem>>, vector<32x32xf32>
    %get3A_8 = arith.constant 0 : index
    %get3A_9 = arith.constant 0 : index
    %get3A_10 = arith.constant 0 : index
    %get3A_11 = vector.load %arg3[%get3A_8, %get3A_9, %get3A_10] : memref<1x32x8192xf32, #tpu.memory_space<vmem>>, vector<1x32x8192xf32>
    %get3A_12 = vector.shape_cast %get3A_11 : vector<1x32x8192xf32> to vector<32x8192xf32>
    %dot_general3A = arith.constant dense<0.000000e+00> : vector<32x8192xf32>
    %dot_general3A_13 = tpu.matmul %get3A_4, %get3A_12, %dot_general3A {dimension_numbers = #tpu.dot_dimension_numbers<[1], [0], [0], [1], [0, 0, 1, 1], [], []>, transpose_lhs_hint = false} : vector<32x32xf32>, vector<32x8192xf32>, vector<32x8192xf32> -> vector<32x8192xf32>
    %swap3A = arith.constant 0 : index
    %swap3A_14 = arith.constant 0 : index
    %swap3A_15 = vector.load %arg9[%swap3A, %swap3A_14] : memref<32x8192xf32, #tpu.memory_space<vmem>>, vector<32x8192xf32>
    tpu.vector_store %arg9[%swap3A, %swap3A_14], %dot_general3A_13 {strides = array<i32>} : memref<32x8192xf32, #tpu.memory_space<vmem>>, vector<32x8192xf32>,
    %swap3A_16 = arith.constant 0 : index
    %swap3A_17 = arith.constant 0 : index
    %swap3A_18 = vector.load %arg8[%swap3A_16, %swap3A_17] : memref<32x8192xf32, #tpu.memory_space<vmem>>, vector<32x8192xf32>
    tpu.vector_store %arg8[%swap3A_16, %swap3A_17], %get3A_12 {strides = array<i32>} : memref<32x8192xf32, #tpu.memory_space<vmem>>, vector<32x8192xf32>,
    %scan3A = arith.constant 0 : i32
    %scan3A_19 = arith.constant 20 : i32
    %scan3A_20 = arith.addi %scan3A, %scan3A_19 : i32
    %scan3A_21 = arith.constant 1 : i32
    scf.for %scan3A_32 = %scan3A to %scan3A_20 step %scan3A_21  : i32 {
      %get3A_33 = arith.index_cast %scan3A_32 : i32 to index
      %get3A_34 = arith.constant 0 : index
      %get3A_35 = arith.constant 0 : index
      %get3A_36 = arith.constant 0 : index
      %get3A_37 = vector.load %arg1[%get3A_33, %get3A_34, %get3A_35, %get3A_36] : memref<20x1x32x128xf32, #tpu.memory_space<vmem>>, vector<1x1x32x128xf32>
      %reshape3A = vector.shape_cast %get3A_37 : vector<1x1x32x128xf32> to vector<32x128xf32>
      %get3A_38 = arith.index_cast %scan3A_32 : i32 to index
      %get3A_39 = arith.constant 0 : index
      %get3A_40 = arith.constant 0 : index
      %get3A_41 = arith.constant 0 : index
      %get3A_42 = vector.load %arg2[%get3A_38, %get3A_39, %get3A_40, %get3A_41] : memref<20x1x1x128xf32, #tpu.memory_space<vmem>>, vector<1x1x1x128xf32>
      %reshape3A_43 = vector.shape_cast %get3A_42 : vector<1x1x1x128xf32> to vector<1x128xf32>
      %dot_general3A_44 = arith.constant dense<0.000000e+00> : vector<32x128xf32>
      %dot_general3A_45 = tpu.matmul %get3A_7, %reshape3A, %dot_general3A_44 {dimension_numbers = #tpu.dot_dimension_numbers<[1], [0], [0], [1], [0, 0, 1, 1], [], []>, transpose_lhs_hint = false} : vector<32x32xf32>, vector<32x128xf32>, vector<32x128xf32> -> vector<32x128xf32>
      %concatenate3A = tpu.concatenate %reshape3A, %reshape3A in 1 : vector<32x128xf32>, vector<32x128xf32> -> vector<32x256xf32>
      %concatenate3A_46 = tpu.concatenate %dot_general3A_45, %dot_general3A_45 in 1 : vector<32x128xf32>, vector<32x128xf32> -> vector<32x256xf32>
      %concatenate3A_47 = tpu.concatenate %reshape3A_43, %reshape3A_43 in 1 : vector<1x128xf32>, vector<1x128xf32> -> vector<1x256xf32>
      %get3A_48 = arith.constant 0 : index
      %get3A_49 = arith.constant 0 : index
      %get3A_50 = vector.load %arg8[%get3A_48, %get3A_49] : memref<32x8192xf32, #tpu.memory_space<vmem>>, vector<32x256xf32>
      %get3A_51 = arith.constant 0 : index
      %get3A_52 = arith.constant 0 : index
      %get3A_53 = arith.constant 0 : index
      %get3A_54 = vector.load %arg3[%get3A_51, %get3A_52, %get3A_53] : memref<1x32x8192xf32, #tpu.memory_space<vmem>>, vector<1x32x256xf32>
      %get3A_55 = vector.shape_cast %get3A_54 : vector<1x32x256xf32> to vector<32x256xf32>
      %add3A = arith.addf %get3A_50, %get3A_55 : vector<32x256xf32>
      %mul3A = arith.mulf %concatenate3A, %add3A : vector<32x256xf32>
      %reduce_sum3A = arith.constant dense<0.000000e+00> : vector<256xf32>
      %reduce_sum3A_56 = vector.multi_reduction <add>, %mul3A, %reduce_sum3A [0] : vector<32x256xf32> to vector<256xf32>
      %broadcast_in_dim3A = vector.shape_cast %reduce_sum3A_56 : vector<256xf32> to vector<1x256xf32>
      %mul3A_57 = arith.constant 5.000000e-01 : f32
      %mul3A_58 = vector.broadcast %mul3A_57 : f32 to vector<1x256xf32>
      %mul3A_59 = arith.mulf %mul3A_58, %broadcast_in_dim3A : vector<1x256xf32>
      %tanh3A = math.tanh %mul3A_59 : vector<1x256xf32>
      %mul3A_60 = arith.constant 2.500000e-01 : f32
      %mul3A_61 = vector.broadcast %mul3A_60 : f32 to vector<1x256xf32>
      %mul3A_62 = arith.mulf %mul3A_61, %tanh3A : vector<1x256xf32>
      %add3A_63 = arith.constant 2.500000e-01 : f32
      %add3A_64 = vector.broadcast %add3A_63 : f32 to vector<1x256xf32>
      %add3A_65 = arith.addf %mul3A_62, %add3A_64 : vector<1x256xf32>
      %dot_general3A_66 = arith.constant dense<0.000000e+00> : vector<32x256xf32>
      %dot_general3A_67 = tpu.matmul %get3A_1, %get3A_50, %dot_general3A_66 {dimension_numbers = #tpu.dot_dimension_numbers<[1], [0], [0], [1], [0, 0, 1, 1], [], []>, transpose_lhs_hint = false} : vector<32x32xf32>, vector<32x256xf32>, vector<32x256xf32> -> vector<32x256xf32>
      %get3A_68 = arith.constant 0 : index
      %get3A_69 = arith.constant 0 : index
      %get3A_70 = vector.load %arg9[%get3A_68, %get3A_69] : memref<32x8192xf32, #tpu.memory_space<vmem>>, vector<32x256xf32>
      %add3A_71 = arith.addf %dot_general3A_67, %get3A_70 : vector<32x256xf32>
      %add3A_72 = arith.addf %add3A_71, %concatenate3A_46 : vector<32x256xf32>
      %tanh3A_73 = math.tanh %add3A_72 : vector<32x256xf32>
      %add3A_74 = arith.constant 1.000000e+00 : f32
      %add3A_75 = vector.broadcast %add3A_74 : f32 to vector<32x256xf32>
      %add3A_76 = arith.addf %tanh3A_73, %add3A_75 : vector<32x256xf32>
      %mul3A_77 = vector.broadcast %add3A_65 : vector<1x256xf32> to vector<32x256xf32>
      %mul3A_78 = arith.mulf %mul3A_77, %add3A_76 : vector<32x256xf32>
      %add3A_79 = arith.addf %get3A_50, %mul3A_78 : vector<32x256xf32>
      %mul3A_80 = arith.mulf %add3A_79, %add3A_79 : vector<32x256xf32>
      %reduce_sum3A_81 = arith.constant dense<0.000000e+00> : vector<256xf32>
      %reduce_sum3A_82 = vector.multi_reduction <add>, %mul3A_80, %reduce_sum3A_81 [0] : vector<32x256xf32> to vector<256xf32>
      %broadcast_in_dim3A_83 = vector.shape_cast %reduce_sum3A_82 : vector<256xf32> to vector<1x256xf32>
      %max3A = arith.constant 9.99999996E-13 : f32
      %max3A_84 = vector.broadcast %max3A : f32 to vector<1x256xf32>
      %max3A_85 = arith.maximumf %broadcast_in_dim3A_83, %max3A_84 : vector<1x256xf32>
      %rsqrt3A = math.rsqrt %max3A_85 : vector<1x256xf32>
      %mul3A_86 = vector.broadcast %rsqrt3A : vector<1x256xf32> to vector<32x256xf32>
      %mul3A_87 = arith.mulf %add3A_79, %mul3A_86 : vector<32x256xf32>
      %gt3A = arith.constant 5.000000e-01 : f32
      %gt3A_88 = vector.broadcast %gt3A : f32 to vector<1x256xf32>
      %gt3A_89 = arith.cmpf ogt, %concatenate3A_47, %gt3A_88 : vector<1x256xf32>
      %broadcast_in_dim3A_90 = vector.shape_cast %gt3A_89 : vector<1x256xi1> to vector<1x256xi1>
      %broadcast_in_dim3A_91 = vector.broadcast %broadcast_in_dim3A_90 : vector<1x256xi1> to vector<32x256xi1>
      %select_n3A = arith.select %broadcast_in_dim3A_91, %mul3A_87, %get3A_50 : vector<32x256xi1>, vector<32x256xf32>
      %swap3A_92 = arith.constant 0 : index
      %swap3A_93 = arith.constant 0 : index
      %swap3A_94 = vector.load %arg8[%swap3A_92, %swap3A_93] : memref<32x8192xf32, #tpu.memory_space<vmem>>, vector<32x256xf32>
      tpu.vector_store %arg8[%swap3A_92, %swap3A_93], %select_n3A {strides = array<i32>} : memref<32x8192xf32, #tpu.memory_space<vmem>>, vector<32x256xf32>,
      %get3A_95 = arith.constant 0 : index
      %get3A_96 = arith.constant 256 : index
      %get3A_97 = vector.load %arg8[%get3A_95, %get3A_96] : memref<32x8192xf32, #tpu.memory_space<vmem>>, vector<32x256xf32>
      %get3A_98 = arith.constant 0 : index
      %get3A_99 = arith.constant 0 : index
      %get3A_100 = arith.constant 256 : index
      %get3A_101 = vector.load %arg3[%get3A_98, %get3A_99, %get3A_100] : memref<1x32x8192xf32, #tpu.memory_space<vmem>>, vector<1x32x256xf32>
      %get3A_102 = vector.shape_cast %get3A_101 : vector<1x32x256xf32> to vector<32x256xf32>
      %add3A_103 = arith.addf %get3A_97, %get3A_102 : vector<32x256xf32>
      %mul3A_104 = arith.mulf %concatenate3A, %add3A_103 : vector<32x256xf32>
      %reduce_sum3A_105 = arith.constant dense<0.000000e+00> : vector<256xf32>
      %reduce_sum3A_106 = vector.multi_reduction <add>, %mul3A_104, %reduce_sum3A_105 [0] : vector<32x256xf32> to vector<256xf32>
      %broadcast_in_dim3A_107 = vector.shape_cast %reduce_sum3A_106 : vector<256xf32> to vector<1x256xf32>
      %mul3A_108 = arith.constant 5.000000e-01 : f32
      %mul3A_109 = vector.broadcast %mul3A_108 : f32 to vector<1x256xf32>
      %mul3A_110 = arith.mulf %mul3A_109, %broadcast_in_dim3A_107 : vector<1x256xf32>
      %tanh3A_111 = math.tanh %mul3A_110 : vector<1x256xf32>
      %mul3A_112 = arith.constant 2.500000e-01 : f32
      %mul3A_113 = vector.broadcast %mul3A_112 : f32 to vector<1x256xf32>
      %mul3A_114 = arith.mulf %mul3A_113, %tanh3A_111 : vector<1x256xf32>
      %add3A_115 = arith.constant 2.500000e-01 : f32
      %add3A_116 = vector.broadcast %add3A_115 : f32 to vector<1x256xf32>
      %add3A_117 = arith.addf %mul3A_114, %add3A_116 : vector<1x256xf32>
      %dot_general3A_118 = arith.constant dense<0.000000e+00> : vector<32x256xf32>
      %dot_general3A_119 = tpu.matmul %get3A_1, %get3A_97, %dot_general3A_118 {dimension_numbers = #tpu.dot_dimension_numbers<[1], [0], [0], [1], [0, 0, 1, 1], [], []>, transpose_lhs_hint = false} : vector<32x32xf32>, vector<32x256xf32>, vector<32x256xf32> -> vector<32x256xf32>
      %get3A_120 = arith.constant 0 : index
      %get3A_121 = arith.constant 256 : index
      %get3A_122 = vector.load %arg9[%get3A_120, %get3A_121] : memref<32x8192xf32, #tpu.memory_space<vmem>>, vector<32x256xf32>
      %add3A_123 = arith.addf %dot_general3A_119, %get3A_122 : vector<32x256xf32>
      %add3A_124 = arith.addf %add3A_123, %concatenate3A_46 : vector<32x256xf32>
      %tanh3A_125 = math.tanh %add3A_124 : vector<32x256xf32>
      %add3A_126 = arith.constant 1.000000e+00 : f32
      %add3A_127 = vector.broadcast %add3A_126 : f32 to vector<32x256xf32>
      %add3A_128 = arith.addf %tanh3A_125, %add3A_127 : vector<32x256xf32>
      %mul3A_129 = vector.broadcast %add3A_117 : vector<1x256xf32> to vector<32x256xf32>
      %mul3A_130 = arith.mulf %mul3A_129, %add3A_128 : vector<32x256xf32>
      %add3A_131 = arith.addf %get3A_97, %mul3A_130 : vector<32x256xf32>
      %mul3A_132 = arith.mulf %add3A_131, %add3A_131 : vector<32x256xf32>
      %reduce_sum3A_133 = arith.constant dense<0.000000e+00> : vector<256xf32>
      %reduce_sum3A_134 = vector.multi_reduction <add>, %mul3A_132, %reduce_sum3A_133 [0] : vector<32x256xf32> to vector<256xf32>
      %broadcast_in_dim3A_135 = vector.shape_cast %reduce_sum3A_134 : vector<256xf32> to vector<1x256xf32>
      %max3A_136 = arith.constant 9.99999996E-13 : f32
      %max3A_137 = vector.broadcast %max3A_136 : f32 to vector<1x256xf32>
      %max3A_138 = arith.maximumf %broadcast_in_dim3A_135, %max3A_137 : vector<1x256xf32>
      %rsqrt3A_139 = math.rsqrt %max3A_138 : vector<1x256xf32>
      %mul3A_140 = vector.broadcast %rsqrt3A_139 : vector<1x256xf32> to vector<32x256xf32>
      %mul3A_141 = arith.mulf %add3A_131, %mul3A_140 : vector<32x256xf32>
      %gt3A_142 = arith.constant 5.000000e-01 : f32
      %gt3A_143 = vector.broadcast %gt3A_142 : f32 to vector<1x256xf32>
      %gt3A_144 = arith.cmpf ogt, %concatenate3A_47, %gt3A_143 : vector<1x256xf32>
      %broadcast_in_dim3A_145 = vector.shape_cast %gt3A_144 : vector<1x256xi1> to vector<1x256xi1>
      %broadcast_in_dim3A_146 = vector.broadcast %broadcast_in_dim3A_145 : vector<1x256xi1> to vector<32x256xi1>
      %select_n3A_147 = arith.select %broadcast_in_dim3A_146, %mul3A_141, %get3A_97 : vector<32x256xi1>, vector<32x256xf32>
      %swap3A_148 = arith.constant 0 : index
      %swap3A_149 = arith.constant 256 : index
      %swap3A_150 = vector.load %arg8[%swap3A_148, %swap3A_149] : memref<32x8192xf32, #tpu.memory_space<vmem>>, vector<32x256xf32>
      tpu.vector_store %arg8[%swap3A_148, %swap3A_149], %select_n3A_147 {strides = array<i32>} : memref<32x8192xf32, #tpu.memory_space<vmem>>, vector<32x256xf32>,
      %get3A_151 = arith.constant 0 : index
      %get3A_152 = arith.constant 512 : index
      %get3A_153 = vector.load %arg8[%get3A_151, %get3A_152] : memref<32x8192xf32, #tpu.memory_space<vmem>>, vector<32x256xf32>
      %get3A_154 = arith.constant 0 : index
      %get3A_155 = arith.constant 0 : index
      %get3A_156 = arith.constant 512 : index
      %get3A_157 = vector.load %arg3[%get3A_154, %get3A_155, %get3A_156] : memref<1x32x8192xf32, #tpu.memory_space<vmem>>, vector<1x32x256xf32>
      %get3A_158 = vector.shape_cast %get3A_157 : vector<1x32x256xf32> to vector<32x256xf32>
      %add3A_159 = arith.addf %get3A_153, %get3A_158 : vector<32x256xf32>
      %mul3A_160 = arith.mulf %concatenate3A, %add3A_159 : vector<32x256xf32>
      %reduce_sum3A_161 = arith.constant dense<0.000000e+00> : vector<256xf32>
      %reduce_sum3A_162 = vector.multi_reduction <add>, %mul3A_160, %reduce_sum3A_161 [0] : vector<32x256xf32> to vector<256xf32>
      %broadcast_in_dim3A_163 = vector.shape_cast %reduce_sum3A_162 : vector<256xf32> to vector<1x256xf32>
      %mul3A_164 = arith.constant 5.000000e-01 : f32
      %mul3A_165 = vector.broadcast %mul3A_164 : f32 to vector<1x256xf32>
      %mul3A_166 = arith.mulf %mul3A_165, %broadcast_in_dim3A_163 : vector<1x256xf32>
      %tanh3A_167 = math.tanh %mul3A_166 : vector<1x256xf32>
      %mul3A_168 = arith.constant 2.500000e-01 : f32
      %mul3A_169 = vector.broadcast %mul3A_168 : f32 to vector<1x256xf32>
      %mul3A_170 = arith.mulf %mul3A_169, %tanh3A_167 : vector<1x256xf32>
      %add3A_171 = arith.constant 2.500000e-01 : f32
      %add3A_172 = vector.broadcast %add3A_171 : f32 to vector<1x256xf32>
      %add3A_173 = arith.addf %mul3A_170, %add3A_172 : vector<1x256xf32>
      %dot_general3A_174 = arith.constant dense<0.000000e+00> : vector<32x256xf32>
      %dot_general3A_175 = tpu.matmul %get3A_1, %get3A_153, %dot_general3A_174 {dimension_numbers = #tpu.dot_dimension_numbers<[1], [0], [0], [1], [0, 0, 1, 1], [], []>, transpose_lhs_hint = false} : vector<32x32xf32>, vector<32x256xf32>, vector<32x256xf32> -> vector<32x256xf32>
      %get3A_176 = arith.constant 0 : index
      %get3A_177 = arith.constant 512 : index
      %get3A_178 = vector.load %arg9[%get3A_176, %get3A_177] : memref<32x8192xf32, #tpu.memory_space<vmem>>, vector<32x256xf32>
      %add3A_179 = arith.addf %dot_general3A_175, %get3A_178 : vector<32x256xf32>
      %add3A_180 = arith.addf %add3A_179, %concatenate3A_46 : vector<32x256xf32>
      %tanh3A_181 = math.tanh %add3A_180 : vector<32x256xf32>
      %add3A_182 = arith.constant 1.000000e+00 : f32
      %add3A_183 = vector.broadcast %add3A_182 : f32 to vector<32x256xf32>
      %add3A_184 = arith.addf %tanh3A_181, %add3A_183 : vector<32x256xf32>
      %mul3A_185 = vector.broadcast %add3A_173 : vector<1x256xf32> to vector<32x256xf32>
      %mul3A_186 = arith.mulf %mul3A_185, %add3A_184 : vector<32x256xf32>
      %add3A_187 = arith.addf %get3A_153, %mul3A_186 : vector<32x256xf32>
      %mul3A_188 = arith.mulf %add3A_187, %add3A_187 : vector<32x256xf32>
      %reduce_sum3A_189 = arith.constant dense<0.000000e+00> : vector<256xf32>
      %reduce_sum3A_190 = vector.multi_reduction <add>, %mul3A_188, %reduce_sum3A_189 [0] : vector<32x256xf32> to vector<256xf32>
      %broadcast_in_dim3A_191 = vector.shape_cast %reduce_sum3A_190 : vector<256xf32> to vector<1x256xf32>
      %max3A_192 = arith.constant 9.99999996E-13 : f32
      %max3A_193 = vector.broadcast %max3A_192 : f32 to vector<1x256xf32>
      %max3A_194 = arith.maximumf %broadcast_in_dim3A_191, %max3A_193 : vector<1x256xf32>
      %rsqrt3A_195 = math.rsqrt %max3A_194 : vector<1x256xf32>
      %mul3A_196 = vector.broadcast %rsqrt3A_195 : vector<1x256xf32> to vector<32x256xf32>
      %mul3A_197 = arith.mulf %add3A_187, %mul3A_196 : vector<32x256xf32>
      %gt3A_198 = arith.constant 5.000000e-01 : f32
      %gt3A_199 = vector.broadcast %gt3A_198 : f32 to vector<1x256xf32>
      %gt3A_200 = arith.cmpf ogt, %concatenate3A_47, %gt3A_199 : vector<1x256xf32>
      %broadcast_in_dim3A_201 = vector.shape_cast %gt3A_200 : vector<1x256xi1> to vector<1x256xi1>
      %broadcast_in_dim3A_202 = vector.broadcast %broadcast_in_dim3A_201 : vector<1x256xi1> to vector<32x256xi1>
      %select_n3A_203 = arith.select %broadcast_in_dim3A_202, %mul3A_197, %get3A_153 : vector<32x256xi1>, vector<32x256xf32>
      %swap3A_204 = arith.constant 0 : index
      %swap3A_205 = arith.constant 512 : index
      %swap3A_206 = vector.load %arg8[%swap3A_204, %swap3A_205] : memref<32x8192xf32, #tpu.memory_space<vmem>>, vector<32x256xf32>
      tpu.vector_store %arg8[%swap3A_204, %swap3A_205], %select_n3A_203 {strides = array<i32>} : memref<32x8192xf32, #tpu.memory_space<vmem>>, vector<32x256xf32>,
      %get3A_207 = arith.constant 0 : index
      %get3A_208 = arith.constant 768 : index
      %get3A_209 = vector.load %arg8[%get3A_207, %get3A_208] : memref<32x8192xf32, #tpu.memory_space<vmem>>, vector<32x256xf32>
      %get3A_210 = arith.constant 0 : index
      %get3A_211 = arith.constant 0 : index
      %get3A_212 = arith.constant 768 : index
      %get3A_213 = vector.load %arg3[%get3A_210, %get3A_211, %get3A_212] : memref<1x32x8192xf32, #tpu.memory_space<vmem>>, vector<1x32x256xf32>
      %get3A_214 = vector.shape_cast %get3A_213 : vector<1x32x256xf32> to vector<32x256xf32>
      %add3A_215 = arith.addf %get3A_209, %get3A_214 : vector<32x256xf32>
      %mul3A_216 = arith.mulf %concatenate3A, %add3A_215 : vector<32x256xf32>
      %reduce_sum3A_217 = arith.constant dense<0.000000e+00> : vector<256xf32>
      %reduce_sum3A_218 = vector.multi_reduction <add>, %mul3A_216, %reduce_sum3A_217 [0] : vector<32x256xf32> to vector<256xf32>
      %broadcast_in_dim3A_219 = vector.shape_cast %reduce_sum3A_218 : vector<256xf32> to vector<1x256xf32>
      %mul3A_220 = arith.constant 5.000000e-01 : f32
      %mul3A_221 = vector.broadcast %mul3A_220 : f32 to vector<1x256xf32>
      %mul3A_222 = arith.mulf %mul3A_221, %broadcast_in_dim3A_219 : vector<1x256xf32>
      %tanh3A_223 = math.tanh %mul3A_222 : vector<1x256xf32>
      %mul3A_224 = arith.constant 2.500000e-01 : f32
      %mul3A_225 = vector.broadcast %mul3A_224 : f32 to vector<1x256xf32>
      %mul3A_226 = arith.mulf %mul3A_225, %tanh3A_223 : vector<1x256xf32>
      %add3A_227 = arith.constant 2.500000e-01 : f32
      %add3A_228 = vector.broadcast %add3A_227 : f32 to vector<1x256xf32>
      %add3A_229 = arith.addf %mul3A_226, %add3A_228 : vector<1x256xf32>
      %dot_general3A_230 = arith.constant dense<0.000000e+00> : vector<32x256xf32>
      %dot_general3A_231 = tpu.matmul %get3A_1, %get3A_209, %dot_general3A_230 {dimension_numbers = #tpu.dot_dimension_numbers<[1], [0], [0], [1], [0, 0, 1, 1], [], []>, transpose_lhs_hint = false} : vector<32x32xf32>, vector<32x256xf32>, vector<32x256xf32> -> vector<32x256xf32>
      %get3A_232 = arith.constant 0 : index
      %get3A_233 = arith.constant 768 : index
      %get3A_234 = vector.load %arg9[%get3A_232, %get3A_233] : memref<32x8192xf32, #tpu.memory_space<vmem>>, vector<32x256xf32>
      %add3A_235 = arith.addf %dot_general3A_231, %get3A_234 : vector<32x256xf32>
      %add3A_236 = arith.addf %add3A_235, %concatenate3A_46 : vector<32x256xf32>
      %tanh3A_237 = math.tanh %add3A_236 : vector<32x256xf32>
      %add3A_238 = arith.constant 1.000000e+00 : f32
      %add3A_239 = vector.broadcast %add3A_238 : f32 to vector<32x256xf32>
      %add3A_240 = arith.addf %tanh3A_237, %add3A_239 : vector<32x256xf32>
      %mul3A_241 = vector.broadcast %add3A_229 : vector<1x256xf32> to vector<32x256xf32>
      %mul3A_242 = arith.mulf %mul3A_241, %add3A_240 : vector<32x256xf32>
      %add3A_243 = arith.addf %get3A_209, %mul3A_242 : vector<32x256xf32>
      %mul3A_244 = arith.mulf %add3A_243, %add3A_243 : vector<32x256xf32>
      %reduce_sum3A_245 = arith.constant dense<0.000000e+00> : vector<256xf32>
      %reduce_sum3A_246 = vector.multi_reduction <add>, %mul3A_244, %reduce_sum3A_245 [0] : vector<32x256xf32> to vector<256xf32>
      %broadcast_in_dim3A_247 = vector.shape_cast %reduce_sum3A_246 : vector<256xf32> to vector<1x256xf32>
      %max3A_248 = arith.constant 9.99999996E-13 : f32
      %max3A_249 = vector.broadcast %max3A_248 : f32 to vector<1x256xf32>
      %max3A_250 = arith.maximumf %broadcast_in_dim3A_247, %max3A_249 : vector<1x256xf32>
      %rsqrt3A_251 = math.rsqrt %max3A_250 : vector<1x256xf32>
      %mul3A_252 = vector.broadcast %rsqrt3A_251 : vector<1x256xf32> to vector<32x256xf32>
      %mul3A_253 = arith.mulf %add3A_243, %mul3A_252 : vector<32x256xf32>
      %gt3A_254 = arith.constant 5.000000e-01 : f32
      %gt3A_255 = vector.broadcast %gt3A_254 : f32 to vector<1x256xf32>
      %gt3A_256 = arith.cmpf ogt, %concatenate3A_47, %gt3A_255 : vector<1x256xf32>
      %broadcast_in_dim3A_257 = vector.shape_cast %gt3A_256 : vector<1x256xi1> to vector<1x256xi1>
      %broadcast_in_dim3A_258 = vector.broadcast %broadcast_in_dim3A_257 : vector<1x256xi1> to vector<32x256xi1>
      %select_n3A_259 = arith.select %broadcast_in_dim3A_258, %mul3A_253, %get3A_209 : vector<32x256xi1>, vector<32x256xf32>
      %swap3A_260 = arith.constant 0 : index
      %swap3A_261 = arith.constant 768 : index
      %swap3A_262 = vector.load %arg8[%swap3A_260, %swap3A_261] : memref<32x8192xf32, #tpu.memory_space<vmem>>, vector<32x256xf32>
      tpu.vector_store %arg8[%swap3A_260, %swap3A_261], %select_n3A_259 {strides = array<i32>} : memref<32x8192xf32, #tpu.memory_space<vmem>>, vector<32x256xf32>,
      %get3A_263 = arith.constant 0 : index
      %get3A_264 = arith.constant 1024 : index
      %get3A_265 = vector.load %arg8[%get3A_263, %get3A_264] : memref<32x8192xf32, #tpu.memory_space<vmem>>, vector<32x256xf32>
      %get3A_266 = arith.constant 0 : index
      %get3A_267 = arith.constant 0 : index
      %get3A_268 = arith.constant 1024 : index
      %get3A_269 = vector.load %arg3[%get3A_266, %get3A_267, %get3A_268] : memref<1x32x8192xf32, #tpu.memory_space<vmem>>, vector<1x32x256xf32>
      %get3A_270 = vector.shape_cast %get3A_269 : vector<1x32x256xf32> to vector<32x256xf32>
      %add3A_271 = arith.addf %get3A_265, %get3A_270 : vector<32x256xf32>
      %mul3A_272 = arith.mulf %concatenate3A, %add3A_271 : vector<32x256xf32>
      %reduce_sum3A_273 = arith.constant dense<0.000000e+00> : vector<256xf32>
      %reduce_sum3A_274 = vector.multi_reduction <add>, %mul3A_272, %reduce_sum3A_273 [0] : vector<32x256xf32> to vector<256xf32>
      %broadcast_in_dim3A_275 = vector.shape_cast %reduce_sum3A_274 : vector<256xf32> to vector<1x256xf32>
      %mul3A_276 = arith.constant 5.000000e-01 : f32
      %mul3A_277 = vector.broadcast %mul3A_276 : f32 to vector<1x256xf32>
      %mul3A_278 = arith.mulf %mul3A_277, %broadcast_in_dim3A_275 : vector<1x256xf32>
      %tanh3A_279 = math.tanh %mul3A_278 : vector<1x256xf32>
      %mul3A_280 = arith.constant 2.500000e-01 : f32
      %mul3A_281 = vector.broadcast %mul3A_280 : f32 to vector<1x256xf32>
      %mul3A_282 = arith.mulf %mul3A_281, %tanh3A_279 : vector<1x256xf32>
      %add3A_283 = arith.constant 2.500000e-01 : f32
      %add3A_284 = vector.broadcast %add3A_283 : f32 to vector<1x256xf32>
      %add3A_285 = arith.addf %mul3A_282, %add3A_284 : vector<1x256xf32>
      %dot_general3A_286 = arith.constant dense<0.000000e+00> : vector<32x256xf32>
      %dot_general3A_287 = tpu.matmul %get3A_1, %get3A_265, %dot_general3A_286 {dimension_numbers = #tpu.dot_dimension_numbers<[1], [0], [0], [1], [0, 0, 1, 1], [], []>, transpose_lhs_hint = false} : vector<32x32xf32>, vector<32x256xf32>, vector<32x256xf32> -> vector<32x256xf32>
      %get3A_288 = arith.constant 0 : index
      %get3A_289 = arith.constant 1024 : index
      %get3A_290 = vector.load %arg9[%get3A_288, %get3A_289] : memref<32x8192xf32, #tpu.memory_space<vmem>>, vector<32x256xf32>
      %add3A_291 = arith.addf %dot_general3A_287, %get3A_290 : vector<32x256xf32>
      %add3A_292 = arith.addf %add3A_291, %concatenate3A_46 : vector<32x256xf32>
      %tanh3A_293 = math.tanh %add3A_292 : vector<32x256xf32>
      %add3A_294 = arith.constant 1.000000e+00 : f32
      %add3A_295 = vector.broadcast %add3A_294 : f32 to vector<32x256xf32>
      %add3A_296 = arith.addf %tanh3A_293, %add3A_295 : vector<32x256xf32>
      %mul3A_297 = vector.broadcast %add3A_285 : vector<1x256xf32> to vector<32x256xf32>
      %mul3A_298 = arith.mulf %mul3A_297, %add3A_296 : vector<32x256xf32>
      %add3A_299 = arith.addf %get3A_265, %mul3A_298 : vector<32x256xf32>
      %mul3A_300 = arith.mulf %add3A_299, %add3A_299 : vector<32x256xf32>
      %reduce_sum3A_301 = arith.constant dense<0.000000e+00> : vector<256xf32>
      %reduce_sum3A_302 = vector.multi_reduction <add>, %mul3A_300, %reduce_sum3A_301 [0] : vector<32x256xf32> to vector<256xf32>
      %broadcast_in_dim3A_303 = vector.shape_cast %reduce_sum3A_302 : vector<256xf32> to vector<1x256xf32>
      %max3A_304 = arith.constant 9.99999996E-13 : f32
      %max3A_305 = vector.broadcast %max3A_304 : f32 to vector<1x256xf32>
      %max3A_306 = arith.maximumf %broadcast_in_dim3A_303, %max3A_305 : vector<1x256xf32>
      %rsqrt3A_307 = math.rsqrt %max3A_306 : vector<1x256xf32>
      %mul3A_308 = vector.broadcast %rsqrt3A_307 : vector<1x256xf32> to vector<32x256xf32>
      %mul3A_309 = arith.mulf %add3A_299, %mul3A_308 : vector<32x256xf32>
      %gt3A_310 = arith.constant 5.000000e-01 : f32
      %gt3A_311 = vector.broadcast %gt3A_310 : f32 to vector<1x256xf32>
      %gt3A_312 = arith.cmpf ogt, %concatenate3A_47, %gt3A_311 : vector<1x256xf32>
      %broadcast_in_dim3A_313 = vector.shape_cast %gt3A_312 : vector<1x256xi1> to vector<1x256xi1>
      %broadcast_in_dim3A_314 = vector.broadcast %broadcast_in_dim3A_313 : vector<1x256xi1> to vector<32x256xi1>
      %select_n3A_315 = arith.select %broadcast_in_dim3A_314, %mul3A_309, %get3A_265 : vector<32x256xi1>, vector<32x256xf32>
      %swap3A_316 = arith.constant 0 : index
      %swap3A_317 = arith.constant 1024 : index
      %swap3A_318 = vector.load %arg8[%swap3A_316, %swap3A_317] : memref<32x8192xf32, #tpu.memory_space<vmem>>, vector<32x256xf32>
      tpu.vector_store %arg8[%swap3A_316, %swap3A_317], %select_n3A_315 {strides = array<i32>} : memref<32x8192xf32, #tpu.memory_space<vmem>>, vector<32x256xf32>,
      %get3A_319 = arith.constant 0 : index
      %get3A_320 = arith.constant 1280 : index
      %get3A_321 = vector.load %arg8[%get3A_319, %get3A_320] : memref<32x8192xf32, #tpu.memory_space<vmem>>, vector<32x256xf32>
      %get3A_322 = arith.constant 0 : index
      %get3A_323 = arith.constant 0 : index
      %get3A_324 = arith.constant 1280 : index
      %get3A_325 = vector.load %arg3[%get3A_322, %get3A_323, %get3A_324] : memref<1x32x8192xf32, #tpu.memory_space<vmem>>, vector<1x32x256xf32>
      %get3A_326 = vector.shape_cast %get3A_325 : vector<1x32x256xf32> to vector<32x256xf32>
      %add3A_327 = arith.addf %get3A_321, %get3A_326 : vector<32x256xf32>
      %mul3A_328 = arith.mulf %concatenate3A, %add3A_327 : vector<32x256xf32>
      %reduce_sum3A_329 = arith.constant dense<0.000000e+00> : vector<256xf32>
      %reduce_sum3A_330 = vector.multi_reduction <add>, %mul3A_328, %reduce_sum3A_329 [0] : vector<32x256xf32> to vector<256xf32>
      %broadcast_in_dim3A_331 = vector.shape_cast %reduce_sum3A_330 : vector<256xf32> to vector<1x256xf32>
      %mul3A_332 = arith.constant 5.000000e-01 : f32
      %mul3A_333 = vector.broadcast %mul3A_332 : f32 to vector<1x256xf32>
      %mul3A_334 = arith.mulf %mul3A_333, %broadcast_in_dim3A_331 : vector<1x256xf32>
      %tanh3A_335 = math.tanh %mul3A_334 : vector<1x256xf32>
      %mul3A_336 = arith.constant 2.500000e-01 : f32
      %mul3A_337 = vector.broadcast %mul3A_336 : f32 to vector<1x256xf32>
      %mul3A_338 = arith.mulf %mul3A_337, %tanh3A_335 : vector<1x256xf32>
      %add3A_339 = arith.constant 2.500000e-01 : f32
      %add3A_340 = vector.broadcast %add3A_339 : f32 to vector<1x256xf32>
      %add3A_341 = arith.addf %mul3A_338, %add3A_340 : vector<1x256xf32>
      %dot_general3A_342 = arith.constant dense<0.000000e+00> : vector<32x256xf32>
      %dot_general3A_343 = tpu.matmul %get3A_1, %get3A_321, %dot_general3A_342 {dimension_numbers = #tpu.dot_dimension_numbers<[1], [0], [0], [1], [0, 0, 1, 1], [], []>, transpose_lhs_hint = false} : vector<32x32xf32>, vector<32x256xf32>, vector<32x256xf32> -> vector<32x256xf32>
      %get3A_344 = arith.constant 0 : index
      %get3A_345 = arith.constant 1280 : index
      %get3A_346 = vector.load %arg9[%get3A_344, %get3A_345] : memref<32x8192xf32, #tpu.memory_space<vmem>>, vector<32x256xf32>
      %add3A_347 = arith.addf %dot_general3A_343, %get3A_346 : vector<32x256xf32>
      %add3A_348 = arith.addf %add3A_347, %concatenate3A_46 : vector<32x256xf32>
      %tanh3A_349 = math.tanh %add3A_348 : vector<32x256xf32>
      %add3A_350 = arith.constant 1.000000e+00 : f32
      %add3A_351 = vector.broadcast %add3A_350 : f32 to vector<32x256xf32>
      %add3A_352 = arith.addf %tanh3A_349, %add3A_351 : vector<32x256xf32>
      %mul3A_353 = vector.broadcast %add3A_341 : vector<1x256xf32> to vector<32x256xf32>
      %mul3A_354 = arith.mulf %mul3A_353, %add3A_352 : vector<32x256xf32>
      %add3A_355 = arith.addf %get3A_321, %mul3A_354 : vector<32x256xf32>
      %mul3A_356 = arith.mulf %add3A_355, %add3A_355 : vector<32x256xf32>
      %reduce_sum3A_357 = arith.constant dense<0.000000e+00> : vector<256xf32>
      %reduce_sum3A_358 = vector.multi_reduction <add>, %mul3A_356, %reduce_sum3A_357 [0] : vector<32x256xf32> to vector<256xf32>
      %broadcast_in_dim3A_359 = vector.shape_cast %reduce_sum3A_358 : vector<256xf32> to vector<1x256xf32>
      %max3A_360 = arith.constant 9.99999996E-13 : f32
      %max3A_361 = vector.broadcast %max3A_360 : f32 to vector<1x256xf32>
      %max3A_362 = arith.maximumf %broadcast_in_dim3A_359, %max3A_361 : vector<1x256xf32>
      %rsqrt3A_363 = math.rsqrt %max3A_362 : vector<1x256xf32>
      %mul3A_364 = vector.broadcast %rsqrt3A_363 : vector<1x256xf32> to vector<32x256xf32>
      %mul3A_365 = arith.mulf %add3A_355, %mul3A_364 : vector<32x256xf32>
      %gt3A_366 = arith.constant 5.000000e-01 : f32
      %gt3A_367 = vector.broadcast %gt3A_366 : f32 to vector<1x256xf32>
      %gt3A_368 = arith.cmpf ogt, %concatenate3A_47, %gt3A_367 : vector<1x256xf32>
      %broadcast_in_dim3A_369 = vector.shape_cast %gt3A_368 : vector<1x256xi1> to vector<1x256xi1>
      %broadcast_in_dim3A_370 = vector.broadcast %broadcast_in_dim3A_369 : vector<1x256xi1> to vector<32x256xi1>
      %select_n3A_371 = arith.select %broadcast_in_dim3A_370, %mul3A_365, %get3A_321 : vector<32x256xi1>, vector<32x256xf32>
      %swap3A_372 = arith.constant 0 : index
      %swap3A_373 = arith.constant 1280 : index
      %swap3A_374 = vector.load %arg8[%swap3A_372, %swap3A_373] : memref<32x8192xf32, #tpu.memory_space<vmem>>, vector<32x256xf32>
      tpu.vector_store %arg8[%swap3A_372, %swap3A_373], %select_n3A_371 {strides = array<i32>} : memref<32x8192xf32, #tpu.memory_space<vmem>>, vector<32x256xf32>,
      %get3A_375 = arith.constant 0 : index
      %get3A_376 = arith.constant 1536 : index
      %get3A_377 = vector.load %arg8[%get3A_375, %get3A_376] : memref<32x8192xf32, #tpu.memory_space<vmem>>, vector<32x256xf32>
      %get3A_378 = arith.constant 0 : index
      %get3A_379 = arith.constant 0 : index
      %get3A_380 = arith.constant 1536 : index
      %get3A_381 = vector.load %arg3[%get3A_378, %get3A_379, %get3A_380] : memref<1x32x8192xf32, #tpu.memory_space<vmem>>, vector<1x32x256xf32>
      %get3A_382 = vector.shape_cast %get3A_381 : vector<1x32x256xf32> to vector<32x256xf32>
      %add3A_383 = arith.addf %get3A_377, %get3A_382 : vector<32x256xf32>
      %mul3A_384 = arith.mulf %concatenate3A, %add3A_383 : vector<32x256xf32>
      %reduce_sum3A_385 = arith.constant dense<0.000000e+00> : vector<256xf32>
      %reduce_sum3A_386 = vector.multi_reduction <add>, %mul3A_384, %reduce_sum3A_385 [0] : vector<32x256xf32> to vector<256xf32>
      %broadcast_in_dim3A_387 = vector.shape_cast %reduce_sum3A_386 : vector<256xf32> to vector<1x256xf32>
      %mul3A_388 = arith.constant 5.000000e-01 : f32
      %mul3A_389 = vector.broadcast %mul3A_388 : f32 to vector<1x256xf32>
      %mul3A_390 = arith.mulf %mul3A_389, %broadcast_in_dim3A_387 : vector<1x256xf32>
      %tanh3A_391 = math.tanh %mul3A_390 : vector<1x256xf32>
      %mul3A_392 = arith.constant 2.500000e-01 : f32
      %mul3A_393 = vector.broadcast %mul3A_392 : f32 to vector<1x256xf32>
      %mul3A_394 = arith.mulf %mul3A_393, %tanh3A_391 : vector<1x256xf32>
      %add3A_395 = arith.constant 2.500000e-01 : f32
      %add3A_396 = vector.broadcast %add3A_395 : f32 to vector<1x256xf32>
      %add3A_397 = arith.addf %mul3A_394, %add3A_396 : vector<1x256xf32>
      %dot_general3A_398 = arith.constant dense<0.000000e+00> : vector<32x256xf32>
      %dot_general3A_399 = tpu.matmul %get3A_1, %get3A_377, %dot_general3A_398 {dimension_numbers = #tpu.dot_dimension_numbers<[1], [0], [0], [1], [0, 0, 1, 1], [], []>, transpose_lhs_hint = false} : vector<32x32xf32>, vector<32x256xf32>, vector<32x256xf32> -> vector<32x256xf32>
      %get3A_400 = arith.constant 0 : index
      %get3A_401 = arith.constant 1536 : index
      %get3A_402 = vector.load %arg9[%get3A_400, %get3A_401] : memref<32x8192xf32, #tpu.memory_space<vmem>>, vector<32x256xf32>
      %add3A_403 = arith.addf %dot_general3A_399, %get3A_402 : vector<32x256xf32>
      %add3A_404 = arith.addf %add3A_403, %concatenate3A_46 : vector<32x256xf32>
      %tanh3A_405 = math.tanh %add3A_404 : vector<32x256xf32>
      %add3A_406 = arith.constant 1.000000e+00 : f32
      %add3A_407 = vector.broadcast %add3A_406 : f32 to vector<32x256xf32>
      %add3A_408 = arith.addf %tanh3A_405, %add3A_407 : vector<32x256xf32>
      %mul3A_409 = vector.broadcast %add3A_397 : vector<1x256xf32> to vector<32x256xf32>
      %mul3A_410 = arith.mulf %mul3A_409, %add3A_408 : vector<32x256xf32>
      %add3A_411 = arith.addf %get3A_377, %mul3A_410 : vector<32x256xf32>
      %mul3A_412 = arith.mulf %add3A_411, %add3A_411 : vector<32x256xf32>
      %reduce_sum3A_413 = arith.constant dense<0.000000e+00> : vector<256xf32>
      %reduce_sum3A_414 = vector.multi_reduction <add>, %mul3A_412, %reduce_sum3A_413 [0] : vector<32x256xf32> to vector<256xf32>
      %broadcast_in_dim3A_415 = vector.shape_cast %reduce_sum3A_414 : vector<256xf32> to vector<1x256xf32>
      %max3A_416 = arith.constant 9.99999996E-13 : f32
      %max3A_417 = vector.broadcast %max3A_416 : f32 to vector<1x256xf32>
      %max3A_418 = arith.maximumf %broadcast_in_dim3A_415, %max3A_417 : vector<1x256xf32>
      %rsqrt3A_419 = math.rsqrt %max3A_418 : vector<1x256xf32>
      %mul3A_420 = vector.broadcast %rsqrt3A_419 : vector<1x256xf32> to vector<32x256xf32>
      %mul3A_421 = arith.mulf %add3A_411, %mul3A_420 : vector<32x256xf32>
      %gt3A_422 = arith.constant 5.000000e-01 : f32
      %gt3A_423 = vector.broadcast %gt3A_422 : f32 to vector<1x256xf32>
      %gt3A_424 = arith.cmpf ogt, %concatenate3A_47, %gt3A_423 : vector<1x256xf32>
      %broadcast_in_dim3A_425 = vector.shape_cast %gt3A_424 : vector<1x256xi1> to vector<1x256xi1>
      %broadcast_in_dim3A_426 = vector.broadcast %broadcast_in_dim3A_425 : vector<1x256xi1> to vector<32x256xi1>
      %select_n3A_427 = arith.select %broadcast_in_dim3A_426, %mul3A_421, %get3A_377 : vector<32x256xi1>, vector<32x256xf32>
      %swap3A_428 = arith.constant 0 : index
      %swap3A_429 = arith.constant 1536 : index
      %swap3A_430 = vector.load %arg8[%swap3A_428, %swap3A_429] : memref<32x8192xf32, #tpu.memory_space<vmem>>, vector<32x256xf32>
      tpu.vector_store %arg8[%swap3A_428, %swap3A_429], %select_n3A_427 {strides = array<i32>} : memref<32x8192xf32, #tpu.memory_space<vmem>>, vector<32x256xf32>,
      %get3A_431 = arith.constant 0 : index
      %get3A_432 = arith.constant 1792 : index
      %get3A_433 = vector.load %arg8[%get3A_431, %get3A_432] : memref<32x8192xf32, #tpu.memory_space<vmem>>, vector<32x256xf32>
      %get3A_434 = arith.constant 0 : index
      %get3A_435 = arith.constant 0 : index
      %get3A_436 = arith.constant 1792 : index
      %get3A_437 = vector.load %arg3[%get3A_434, %get3A_435, %get3A_436] : memref<1x32x8192xf32, #tpu.memory_space<vmem>>, vector<1x32x256xf32>
      %get3A_438 = vector.shape_cast %get3A_437 : vector<1x32x256xf32> to vector<32x256xf32>
      %add3A_439 = arith.addf %get3A_433, %get3A_438 : vector<32x256xf32>
      %mul3A_440 = arith.mulf %concatenate3A, %add3A_439 : vector<32x256xf32>
      %reduce_sum3A_441 = arith.constant dense<0.000000e+00> : vector<256xf32>
      %reduce_sum3A_442 = vector.multi_reduction <add>, %mul3A_440, %reduce_sum3A_441 [0] : vector<32x256xf32> to vector<256xf32>
      %broadcast_in_dim3A_443 = vector.shape_cast %reduce_sum3A_442 : vector<256xf32> to vector<1x256xf32>
      %mul3A_444 = arith.constant 5.000000e-01 : f32
      %mul3A_445 = vector.broadcast %mul3A_444 : f32 to vector<1x256xf32>
      %mul3A_446 = arith.mulf %mul3A_445, %broadcast_in_dim3A_443 : vector<1x256xf32>
      %tanh3A_447 = math.tanh %mul3A_446 : vector<1x256xf32>
      %mul3A_448 = arith.constant 2.500000e-01 : f32
      %mul3A_449 = vector.broadcast %mul3A_448 : f32 to vector<1x256xf32>
      %mul3A_450 = arith.mulf %mul3A_449, %tanh3A_447 : vector<1x256xf32>
      %add3A_451 = arith.constant 2.500000e-01 : f32
      %add3A_452 = vector.broadcast %add3A_451 : f32 to vector<1x256xf32>
      %add3A_453 = arith.addf %mul3A_450, %add3A_452 : vector<1x256xf32>
      %dot_general3A_454 = arith.constant dense<0.000000e+00> : vector<32x256xf32>
      %dot_general3A_455 = tpu.matmul %get3A_1, %get3A_433, %dot_general3A_454 {dimension_numbers = #tpu.dot_dimension_numbers<[1], [0], [0], [1], [0, 0, 1, 1], [], []>, transpose_lhs_hint = false} : vector<32x32xf32>, vector<32x256xf32>, vector<32x256xf32> -> vector<32x256xf32>
      %get3A_456 = arith.constant 0 : index
      %get3A_457 = arith.constant 1792 : index
      %get3A_458 = vector.load %arg9[%get3A_456, %get3A_457] : memref<32x8192xf32, #tpu.memory_space<vmem>>, vector<32x256xf32>
      %add3A_459 = arith.addf %dot_general3A_455, %get3A_458 : vector<32x256xf32>
      %add3A_460 = arith.addf %add3A_459, %concatenate3A_46 : vector<32x256xf32>
      %tanh3A_461 = math.tanh %add3A_460 : vector<32x256xf32>
      %add3A_462 = arith.constant 1.000000e+00 : f32
      %add3A_463 = vector.broadcast %add3A_462 : f32 to vector<32x256xf32>
      %add3A_464 = arith.addf %tanh3A_461, %add3A_463 : vector<32x256xf32>
      %mul3A_465 = vector.broadcast %add3A_453 : vector<1x256xf32> to vector<32x256xf32>
      %mul3A_466 = arith.mulf %mul3A_465, %add3A_464 : vector<32x256xf32>
      %add3A_467 = arith.addf %get3A_433, %mul3A_466 : vector<32x256xf32>
      %mul3A_468 = arith.mulf %add3A_467, %add3A_467 : vector<32x256xf32>
      %reduce_sum3A_469 = arith.constant dense<0.000000e+00> : vector<256xf32>
      %reduce_sum3A_470 = vector.multi_reduction <add>, %mul3A_468, %reduce_sum3A_469 [0] : vector<32x256xf32> to vector<256xf32>
      %broadcast_in_dim3A_471 = vector.shape_cast %reduce_sum3A_470 : vector<256xf32> to vector<1x256xf32>
      %max3A_472 = arith.constant 9.99999996E-13 : f32
      %max3A_473 = vector.broadcast %max3A_472 : f32 to vector<1x256xf32>
      %max3A_474 = arith.maximumf %broadcast_in_dim3A_471, %max3A_473 : vector<1x256xf32>
      %rsqrt3A_475 = math.rsqrt %max3A_474 : vector<1x256xf32>
      %mul3A_476 = vector.broadcast %rsqrt3A_475 : vector<1x256xf32> to vector<32x256xf32>
      %mul3A_477 = arith.mulf %add3A_467, %mul3A_476 : vector<32x256xf32>
      %gt3A_478 = arith.constant 5.000000e-01 : f32
      %gt3A_479 = vector.broadcast %gt3A_478 : f32 to vector<1x256xf32>
      %gt3A_480 = arith.cmpf ogt, %concatenate3A_47, %gt3A_479 : vector<1x256xf32>
      %broadcast_in_dim3A_481 = vector.shape_cast %gt3A_480 : vector<1x256xi1> to vector<1x256xi1>
      %broadcast_in_dim3A_482 = vector.broadcast %broadcast_in_dim3A_481 : vector<1x256xi1> to vector<32x256xi1>
      %select_n3A_483 = arith.select %broadcast_in_dim3A_482, %mul3A_477, %get3A_433 : vector<32x256xi1>, vector<32x256xf32>
      %swap3A_484 = arith.constant 0 : index
      %swap3A_485 = arith.constant 1792 : index
      %swap3A_486 = vector.load %arg8[%swap3A_484, %swap3A_485] : memref<32x8192xf32, #tpu.memory_space<vmem>>, vector<32x256xf32>
      tpu.vector_store %arg8[%swap3A_484, %swap3A_485], %select_n3A_483 {strides = array<i32>} : memref<32x8192xf32, #tpu.memory_space<vmem>>, vector<32x256xf32>,
      %get3A_487 = arith.constant 0 : index
      %get3A_488 = arith.constant 2048 : index
      %get3A_489 = vector.load %arg8[%get3A_487, %get3A_488] : memref<32x8192xf32, #tpu.memory_space<vmem>>, vector<32x256xf32>
      %get3A_490 = arith.constant 0 : index
      %get3A_491 = arith.constant 0 : index
      %get3A_492 = arith.constant 2048 : index
      %get3A_493 = vector.load %arg3[%get3A_490, %get3A_491, %get3A_492] : memref<1x32x8192xf32, #tpu.memory_space<vmem>>, vector<1x32x256xf32>
      %get3A_494 = vector.shape_cast %get3A_493 : vector<1x32x256xf32> to vector<32x256xf32>
      %add3A_495 = arith.addf %get3A_489, %get3A_494 : vector<32x256xf32>
      %mul3A_496 = arith.mulf %concatenate3A, %add3A_495 : vector<32x256xf32>
      %reduce_sum3A_497 = arith.constant dense<0.000000e+00> : vector<256xf32>
      %reduce_sum3A_498 = vector.multi_reduction <add>, %mul3A_496, %reduce_sum3A_497 [0] : vector<32x256xf32> to vector<256xf32>
      %broadcast_in_dim3A_499 = vector.shape_cast %reduce_sum3A_498 : vector<256xf32> to vector<1x256xf32>
      %mul3A_500 = arith.constant 5.000000e-01 : f32
      %mul3A_501 = vector.broadcast %mul3A_500 : f32 to vector<1x256xf32>
      %mul3A_502 = arith.mulf %mul3A_501, %broadcast_in_dim3A_499 : vector<1x256xf32>
      %tanh3A_503 = math.tanh %mul3A_502 : vector<1x256xf32>
      %mul3A_504 = arith.constant 2.500000e-01 : f32
      %mul3A_505 = vector.broadcast %mul3A_504 : f32 to vector<1x256xf32>
      %mul3A_506 = arith.mulf %mul3A_505, %tanh3A_503 : vector<1x256xf32>
      %add3A_507 = arith.constant 2.500000e-01 : f32
      %add3A_508 = vector.broadcast %add3A_507 : f32 to vector<1x256xf32>
      %add3A_509 = arith.addf %mul3A_506, %add3A_508 : vector<1x256xf32>
      %dot_general3A_510 = arith.constant dense<0.000000e+00> : vector<32x256xf32>
      %dot_general3A_511 = tpu.matmul %get3A_1, %get3A_489, %dot_general3A_510 {dimension_numbers = #tpu.dot_dimension_numbers<[1], [0], [0], [1], [0, 0, 1, 1], [], []>, transpose_lhs_hint = false} : vector<32x32xf32>, vector<32x256xf32>, vector<32x256xf32> -> vector<32x256xf32>
      %get3A_512 = arith.constant 0 : index
      %get3A_513 = arith.constant 2048 : index
      %get3A_514 = vector.load %arg9[%get3A_512, %get3A_513] : memref<32x8192xf32, #tpu.memory_space<vmem>>, vector<32x256xf32>
      %add3A_515 = arith.addf %dot_general3A_511, %get3A_514 : vector<32x256xf32>
      %add3A_516 = arith.addf %add3A_515, %concatenate3A_46 : vector<32x256xf32>
      %tanh3A_517 = math.tanh %add3A_516 : vector<32x256xf32>
      %add3A_518 = arith.constant 1.000000e+00 : f32
      %add3A_519 = vector.broadcast %add3A_518 : f32 to vector<32x256xf32>
      %add3A_520 = arith.addf %tanh3A_517, %add3A_519 : vector<32x256xf32>
      %mul3A_521 = vector.broadcast %add3A_509 : vector<1x256xf32> to vector<32x256xf32>
      %mul3A_522 = arith.mulf %mul3A_521, %add3A_520 : vector<32x256xf32>
      %add3A_523 = arith.addf %get3A_489, %mul3A_522 : vector<32x256xf32>
      %mul3A_524 = arith.mulf %add3A_523, %add3A_523 : vector<32x256xf32>
      %reduce_sum3A_525 = arith.constant dense<0.000000e+00> : vector<256xf32>
      %reduce_sum3A_526 = vector.multi_reduction <add>, %mul3A_524, %reduce_sum3A_525 [0] : vector<32x256xf32> to vector<256xf32>
      %broadcast_in_dim3A_527 = vector.shape_cast %reduce_sum3A_526 : vector<256xf32> to vector<1x256xf32>
      %max3A_528 = arith.constant 9.99999996E-13 : f32
      %max3A_529 = vector.broadcast %max3A_528 : f32 to vector<1x256xf32>
      %max3A_530 = arith.maximumf %broadcast_in_dim3A_527, %max3A_529 : vector<1x256xf32>
      %rsqrt3A_531 = math.rsqrt %max3A_530 : vector<1x256xf32>
      %mul3A_532 = vector.broadcast %rsqrt3A_531 : vector<1x256xf32> to vector<32x256xf32>
      %mul3A_533 = arith.mulf %add3A_523, %mul3A_532 : vector<32x256xf32>
      %gt3A_534 = arith.constant 5.000000e-01 : f32
      %gt3A_535 = vector.broadcast %gt3A_534 : f32 to vector<1x256xf32>
      %gt3A_536 = arith.cmpf ogt, %concatenate3A_47, %gt3A_535 : vector<1x256xf32>
      %broadcast_in_dim3A_537 = vector.shape_cast %gt3A_536 : vector<1x256xi1> to vector<1x256xi1>
      %broadcast_in_dim3A_538 = vector.broadcast %broadcast_in_dim3A_537 : vector<1x256xi1> to vector<32x256xi1>
      %select_n3A_539 = arith.select %broadcast_in_dim3A_538, %mul3A_533, %get3A_489 : vector<32x256xi1>, vector<32x256xf32>
      %swap3A_540 = arith.constant 0 : index
      %swap3A_541 = arith.constant 2048 : index
      %swap3A_542 = vector.load %arg8[%swap3A_540, %swap3A_541] : memref<32x8192xf32, #tpu.memory_space<vmem>>, vector<32x256xf32>
      tpu.vector_store %arg8[%swap3A_540, %swap3A_541], %select_n3A_539 {strides = array<i32>} : memref<32x8192xf32, #tpu.memory_space<vmem>>, vector<32x256xf32>,
      %get3A_543 = arith.constant 0 : index
      %get3A_544 = arith.constant 2304 : index
      %get3A_545 = vector.load %arg8[%get3A_543, %get3A_544] : memref<32x8192xf32, #tpu.memory_space<vmem>>, vector<32x256xf32>
      %get3A_546 = arith.constant 0 : index
      %get3A_547 = arith.constant 0 : index
      %get3A_548 = arith.constant 2304 : index
      %get3A_549 = vector.load %arg3[%get3A_546, %get3A_547, %get3A_548] : memref<1x32x8192xf32, #tpu.memory_space<vmem>>, vector<1x32x256xf32>
      %get3A_550 = vector.shape_cast %get3A_549 : vector<1x32x256xf32> to vector<32x256xf32>
      %add3A_551 = arith.addf %get3A_545, %get3A_550 : vector<32x256xf32>
      %mul3A_552 = arith.mulf %concatenate3A, %add3A_551 : vector<32x256xf32>
      %reduce_sum3A_553 = arith.constant dense<0.000000e+00> : vector<256xf32>
      %reduce_sum3A_554 = vector.multi_reduction <add>, %mul3A_552, %reduce_sum3A_553 [0] : vector<32x256xf32> to vector<256xf32>
      %broadcast_in_dim3A_555 = vector.shape_cast %reduce_sum3A_554 : vector<256xf32> to vector<1x256xf32>
      %mul3A_556 = arith.constant 5.000000e-01 : f32
      %mul3A_557 = vector.broadcast %mul3A_556 : f32 to vector<1x256xf32>
      %mul3A_558 = arith.mulf %mul3A_557, %broadcast_in_dim3A_555 : vector<1x256xf32>
      %tanh3A_559 = math.tanh %mul3A_558 : vector<1x256xf32>
      %mul3A_560 = arith.constant 2.500000e-01 : f32
      %mul3A_561 = vector.broadcast %mul3A_560 : f32 to vector<1x256xf32>
      %mul3A_562 = arith.mulf %mul3A_561, %tanh3A_559 : vector<1x256xf32>
      %add3A_563 = arith.constant 2.500000e-01 : f32
      %add3A_564 = vector.broadcast %add3A_563 : f32 to vector<1x256xf32>
      %add3A_565 = arith.addf %mul3A_562, %add3A_564 : vector<1x256xf32>
      %dot_general3A_566 = arith.constant dense<0.000000e+00> : vector<32x256xf32>
      %dot_general3A_567 = tpu.matmul %get3A_1, %get3A_545, %dot_general3A_566 {dimension_numbers = #tpu.dot_dimension_numbers<[1], [0], [0], [1], [0, 0, 1, 1], [], []>, transpose_lhs_hint = false} : vector<32x32xf32>, vector<32x256xf32>, vector<32x256xf32> -> vector<32x256xf32>
      %get3A_568 = arith.constant 0 : index
      %get3A_569 = arith.constant 2304 : index
      %get3A_570 = vector.load %arg9[%get3A_568, %get3A_569] : memref<32x8192xf32, #tpu.memory_space<vmem>>, vector<32x256xf32>
      %add3A_571 = arith.addf %dot_general3A_567, %get3A_570 : vector<32x256xf32>
      %add3A_572 = arith.addf %add3A_571, %concatenate3A_46 : vector<32x256xf32>
      %tanh3A_573 = math.tanh %add3A_572 : vector<32x256xf32>
      %add3A_574 = arith.constant 1.000000e+00 : f32
      %add3A_575 = vector.broadcast %add3A_574 : f32 to vector<32x256xf32>
      %add3A_576 = arith.addf %tanh3A_573, %add3A_575 : vector<32x256xf32>
      %mul3A_577 = vector.broadcast %add3A_565 : vector<1x256xf32> to vector<32x256xf32>
      %mul3A_578 = arith.mulf %mul3A_577, %add3A_576 : vector<32x256xf32>
      %add3A_579 = arith.addf %get3A_545, %mul3A_578 : vector<32x256xf32>
      %mul3A_580 = arith.mulf %add3A_579, %add3A_579 : vector<32x256xf32>
      %reduce_sum3A_581 = arith.constant dense<0.000000e+00> : vector<256xf32>
      %reduce_sum3A_582 = vector.multi_reduction <add>, %mul3A_580, %reduce_sum3A_581 [0] : vector<32x256xf32> to vector<256xf32>
      %broadcast_in_dim3A_583 = vector.shape_cast %reduce_sum3A_582 : vector<256xf32> to vector<1x256xf32>
      %max3A_584 = arith.constant 9.99999996E-13 : f32
      %max3A_585 = vector.broadcast %max3A_584 : f32 to vector<1x256xf32>
      %max3A_586 = arith.maximumf %broadcast_in_dim3A_583, %max3A_585 : vector<1x256xf32>
      %rsqrt3A_587 = math.rsqrt %max3A_586 : vector<1x256xf32>
      %mul3A_588 = vector.broadcast %rsqrt3A_587 : vector<1x256xf32> to vector<32x256xf32>
      %mul3A_589 = arith.mulf %add3A_579, %mul3A_588 : vector<32x256xf32>
      %gt3A_590 = arith.constant 5.000000e-01 : f32
      %gt3A_591 = vector.broadcast %gt3A_590 : f32 to vector<1x256xf32>
      %gt3A_592 = arith.cmpf ogt, %concatenate3A_47, %gt3A_591 : vector<1x256xf32>
      %broadcast_in_dim3A_593 = vector.shape_cast %gt3A_592 : vector<1x256xi1> to vector<1x256xi1>
      %broadcast_in_dim3A_594 = vector.broadcast %broadcast_in_dim3A_593 : vector<1x256xi1> to vector<32x256xi1>
      %select_n3A_595 = arith.select %broadcast_in_dim3A_594, %mul3A_589, %get3A_545 : vector<32x256xi1>, vector<32x256xf32>
      %swap3A_596 = arith.constant 0 : index
      %swap3A_597 = arith.constant 2304 : index
      %swap3A_598 = vector.load %arg8[%swap3A_596, %swap3A_597] : memref<32x8192xf32, #tpu.memory_space<vmem>>, vector<32x256xf32>
      tpu.vector_store %arg8[%swap3A_596, %swap3A_597], %select_n3A_595 {strides = array<i32>} : memref<32x8192xf32, #tpu.memory_space<vmem>>, vector<32x256xf32>,
      %get3A_599 = arith.constant 0 : index
      %get3A_600 = arith.constant 2560 : index
      %get3A_601 = vector.load %arg8[%get3A_599, %get3A_600] : memref<32x8192xf32, #tpu.memory_space<vmem>>, vector<32x256xf32>
      %get3A_602 = arith.constant 0 : index
      %get3A_603 = arith.constant 0 : index
      %get3A_604 = arith.constant 2560 : index
      %get3A_605 = vector.load %arg3[%get3A_602, %get3A_603, %get3A_604] : memref<1x32x8192xf32, #tpu.memory_space<vmem>>, vector<1x32x256xf32>
      %get3A_606 = vector.shape_cast %get3A_605 : vector<1x32x256xf32> to vector<32x256xf32>
      %add3A_607 = arith.addf %get3A_601, %get3A_606 : vector<32x256xf32>
      %mul3A_608 = arith.mulf %concatenate3A, %add3A_607 : vector<32x256xf32>
      %reduce_sum3A_609 = arith.constant dense<0.000000e+00> : vector<256xf32>
      %reduce_sum3A_610 = vector.multi_reduction <add>, %mul3A_608, %reduce_sum3A_609 [0] : vector<32x256xf32> to vector<256xf32>
      %broadcast_in_dim3A_611 = vector.shape_cast %reduce_sum3A_610 : vector<256xf32> to vector<1x256xf32>
      %mul3A_612 = arith.constant 5.000000e-01 : f32
      %mul3A_613 = vector.broadcast %mul3A_612 : f32 to vector<1x256xf32>
      %mul3A_614 = arith.mulf %mul3A_613, %broadcast_in_dim3A_611 : vector<1x256xf32>
      %tanh3A_615 = math.tanh %mul3A_614 : vector<1x256xf32>
      %mul3A_616 = arith.constant 2.500000e-01 : f32
      %mul3A_617 = vector.broadcast %mul3A_616 : f32 to vector<1x256xf32>
      %mul3A_618 = arith.mulf %mul3A_617, %tanh3A_615 : vector<1x256xf32>
      %add3A_619 = arith.constant 2.500000e-01 : f32
      %add3A_620 = vector.broadcast %add3A_619 : f32 to vector<1x256xf32>
      %add3A_621 = arith.addf %mul3A_618, %add3A_620 : vector<1x256xf32>
      %dot_general3A_622 = arith.constant dense<0.000000e+00> : vector<32x256xf32>
      %dot_general3A_623 = tpu.matmul %get3A_1, %get3A_601, %dot_general3A_622 {dimension_numbers = #tpu.dot_dimension_numbers<[1], [0], [0], [1], [0, 0, 1, 1], [], []>, transpose_lhs_hint = false} : vector<32x32xf32>, vector<32x256xf32>, vector<32x256xf32> -> vector<32x256xf32>
      %get3A_624 = arith.constant 0 : index
      %get3A_625 = arith.constant 2560 : index
      %get3A_626 = vector.load %arg9[%get3A_624, %get3A_625] : memref<32x8192xf32, #tpu.memory_space<vmem>>, vector<32x256xf32>
      %add3A_627 = arith.addf %dot_general3A_623, %get3A_626 : vector<32x256xf32>
      %add3A_628 = arith.addf %add3A_627, %concatenate3A_46 : vector<32x256xf32>
      %tanh3A_629 = math.tanh %add3A_628 : vector<32x256xf32>
      %add3A_630 = arith.constant 1.000000e+00 : f32
      %add3A_631 = vector.broadcast %add3A_630 : f32 to vector<32x256xf32>
      %add3A_632 = arith.addf %tanh3A_629, %add3A_631 : vector<32x256xf32>
      %mul3A_633 = vector.broadcast %add3A_621 : vector<1x256xf32> to vector<32x256xf32>
      %mul3A_634 = arith.mulf %mul3A_633, %add3A_632 : vector<32x256xf32>
      %add3A_635 = arith.addf %get3A_601, %mul3A_634 : vector<32x256xf32>
      %mul3A_636 = arith.mulf %add3A_635, %add3A_635 : vector<32x256xf32>
      %reduce_sum3A_637 = arith.constant dense<0.000000e+00> : vector<256xf32>
      %reduce_sum3A_638 = vector.multi_reduction <add>, %mul3A_636, %reduce_sum3A_637 [0] : vector<32x256xf32> to vector<256xf32>
      %broadcast_in_dim3A_639 = vector.shape_cast %reduce_sum3A_638 : vector<256xf32> to vector<1x256xf32>
      %max3A_640 = arith.constant 9.99999996E-13 : f32
      %max3A_641 = vector.broadcast %max3A_640 : f32 to vector<1x256xf32>
      %max3A_642 = arith.maximumf %broadcast_in_dim3A_639, %max3A_641 : vector<1x256xf32>
      %rsqrt3A_643 = math.rsqrt %max3A_642 : vector<1x256xf32>
      %mul3A_644 = vector.broadcast %rsqrt3A_643 : vector<1x256xf32> to vector<32x256xf32>
      %mul3A_645 = arith.mulf %add3A_635, %mul3A_644 : vector<32x256xf32>
      %gt3A_646 = arith.constant 5.000000e-01 : f32
      %gt3A_647 = vector.broadcast %gt3A_646 : f32 to vector<1x256xf32>
      %gt3A_648 = arith.cmpf ogt, %concatenate3A_47, %gt3A_647 : vector<1x256xf32>
      %broadcast_in_dim3A_649 = vector.shape_cast %gt3A_648 : vector<1x256xi1> to vector<1x256xi1>
      %broadcast_in_dim3A_650 = vector.broadcast %broadcast_in_dim3A_649 : vector<1x256xi1> to vector<32x256xi1>
      %select_n3A_651 = arith.select %broadcast_in_dim3A_650, %mul3A_645, %get3A_601 : vector<32x256xi1>, vector<32x256xf32>
      %swap3A_652 = arith.constant 0 : index
      %swap3A_653 = arith.constant 2560 : index
      %swap3A_654 = vector.load %arg8[%swap3A_652, %swap3A_653] : memref<32x8192xf32, #tpu.memory_space<vmem>>, vector<32x256xf32>
      tpu.vector_store %arg8[%swap3A_652, %swap3A_653], %select_n3A_651 {strides = array<i32>} : memref<32x8192xf32, #tpu.memory_space<vmem>>, vector<32x256xf32>,
      %get3A_655 = arith.constant 0 : index
      %get3A_656 = arith.constant 2816 : index
      %get3A_657 = vector.load %arg8[%get3A_655, %get3A_656] : memref<32x8192xf32, #tpu.memory_space<vmem>>, vector<32x256xf32>
      %get3A_658 = arith.constant 0 : index
      %get3A_659 = arith.constant 0 : index
      %get3A_660 = arith.constant 2816 : index
      %get3A_661 = vector.load %arg3[%get3A_658, %get3A_659, %get3A_660] : memref<1x32x8192xf32, #tpu.memory_space<vmem>>, vector<1x32x256xf32>
      %get3A_662 = vector.shape_cast %get3A_661 : vector<1x32x256xf32> to vector<32x256xf32>
      %add3A_663 = arith.addf %get3A_657, %get3A_662 : vector<32x256xf32>
      %mul3A_664 = arith.mulf %concatenate3A, %add3A_663 : vector<32x256xf32>
      %reduce_sum3A_665 = arith.constant dense<0.000000e+00> : vector<256xf32>
      %reduce_sum3A_666 = vector.multi_reduction <add>, %mul3A_664, %reduce_sum3A_665 [0] : vector<32x256xf32> to vector<256xf32>
      %broadcast_in_dim3A_667 = vector.shape_cast %reduce_sum3A_666 : vector<256xf32> to vector<1x256xf32>
      %mul3A_668 = arith.constant 5.000000e-01 : f32
      %mul3A_669 = vector.broadcast %mul3A_668 : f32 to vector<1x256xf32>
      %mul3A_670 = arith.mulf %mul3A_669, %broadcast_in_dim3A_667 : vector<1x256xf32>
      %tanh3A_671 = math.tanh %mul3A_670 : vector<1x256xf32>
      %mul3A_672 = arith.constant 2.500000e-01 : f32
      %mul3A_673 = vector.broadcast %mul3A_672 : f32 to vector<1x256xf32>
      %mul3A_674 = arith.mulf %mul3A_673, %tanh3A_671 : vector<1x256xf32>
      %add3A_675 = arith.constant 2.500000e-01 : f32
      %add3A_676 = vector.broadcast %add3A_675 : f32 to vector<1x256xf32>
      %add3A_677 = arith.addf %mul3A_674, %add3A_676 : vector<1x256xf32>
      %dot_general3A_678 = arith.constant dense<0.000000e+00> : vector<32x256xf32>
      %dot_general3A_679 = tpu.matmul %get3A_1, %get3A_657, %dot_general3A_678 {dimension_numbers = #tpu.dot_dimension_numbers<[1], [0], [0], [1], [0, 0, 1, 1], [], []>, transpose_lhs_hint = false} : vector<32x32xf32>, vector<32x256xf32>, vector<32x256xf32> -> vector<32x256xf32>
      %get3A_680 = arith.constant 0 : index
      %get3A_681 = arith.constant 2816 : index
      %get3A_682 = vector.load %arg9[%get3A_680, %get3A_681] : memref<32x8192xf32, #tpu.memory_space<vmem>>, vector<32x256xf32>
      %add3A_683 = arith.addf %dot_general3A_679, %get3A_682 : vector<32x256xf32>
      %add3A_684 = arith.addf %add3A_683, %concatenate3A_46 : vector<32x256xf32>
      %tanh3A_685 = math.tanh %add3A_684 : vector<32x256xf32>
      %add3A_686 = arith.constant 1.000000e+00 : f32
      %add3A_687 = vector.broadcast %add3A_686 : f32 to vector<32x256xf32>
      %add3A_688 = arith.addf %tanh3A_685, %add3A_687 : vector<32x256xf32>
      %mul3A_689 = vector.broadcast %add3A_677 : vector<1x256xf32> to vector<32x256xf32>
      %mul3A_690 = arith.mulf %mul3A_689, %add3A_688 : vector<32x256xf32>
      %add3A_691 = arith.addf %get3A_657, %mul3A_690 : vector<32x256xf32>
      %mul3A_692 = arith.mulf %add3A_691, %add3A_691 : vector<32x256xf32>
      %reduce_sum3A_693 = arith.constant dense<0.000000e+00> : vector<256xf32>
      %reduce_sum3A_694 = vector.multi_reduction <add>, %mul3A_692, %reduce_sum3A_693 [0] : vector<32x256xf32> to vector<256xf32>
      %broadcast_in_dim3A_695 = vector.shape_cast %reduce_sum3A_694 : vector<256xf32> to vector<1x256xf32>
      %max3A_696 = arith.constant 9.99999996E-13 : f32
      %max3A_697 = vector.broadcast %max3A_696 : f32 to vector<1x256xf32>
      %max3A_698 = arith.maximumf %broadcast_in_dim3A_695, %max3A_697 : vector<1x256xf32>
      %rsqrt3A_699 = math.rsqrt %max3A_698 : vector<1x256xf32>
      %mul3A_700 = vector.broadcast %rsqrt3A_699 : vector<1x256xf32> to vector<32x256xf32>
      %mul3A_701 = arith.mulf %add3A_691, %mul3A_700 : vector<32x256xf32>
      %gt3A_702 = arith.constant 5.000000e-01 : f32
      %gt3A_703 = vector.broadcast %gt3A_702 : f32 to vector<1x256xf32>
      %gt3A_704 = arith.cmpf ogt, %concatenate3A_47, %gt3A_703 : vector<1x256xf32>
      %broadcast_in_dim3A_705 = vector.shape_cast %gt3A_704 : vector<1x256xi1> to vector<1x256xi1>
      %broadcast_in_dim3A_706 = vector.broadcast %broadcast_in_dim3A_705 : vector<1x256xi1> to vector<32x256xi1>
      %select_n3A_707 = arith.select %broadcast_in_dim3A_706, %mul3A_701, %get3A_657 : vector<32x256xi1>, vector<32x256xf32>
      %swap3A_708 = arith.constant 0 : index
      %swap3A_709 = arith.constant 2816 : index
      %swap3A_710 = vector.load %arg8[%swap3A_708, %swap3A_709] : memref<32x8192xf32, #tpu.memory_space<vmem>>, vector<32x256xf32>
      tpu.vector_store %arg8[%swap3A_708, %swap3A_709], %select_n3A_707 {strides = array<i32>} : memref<32x8192xf32, #tpu.memory_space<vmem>>, vector<32x256xf32>,
      %get3A_711 = arith.constant 0 : index
      %get3A_712 = arith.constant 3072 : index
      %get3A_713 = vector.load %arg8[%get3A_711, %get3A_712] : memref<32x8192xf32, #tpu.memory_space<vmem>>, vector<32x256xf32>
      %get3A_714 = arith.constant 0 : index
      %get3A_715 = arith.constant 0 : index
      %get3A_716 = arith.constant 3072 : index
      %get3A_717 = vector.load %arg3[%get3A_714, %get3A_715, %get3A_716] : memref<1x32x8192xf32, #tpu.memory_space<vmem>>, vector<1x32x256xf32>
      %get3A_718 = vector.shape_cast %get3A_717 : vector<1x32x256xf32> to vector<32x256xf32>
      %add3A_719 = arith.addf %get3A_713, %get3A_718 : vector<32x256xf32>
      %mul3A_720 = arith.mulf %concatenate3A, %add3A_719 : vector<32x256xf32>
      %reduce_sum3A_721 = arith.constant dense<0.000000e+00> : vector<256xf32>
      %reduce_sum3A_722 = vector.multi_reduction <add>, %mul3A_720, %reduce_sum3A_721 [0] : vector<32x256xf32> to vector<256xf32>
      %broadcast_in_dim3A_723 = vector.shape_cast %reduce_sum3A_722 : vector<256xf32> to vector<1x256xf32>
      %mul3A_724 = arith.constant 5.000000e-01 : f32
      %mul3A_725 = vector.broadcast %mul3A_724 : f32 to vector<1x256xf32>
      %mul3A_726 = arith.mulf %mul3A_725, %broadcast_in_dim3A_723 : vector<1x256xf32>
      %tanh3A_727 = math.tanh %mul3A_726 : vector<1x256xf32>
      %mul3A_728 = arith.constant 2.500000e-01 : f32
      %mul3A_729 = vector.broadcast %mul3A_728 : f32 to vector<1x256xf32>
      %mul3A_730 = arith.mulf %mul3A_729, %tanh3A_727 : vector<1x256xf32>
      %add3A_731 = arith.constant 2.500000e-01 : f32
      %add3A_732 = vector.broadcast %add3A_731 : f32 to vector<1x256xf32>
      %add3A_733 = arith.addf %mul3A_730, %add3A_732 : vector<1x256xf32>
      %dot_general3A_734 = arith.constant dense<0.000000e+00> : vector<32x256xf32>
      %dot_general3A_735 = tpu.matmul %get3A_1, %get3A_713, %dot_general3A_734 {dimension_numbers = #tpu.dot_dimension_numbers<[1], [0], [0], [1], [0, 0, 1, 1], [], []>, transpose_lhs_hint = false} : vector<32x32xf32>, vector<32x256xf32>, vector<32x256xf32> -> vector<32x256xf32>
      %get3A_736 = arith.constant 0 : index
      %get3A_737 = arith.constant 3072 : index
      %get3A_738 = vector.load %arg9[%get3A_736, %get3A_737] : memref<32x8192xf32, #tpu.memory_space<vmem>>, vector<32x256xf32>
      %add3A_739 = arith.addf %dot_general3A_735, %get3A_738 : vector<32x256xf32>
      %add3A_740 = arith.addf %add3A_739, %concatenate3A_46 : vector<32x256xf32>
      %tanh3A_741 = math.tanh %add3A_740 : vector<32x256xf32>
      %add3A_742 = arith.constant 1.000000e+00 : f32
      %add3A_743 = vector.broadcast %add3A_742 : f32 to vector<32x256xf32>
      %add3A_744 = arith.addf %tanh3A_741, %add3A_743 : vector<32x256xf32>
      %mul3A_745 = vector.broadcast %add3A_733 : vector<1x256xf32> to vector<32x256xf32>
      %mul3A_746 = arith.mulf %mul3A_745, %add3A_744 : vector<32x256xf32>
      %add3A_747 = arith.addf %get3A_713, %mul3A_746 : vector<32x256xf32>
      %mul3A_748 = arith.mulf %add3A_747, %add3A_747 : vector<32x256xf32>
      %reduce_sum3A_749 = arith.constant dense<0.000000e+00> : vector<256xf32>
      %reduce_sum3A_750 = vector.multi_reduction <add>, %mul3A_748, %reduce_sum3A_749 [0] : vector<32x256xf32> to vector<256xf32>
      %broadcast_in_dim3A_751 = vector.shape_cast %reduce_sum3A_750 : vector<256xf32> to vector<1x256xf32>
      %max3A_752 = arith.constant 9.99999996E-13 : f32
      %max3A_753 = vector.broadcast %max3A_752 : f32 to vector<1x256xf32>
      %max3A_754 = arith.maximumf %broadcast_in_dim3A_751, %max3A_753 : vector<1x256xf32>
      %rsqrt3A_755 = math.rsqrt %max3A_754 : vector<1x256xf32>
      %mul3A_756 = vector.broadcast %rsqrt3A_755 : vector<1x256xf32> to vector<32x256xf32>
      %mul3A_757 = arith.mulf %add3A_747, %mul3A_756 : vector<32x256xf32>
      %gt3A_758 = arith.constant 5.000000e-01 : f32
      %gt3A_759 = vector.broadcast %gt3A_758 : f32 to vector<1x256xf32>
      %gt3A_760 = arith.cmpf ogt, %concatenate3A_47, %gt3A_759 : vector<1x256xf32>
      %broadcast_in_dim3A_761 = vector.shape_cast %gt3A_760 : vector<1x256xi1> to vector<1x256xi1>
      %broadcast_in_dim3A_762 = vector.broadcast %broadcast_in_dim3A_761 : vector<1x256xi1> to vector<32x256xi1>
      %select_n3A_763 = arith.select %broadcast_in_dim3A_762, %mul3A_757, %get3A_713 : vector<32x256xi1>, vector<32x256xf32>
      %swap3A_764 = arith.constant 0 : index
      %swap3A_765 = arith.constant 3072 : index
      %swap3A_766 = vector.load %arg8[%swap3A_764, %swap3A_765] : memref<32x8192xf32, #tpu.memory_space<vmem>>, vector<32x256xf32>
      tpu.vector_store %arg8[%swap3A_764, %swap3A_765], %select_n3A_763 {strides = array<i32>} : memref<32x8192xf32, #tpu.memory_space<vmem>>, vector<32x256xf32>,
      %get3A_767 = arith.constant 0 : index
      %get3A_768 = arith.constant 3328 : index
      %get3A_769 = vector.load %arg8[%get3A_767, %get3A_768] : memref<32x8192xf32, #tpu.memory_space<vmem>>, vector<32x256xf32>
      %get3A_770 = arith.constant 0 : index
      %get3A_771 = arith.constant 0 : index
      %get3A_772 = arith.constant 3328 : index
      %get3A_773 = vector.load %arg3[%get3A_770, %get3A_771, %get3A_772] : memref<1x32x8192xf32, #tpu.memory_space<vmem>>, vector<1x32x256xf32>
      %get3A_774 = vector.shape_cast %get3A_773 : vector<1x32x256xf32> to vector<32x256xf32>
      %add3A_775 = arith.addf %get3A_769, %get3A_774 : vector<32x256xf32>
      %mul3A_776 = arith.mulf %concatenate3A, %add3A_775 : vector<32x256xf32>
      %reduce_sum3A_777 = arith.constant dense<0.000000e+00> : vector<256xf32>
      %reduce_sum3A_778 = vector.multi_reduction <add>, %mul3A_776, %reduce_sum3A_777 [0] : vector<32x256xf32> to vector<256xf32>
      %broadcast_in_dim3A_779 = vector.shape_cast %reduce_sum3A_778 : vector<256xf32> to vector<1x256xf32>
      %mul3A_780 = arith.constant 5.000000e-01 : f32
      %mul3A_781 = vector.broadcast %mul3A_780 : f32 to vector<1x256xf32>
      %mul3A_782 = arith.mulf %mul3A_781, %broadcast_in_dim3A_779 : vector<1x256xf32>
      %tanh3A_783 = math.tanh %mul3A_782 : vector<1x256xf32>
      %mul3A_784 = arith.constant 2.500000e-01 : f32
      %mul3A_785 = vector.broadcast %mul3A_784 : f32 to vector<1x256xf32>
      %mul3A_786 = arith.mulf %mul3A_785, %tanh3A_783 : vector<1x256xf32>
      %add3A_787 = arith.constant 2.500000e-01 : f32
      %add3A_788 = vector.broadcast %add3A_787 : f32 to vector<1x256xf32>
      %add3A_789 = arith.addf %mul3A_786, %add3A_788 : vector<1x256xf32>
      %dot_general3A_790 = arith.constant dense<0.000000e+00> : vector<32x256xf32>
      %dot_general3A_791 = tpu.matmul %get3A_1, %get3A_769, %dot_general3A_790 {dimension_numbers = #tpu.dot_dimension_numbers<[1], [0], [0], [1], [0, 0, 1, 1], [], []>, transpose_lhs_hint = false} : vector<32x32xf32>, vector<32x256xf32>, vector<32x256xf32> -> vector<32x256xf32>
      %get3A_792 = arith.constant 0 : index
      %get3A_793 = arith.constant 3328 : index
      %get3A_794 = vector.load %arg9[%get3A_792, %get3A_793] : memref<32x8192xf32, #tpu.memory_space<vmem>>, vector<32x256xf32>
      %add3A_795 = arith.addf %dot_general3A_791, %get3A_794 : vector<32x256xf32>
      %add3A_796 = arith.addf %add3A_795, %concatenate3A_46 : vector<32x256xf32>
      %tanh3A_797 = math.tanh %add3A_796 : vector<32x256xf32>
      %add3A_798 = arith.constant 1.000000e+00 : f32
      %add3A_799 = vector.broadcast %add3A_798 : f32 to vector<32x256xf32>
      %add3A_800 = arith.addf %tanh3A_797, %add3A_799 : vector<32x256xf32>
      %mul3A_801 = vector.broadcast %add3A_789 : vector<1x256xf32> to vector<32x256xf32>
      %mul3A_802 = arith.mulf %mul3A_801, %add3A_800 : vector<32x256xf32>
      %add3A_803 = arith.addf %get3A_769, %mul3A_802 : vector<32x256xf32>
      %mul3A_804 = arith.mulf %add3A_803, %add3A_803 : vector<32x256xf32>
      %reduce_sum3A_805 = arith.constant dense<0.000000e+00> : vector<256xf32>
      %reduce_sum3A_806 = vector.multi_reduction <add>, %mul3A_804, %reduce_sum3A_805 [0] : vector<32x256xf32> to vector<256xf32>
      %broadcast_in_dim3A_807 = vector.shape_cast %reduce_sum3A_806 : vector<256xf32> to vector<1x256xf32>
      %max3A_808 = arith.constant 9.99999996E-13 : f32
      %max3A_809 = vector.broadcast %max3A_808 : f32 to vector<1x256xf32>
      %max3A_810 = arith.maximumf %broadcast_in_dim3A_807, %max3A_809 : vector<1x256xf32>
      %rsqrt3A_811 = math.rsqrt %max3A_810 : vector<1x256xf32>
      %mul3A_812 = vector.broadcast %rsqrt3A_811 : vector<1x256xf32> to vector<32x256xf32>
      %mul3A_813 = arith.mulf %add3A_803, %mul3A_812 : vector<32x256xf32>
      %gt3A_814 = arith.constant 5.000000e-01 : f32
      %gt3A_815 = vector.broadcast %gt3A_814 : f32 to vector<1x256xf32>
      %gt3A_816 = arith.cmpf ogt, %concatenate3A_47, %gt3A_815 : vector<1x256xf32>
      %broadcast_in_dim3A_817 = vector.shape_cast %gt3A_816 : vector<1x256xi1> to vector<1x256xi1>
      %broadcast_in_dim3A_818 = vector.broadcast %broadcast_in_dim3A_817 : vector<1x256xi1> to vector<32x256xi1>
      %select_n3A_819 = arith.select %broadcast_in_dim3A_818, %mul3A_813, %get3A_769 : vector<32x256xi1>, vector<32x256xf32>
      %swap3A_820 = arith.constant 0 : index
      %swap3A_821 = arith.constant 3328 : index
      %swap3A_822 = vector.load %arg8[%swap3A_820, %swap3A_821] : memref<32x8192xf32, #tpu.memory_space<vmem>>, vector<32x256xf32>
      tpu.vector_store %arg8[%swap3A_820, %swap3A_821], %select_n3A_819 {strides = array<i32>} : memref<32x8192xf32, #tpu.memory_space<vmem>>, vector<32x256xf32>,
      %get3A_823 = arith.constant 0 : index
      %get3A_824 = arith.constant 3584 : index
      %get3A_825 = vector.load %arg8[%get3A_823, %get3A_824] : memref<32x8192xf32, #tpu.memory_space<vmem>>, vector<32x256xf32>
      %get3A_826 = arith.constant 0 : index
      %get3A_827 = arith.constant 0 : index
      %get3A_828 = arith.constant 3584 : index
      %get3A_829 = vector.load %arg3[%get3A_826, %get3A_827, %get3A_828] : memref<1x32x8192xf32, #tpu.memory_space<vmem>>, vector<1x32x256xf32>
      %get3A_830 = vector.shape_cast %get3A_829 : vector<1x32x256xf32> to vector<32x256xf32>
      %add3A_831 = arith.addf %get3A_825, %get3A_830 : vector<32x256xf32>
      %mul3A_832 = arith.mulf %concatenate3A, %add3A_831 : vector<32x256xf32>
      %reduce_sum3A_833 = arith.constant dense<0.000000e+00> : vector<256xf32>
      %reduce_sum3A_834 = vector.multi_reduction <add>, %mul3A_832, %reduce_sum3A_833 [0] : vector<32x256xf32> to vector<256xf32>
      %broadcast_in_dim3A_835 = vector.shape_cast %reduce_sum3A_834 : vector<256xf32> to vector<1x256xf32>
      %mul3A_836 = arith.constant 5.000000e-01 : f32
      %mul3A_837 = vector.broadcast %mul3A_836 : f32 to vector<1x256xf32>
      %mul3A_838 = arith.mulf %mul3A_837, %broadcast_in_dim3A_835 : vector<1x256xf32>
      %tanh3A_839 = math.tanh %mul3A_838 : vector<1x256xf32>
      %mul3A_840 = arith.constant 2.500000e-01 : f32
      %mul3A_841 = vector.broadcast %mul3A_840 : f32 to vector<1x256xf32>
      %mul3A_842 = arith.mulf %mul3A_841, %tanh3A_839 : vector<1x256xf32>
      %add3A_843 = arith.constant 2.500000e-01 : f32
      %add3A_844 = vector.broadcast %add3A_843 : f32 to vector<1x256xf32>
      %add3A_845 = arith.addf %mul3A_842, %add3A_844 : vector<1x256xf32>
      %dot_general3A_846 = arith.constant dense<0.000000e+00> : vector<32x256xf32>
      %dot_general3A_847 = tpu.matmul %get3A_1, %get3A_825, %dot_general3A_846 {dimension_numbers = #tpu.dot_dimension_numbers<[1], [0], [0], [1], [0, 0, 1, 1], [], []>, transpose_lhs_hint = false} : vector<32x32xf32>, vector<32x256xf32>, vector<32x256xf32> -> vector<32x256xf32>
      %get3A_848 = arith.constant 0 : index
      %get3A_849 = arith.constant 3584 : index
      %get3A_850 = vector.load %arg9[%get3A_848, %get3A_849] : memref<32x8192xf32, #tpu.memory_space<vmem>>, vector<32x256xf32>
      %add3A_851 = arith.addf %dot_general3A_847, %get3A_850 : vector<32x256xf32>
      %add3A_852 = arith.addf %add3A_851, %concatenate3A_46 : vector<32x256xf32>
      %tanh3A_853 = math.tanh %add3A_852 : vector<32x256xf32>
      %add3A_854 = arith.constant 1.000000e+00 : f32
      %add3A_855 = vector.broadcast %add3A_854 : f32 to vector<32x256xf32>
      %add3A_856 = arith.addf %tanh3A_853, %add3A_855 : vector<32x256xf32>
      %mul3A_857 = vector.broadcast %add3A_845 : vector<1x256xf32> to vector<32x256xf32>
      %mul3A_858 = arith.mulf %mul3A_857, %add3A_856 : vector<32x256xf32>
      %add3A_859 = arith.addf %get3A_825, %mul3A_858 : vector<32x256xf32>
      %mul3A_860 = arith.mulf %add3A_859, %add3A_859 : vector<32x256xf32>
      %reduce_sum3A_861 = arith.constant dense<0.000000e+00> : vector<256xf32>
      %reduce_sum3A_862 = vector.multi_reduction <add>, %mul3A_860, %reduce_sum3A_861 [0] : vector<32x256xf32> to vector<256xf32>
      %broadcast_in_dim3A_863 = vector.shape_cast %reduce_sum3A_862 : vector<256xf32> to vector<1x256xf32>
      %max3A_864 = arith.constant 9.99999996E-13 : f32
      %max3A_865 = vector.broadcast %max3A_864 : f32 to vector<1x256xf32>
      %max3A_866 = arith.maximumf %broadcast_in_dim3A_863, %max3A_865 : vector<1x256xf32>
      %rsqrt3A_867 = math.rsqrt %max3A_866 : vector<1x256xf32>
      %mul3A_868 = vector.broadcast %rsqrt3A_867 : vector<1x256xf32> to vector<32x256xf32>
      %mul3A_869 = arith.mulf %add3A_859, %mul3A_868 : vector<32x256xf32>
      %gt3A_870 = arith.constant 5.000000e-01 : f32
      %gt3A_871 = vector.broadcast %gt3A_870 : f32 to vector<1x256xf32>
      %gt3A_872 = arith.cmpf ogt, %concatenate3A_47, %gt3A_871 : vector<1x256xf32>
      %broadcast_in_dim3A_873 = vector.shape_cast %gt3A_872 : vector<1x256xi1> to vector<1x256xi1>
      %broadcast_in_dim3A_874 = vector.broadcast %broadcast_in_dim3A_873 : vector<1x256xi1> to vector<32x256xi1>
      %select_n3A_875 = arith.select %broadcast_in_dim3A_874, %mul3A_869, %get3A_825 : vector<32x256xi1>, vector<32x256xf32>
      %swap3A_876 = arith.constant 0 : index
      %swap3A_877 = arith.constant 3584 : index
      %swap3A_878 = vector.load %arg8[%swap3A_876, %swap3A_877] : memref<32x8192xf32, #tpu.memory_space<vmem>>, vector<32x256xf32>
      tpu.vector_store %arg8[%swap3A_876, %swap3A_877], %select_n3A_875 {strides = array<i32>} : memref<32x8192xf32, #tpu.memory_space<vmem>>, vector<32x256xf32>,
      %get3A_879 = arith.constant 0 : index
      %get3A_880 = arith.constant 3840 : index
      %get3A_881 = vector.load %arg8[%get3A_879, %get3A_880] : memref<32x8192xf32, #tpu.memory_space<vmem>>, vector<32x256xf32>
      %get3A_882 = arith.constant 0 : index
      %get3A_883 = arith.constant 0 : index
      %get3A_884 = arith.constant 3840 : index
      %get3A_885 = vector.load %arg3[%get3A_882, %get3A_883, %get3A_884] : memref<1x32x8192xf32, #tpu.memory_space<vmem>>, vector<1x32x256xf32>
      %get3A_886 = vector.shape_cast %get3A_885 : vector<1x32x256xf32> to vector<32x256xf32>
      %add3A_887 = arith.addf %get3A_881, %get3A_886 : vector<32x256xf32>
      %mul3A_888 = arith.mulf %concatenate3A, %add3A_887 : vector<32x256xf32>
      %reduce_sum3A_889 = arith.constant dense<0.000000e+00> : vector<256xf32>
      %reduce_sum3A_890 = vector.multi_reduction <add>, %mul3A_888, %reduce_sum3A_889 [0] : vector<32x256xf32> to vector<256xf32>
      %broadcast_in_dim3A_891 = vector.shape_cast %reduce_sum3A_890 : vector<256xf32> to vector<1x256xf32>
      %mul3A_892 = arith.constant 5.000000e-01 : f32
      %mul3A_893 = vector.broadcast %mul3A_892 : f32 to vector<1x256xf32>
      %mul3A_894 = arith.mulf %mul3A_893, %broadcast_in_dim3A_891 : vector<1x256xf32>
      %tanh3A_895 = math.tanh %mul3A_894 : vector<1x256xf32>
      %mul3A_896 = arith.constant 2.500000e-01 : f32
      %mul3A_897 = vector.broadcast %mul3A_896 : f32 to vector<1x256xf32>
      %mul3A_898 = arith.mulf %mul3A_897, %tanh3A_895 : vector<1x256xf32>
      %add3A_899 = arith.constant 2.500000e-01 : f32
      %add3A_900 = vector.broadcast %add3A_899 : f32 to vector<1x256xf32>
      %add3A_901 = arith.addf %mul3A_898, %add3A_900 : vector<1x256xf32>
      %dot_general3A_902 = arith.constant dense<0.000000e+00> : vector<32x256xf32>
      %dot_general3A_903 = tpu.matmul %get3A_1, %get3A_881, %dot_general3A_902 {dimension_numbers = #tpu.dot_dimension_numbers<[1], [0], [0], [1], [0, 0, 1, 1], [], []>, transpose_lhs_hint = false} : vector<32x32xf32>, vector<32x256xf32>, vector<32x256xf32> -> vector<32x256xf32>
      %get3A_904 = arith.constant 0 : index
      %get3A_905 = arith.constant 3840 : index
      %get3A_906 = vector.load %arg9[%get3A_904, %get3A_905] : memref<32x8192xf32, #tpu.memory_space<vmem>>, vector<32x256xf32>
      %add3A_907 = arith.addf %dot_general3A_903, %get3A_906 : vector<32x256xf32>
      %add3A_908 = arith.addf %add3A_907, %concatenate3A_46 : vector<32x256xf32>
      %tanh3A_909 = math.tanh %add3A_908 : vector<32x256xf32>
      %add3A_910 = arith.constant 1.000000e+00 : f32
      %add3A_911 = vector.broadcast %add3A_910 : f32 to vector<32x256xf32>
      %add3A_912 = arith.addf %tanh3A_909, %add3A_911 : vector<32x256xf32>
      %mul3A_913 = vector.broadcast %add3A_901 : vector<1x256xf32> to vector<32x256xf32>
      %mul3A_914 = arith.mulf %mul3A_913, %add3A_912 : vector<32x256xf32>
      %add3A_915 = arith.addf %get3A_881, %mul3A_914 : vector<32x256xf32>
      %mul3A_916 = arith.mulf %add3A_915, %add3A_915 : vector<32x256xf32>
      %reduce_sum3A_917 = arith.constant dense<0.000000e+00> : vector<256xf32>
      %reduce_sum3A_918 = vector.multi_reduction <add>, %mul3A_916, %reduce_sum3A_917 [0] : vector<32x256xf32> to vector<256xf32>
      %broadcast_in_dim3A_919 = vector.shape_cast %reduce_sum3A_918 : vector<256xf32> to vector<1x256xf32>
      %max3A_920 = arith.constant 9.99999996E-13 : f32
      %max3A_921 = vector.broadcast %max3A_920 : f32 to vector<1x256xf32>
      %max3A_922 = arith.maximumf %broadcast_in_dim3A_919, %max3A_921 : vector<1x256xf32>
      %rsqrt3A_923 = math.rsqrt %max3A_922 : vector<1x256xf32>
      %mul3A_924 = vector.broadcast %rsqrt3A_923 : vector<1x256xf32> to vector<32x256xf32>
      %mul3A_925 = arith.mulf %add3A_915, %mul3A_924 : vector<32x256xf32>
      %gt3A_926 = arith.constant 5.000000e-01 : f32
      %gt3A_927 = vector.broadcast %gt3A_926 : f32 to vector<1x256xf32>
      %gt3A_928 = arith.cmpf ogt, %concatenate3A_47, %gt3A_927 : vector<1x256xf32>
      %broadcast_in_dim3A_929 = vector.shape_cast %gt3A_928 : vector<1x256xi1> to vector<1x256xi1>
      %broadcast_in_dim3A_930 = vector.broadcast %broadcast_in_dim3A_929 : vector<1x256xi1> to vector<32x256xi1>
      %select_n3A_931 = arith.select %broadcast_in_dim3A_930, %mul3A_925, %get3A_881 : vector<32x256xi1>, vector<32x256xf32>
      %swap3A_932 = arith.constant 0 : index
      %swap3A_933 = arith.constant 3840 : index
      %swap3A_934 = vector.load %arg8[%swap3A_932, %swap3A_933] : memref<32x8192xf32, #tpu.memory_space<vmem>>, vector<32x256xf32>
      tpu.vector_store %arg8[%swap3A_932, %swap3A_933], %select_n3A_931 {strides = array<i32>} : memref<32x8192xf32, #tpu.memory_space<vmem>>, vector<32x256xf32>,
      %get3A_935 = arith.constant 0 : index
      %get3A_936 = arith.constant 4096 : index
      %get3A_937 = vector.load %arg8[%get3A_935, %get3A_936] : memref<32x8192xf32, #tpu.memory_space<vmem>>, vector<32x256xf32>
      %get3A_938 = arith.constant 0 : index
      %get3A_939 = arith.constant 0 : index
      %get3A_940 = arith.constant 4096 : index
      %get3A_941 = vector.load %arg3[%get3A_938, %get3A_939, %get3A_940] : memref<1x32x8192xf32, #tpu.memory_space<vmem>>, vector<1x32x256xf32>
      %get3A_942 = vector.shape_cast %get3A_941 : vector<1x32x256xf32> to vector<32x256xf32>
      %add3A_943 = arith.addf %get3A_937, %get3A_942 : vector<32x256xf32>
      %mul3A_944 = arith.mulf %concatenate3A, %add3A_943 : vector<32x256xf32>
      %reduce_sum3A_945 = arith.constant dense<0.000000e+00> : vector<256xf32>
      %reduce_sum3A_946 = vector.multi_reduction <add>, %mul3A_944, %reduce_sum3A_945 [0] : vector<32x256xf32> to vector<256xf32>
      %broadcast_in_dim3A_947 = vector.shape_cast %reduce_sum3A_946 : vector<256xf32> to vector<1x256xf32>
      %mul3A_948 = arith.constant 5.000000e-01 : f32
      %mul3A_949 = vector.broadcast %mul3A_948 : f32 to vector<1x256xf32>
      %mul3A_950 = arith.mulf %mul3A_949, %broadcast_in_dim3A_947 : vector<1x256xf32>
      %tanh3A_951 = math.tanh %mul3A_950 : vector<1x256xf32>
      %mul3A_952 = arith.constant 2.500000e-01 : f32
      %mul3A_953 = vector.broadcast %mul3A_952 : f32 to vector<1x256xf32>
      %mul3A_954 = arith.mulf %mul3A_953, %tanh3A_951 : vector<1x256xf32>
      %add3A_955 = arith.constant 2.500000e-01 : f32
      %add3A_956 = vector.broadcast %add3A_955 : f32 to vector<1x256xf32>
      %add3A_957 = arith.addf %mul3A_954, %add3A_956 : vector<1x256xf32>
      %dot_general3A_958 = arith.constant dense<0.000000e+00> : vector<32x256xf32>
      %dot_general3A_959 = tpu.matmul %get3A_1, %get3A_937, %dot_general3A_958 {dimension_numbers = #tpu.dot_dimension_numbers<[1], [0], [0], [1], [0, 0, 1, 1], [], []>, transpose_lhs_hint = false} : vector<32x32xf32>, vector<32x256xf32>, vector<32x256xf32> -> vector<32x256xf32>
      %get3A_960 = arith.constant 0 : index
      %get3A_961 = arith.constant 4096 : index
      %get3A_962 = vector.load %arg9[%get3A_960, %get3A_961] : memref<32x8192xf32, #tpu.memory_space<vmem>>, vector<32x256xf32>
      %add3A_963 = arith.addf %dot_general3A_959, %get3A_962 : vector<32x256xf32>
      %add3A_964 = arith.addf %add3A_963, %concatenate3A_46 : vector<32x256xf32>
      %tanh3A_965 = math.tanh %add3A_964 : vector<32x256xf32>
      %add3A_966 = arith.constant 1.000000e+00 : f32
      %add3A_967 = vector.broadcast %add3A_966 : f32 to vector<32x256xf32>
      %add3A_968 = arith.addf %tanh3A_965, %add3A_967 : vector<32x256xf32>
      %mul3A_969 = vector.broadcast %add3A_957 : vector<1x256xf32> to vector<32x256xf32>
      %mul3A_970 = arith.mulf %mul3A_969, %add3A_968 : vector<32x256xf32>
      %add3A_971 = arith.addf %get3A_937, %mul3A_970 : vector<32x256xf32>
      %mul3A_972 = arith.mulf %add3A_971, %add3A_971 : vector<32x256xf32>
      %reduce_sum3A_973 = arith.constant dense<0.000000e+00> : vector<256xf32>
      %reduce_sum3A_974 = vector.multi_reduction <add>, %mul3A_972, %reduce_sum3A_973 [0] : vector<32x256xf32> to vector<256xf32>
      %broadcast_in_dim3A_975 = vector.shape_cast %reduce_sum3A_974 : vector<256xf32> to vector<1x256xf32>
      %max3A_976 = arith.constant 9.99999996E-13 : f32
      %max3A_977 = vector.broadcast %max3A_976 : f32 to vector<1x256xf32>
      %max3A_978 = arith.maximumf %broadcast_in_dim3A_975, %max3A_977 : vector<1x256xf32>
      %rsqrt3A_979 = math.rsqrt %max3A_978 : vector<1x256xf32>
      %mul3A_980 = vector.broadcast %rsqrt3A_979 : vector<1x256xf32> to vector<32x256xf32>
      %mul3A_981 = arith.mulf %add3A_971, %mul3A_980 : vector<32x256xf32>
      %gt3A_982 = arith.constant 5.000000e-01 : f32
      %gt3A_983 = vector.broadcast %gt3A_982 : f32 to vector<1x256xf32>
      %gt3A_984 = arith.cmpf ogt, %concatenate3A_47, %gt3A_983 : vector<1x256xf32>
      %broadcast_in_dim3A_985 = vector.shape_cast %gt3A_984 : vector<1x256xi1> to vector<1x256xi1>
      %broadcast_in_dim3A_986 = vector.broadcast %broadcast_in_dim3A_985 : vector<1x256xi1> to vector<32x256xi1>
      %select_n3A_987 = arith.select %broadcast_in_dim3A_986, %mul3A_981, %get3A_937 : vector<32x256xi1>, vector<32x256xf32>
      %swap3A_988 = arith.constant 0 : index
      %swap3A_989 = arith.constant 4096 : index
      %swap3A_990 = vector.load %arg8[%swap3A_988, %swap3A_989] : memref<32x8192xf32, #tpu.memory_space<vmem>>, vector<32x256xf32>
      tpu.vector_store %arg8[%swap3A_988, %swap3A_989], %select_n3A_987 {strides = array<i32>} : memref<32x8192xf32, #tpu.memory_space<vmem>>, vector<32x256xf32>,
      %get3A_991 = arith.constant 0 : index
      %get3A_992 = arith.constant 4352 : index
      %get3A_993 = vector.load %arg8[%get3A_991, %get3A_992] : memref<32x8192xf32, #tpu.memory_space<vmem>>, vector<32x256xf32>
      %get3A_994 = arith.constant 0 : index
      %get3A_995 = arith.constant 0 : index
      %get3A_996 = arith.constant 4352 : index
      %get3A_997 = vector.load %arg3[%get3A_994, %get3A_995, %get3A_996] : memref<1x32x8192xf32, #tpu.memory_space<vmem>>, vector<1x32x256xf32>
      %get3A_998 = vector.shape_cast %get3A_997 : vector<1x32x256xf32> to vector<32x256xf32>
      %add3A_999 = arith.addf %get3A_993, %get3A_998 : vector<32x256xf32>
      %mul3A_1000 = arith.mulf %concatenate3A, %add3A_999 : vector<32x256xf32>
      %reduce_sum3A_1001 = arith.constant dense<0.000000e+00> : vector<256xf32>
      %reduce_sum3A_1002 = vector.multi_reduction <add>, %mul3A_1000, %reduce_sum3A_1001 [0] : vector<32x256xf32> to vector<256xf32>
      %broadcast_in_dim3A_1003 = vector.shape_cast %reduce_sum3A_1002 : vector<256xf32> to vector<1x256xf32>
      %mul3A_1004 = arith.constant 5.000000e-01 : f32
      %mul3A_1005 = vector.broadcast %mul3A_1004 : f32 to vector<1x256xf32>
      %mul3A_1006 = arith.mulf %mul3A_1005, %broadcast_in_dim3A_1003 : vector<1x256xf32>
      %tanh3A_1007 = math.tanh %mul3A_1006 : vector<1x256xf32>
      %mul3A_1008 = arith.constant 2.500000e-01 : f32
      %mul3A_1009 = vector.broadcast %mul3A_1008 : f32 to vector<1x256xf32>
      %mul3A_1010 = arith.mulf %mul3A_1009, %tanh3A_1007 : vector<1x256xf32>
      %add3A_1011 = arith.constant 2.500000e-01 : f32
      %add3A_1012 = vector.broadcast %add3A_1011 : f32 to vector<1x256xf32>
      %add3A_1013 = arith.addf %mul3A_1010, %add3A_1012 : vector<1x256xf32>
      %dot_general3A_1014 = arith.constant dense<0.000000e+00> : vector<32x256xf32>
      %dot_general3A_1015 = tpu.matmul %get3A_1, %get3A_993, %dot_general3A_1014 {dimension_numbers = #tpu.dot_dimension_numbers<[1], [0], [0], [1], [0, 0, 1, 1], [], []>, transpose_lhs_hint = false} : vector<32x32xf32>, vector<32x256xf32>, vector<32x256xf32> -> vector<32x256xf32>
      %get3A_1016 = arith.constant 0 : index
      %get3A_1017 = arith.constant 4352 : index
      %get3A_1018 = vector.load %arg9[%get3A_1016, %get3A_1017] : memref<32x8192xf32, #tpu.memory_space<vmem>>, vector<32x256xf32>
      %add3A_1019 = arith.addf %dot_general3A_1015, %get3A_1018 : vector<32x256xf32>
      %add3A_1020 = arith.addf %add3A_1019, %concatenate3A_46 : vector<32x256xf32>
      %tanh3A_1021 = math.tanh %add3A_1020 : vector<32x256xf32>
      %add3A_1022 = arith.constant 1.000000e+00 : f32
      %add3A_1023 = vector.broadcast %add3A_1022 : f32 to vector<32x256xf32>
      %add3A_1024 = arith.addf %tanh3A_1021, %add3A_1023 : vector<32x256xf32>
      %mul3A_1025 = vector.broadcast %add3A_1013 : vector<1x256xf32> to vector<32x256xf32>
      %mul3A_1026 = arith.mulf %mul3A_1025, %add3A_1024 : vector<32x256xf32>
      %add3A_1027 = arith.addf %get3A_993, %mul3A_1026 : vector<32x256xf32>
      %mul3A_1028 = arith.mulf %add3A_1027, %add3A_1027 : vector<32x256xf32>
      %reduce_sum3A_1029 = arith.constant dense<0.000000e+00> : vector<256xf32>
      %reduce_sum3A_1030 = vector.multi_reduction <add>, %mul3A_1028, %reduce_sum3A_1029 [0] : vector<32x256xf32> to vector<256xf32>
      %broadcast_in_dim3A_1031 = vector.shape_cast %reduce_sum3A_1030 : vector<256xf32> to vector<1x256xf32>
      %max3A_1032 = arith.constant 9.99999996E-13 : f32
      %max3A_1033 = vector.broadcast %max3A_1032 : f32 to vector<1x256xf32>
      %max3A_1034 = arith.maximumf %broadcast_in_dim3A_1031, %max3A_1033 : vector<1x256xf32>
      %rsqrt3A_1035 = math.rsqrt %max3A_1034 : vector<1x256xf32>
      %mul3A_1036 = vector.broadcast %rsqrt3A_1035 : vector<1x256xf32> to vector<32x256xf32>
      %mul3A_1037 = arith.mulf %add3A_1027, %mul3A_1036 : vector<32x256xf32>
      %gt3A_1038 = arith.constant 5.000000e-01 : f32
      %gt3A_1039 = vector.broadcast %gt3A_1038 : f32 to vector<1x256xf32>
      %gt3A_1040 = arith.cmpf ogt, %concatenate3A_47, %gt3A_1039 : vector<1x256xf32>
      %broadcast_in_dim3A_1041 = vector.shape_cast %gt3A_1040 : vector<1x256xi1> to vector<1x256xi1>
      %broadcast_in_dim3A_1042 = vector.broadcast %broadcast_in_dim3A_1041 : vector<1x256xi1> to vector<32x256xi1>
      %select_n3A_1043 = arith.select %broadcast_in_dim3A_1042, %mul3A_1037, %get3A_993 : vector<32x256xi1>, vector<32x256xf32>
      %swap3A_1044 = arith.constant 0 : index
      %swap3A_1045 = arith.constant 4352 : index
      %swap3A_1046 = vector.load %arg8[%swap3A_1044, %swap3A_1045] : memref<32x8192xf32, #tpu.memory_space<vmem>>, vector<32x256xf32>
      tpu.vector_store %arg8[%swap3A_1044, %swap3A_1045], %select_n3A_1043 {strides = array<i32>} : memref<32x8192xf32, #tpu.memory_space<vmem>>, vector<32x256xf32>,
      %get3A_1047 = arith.constant 0 : index
      %get3A_1048 = arith.constant 4608 : index
      %get3A_1049 = vector.load %arg8[%get3A_1047, %get3A_1048] : memref<32x8192xf32, #tpu.memory_space<vmem>>, vector<32x256xf32>
      %get3A_1050 = arith.constant 0 : index
      %get3A_1051 = arith.constant 0 : index
      %get3A_1052 = arith.constant 4608 : index
      %get3A_1053 = vector.load %arg3[%get3A_1050, %get3A_1051, %get3A_1052] : memref<1x32x8192xf32, #tpu.memory_space<vmem>>, vector<1x32x256xf32>
      %get3A_1054 = vector.shape_cast %get3A_1053 : vector<1x32x256xf32> to vector<32x256xf32>
      %add3A_1055 = arith.addf %get3A_1049, %get3A_1054 : vector<32x256xf32>
      %mul3A_1056 = arith.mulf %concatenate3A, %add3A_1055 : vector<32x256xf32>
      %reduce_sum3A_1057 = arith.constant dense<0.000000e+00> : vector<256xf32>
      %reduce_sum3A_1058 = vector.multi_reduction <add>, %mul3A_1056, %reduce_sum3A_1057 [0] : vector<32x256xf32> to vector<256xf32>
      %broadcast_in_dim3A_1059 = vector.shape_cast %reduce_sum3A_1058 : vector<256xf32> to vector<1x256xf32>
      %mul3A_1060 = arith.constant 5.000000e-01 : f32
      %mul3A_1061 = vector.broadcast %mul3A_1060 : f32 to vector<1x256xf32>
      %mul3A_1062 = arith.mulf %mul3A_1061, %broadcast_in_dim3A_1059 : vector<1x256xf32>
      %tanh3A_1063 = math.tanh %mul3A_1062 : vector<1x256xf32>
      %mul3A_1064 = arith.constant 2.500000e-01 : f32
      %mul3A_1065 = vector.broadcast %mul3A_1064 : f32 to vector<1x256xf32>
      %mul3A_1066 = arith.mulf %mul3A_1065, %tanh3A_1063 : vector<1x256xf32>
      %add3A_1067 = arith.constant 2.500000e-01 : f32
      %add3A_1068 = vector.broadcast %add3A_1067 : f32 to vector<1x256xf32>
      %add3A_1069 = arith.addf %mul3A_1066, %add3A_1068 : vector<1x256xf32>
      %dot_general3A_1070 = arith.constant dense<0.000000e+00> : vector<32x256xf32>
      %dot_general3A_1071 = tpu.matmul %get3A_1, %get3A_1049, %dot_general3A_1070 {dimension_numbers = #tpu.dot_dimension_numbers<[1], [0], [0], [1], [0, 0, 1, 1], [], []>, transpose_lhs_hint = false} : vector<32x32xf32>, vector<32x256xf32>, vector<32x256xf32> -> vector<32x256xf32>
      %get3A_1072 = arith.constant 0 : index
      %get3A_1073 = arith.constant 4608 : index
      %get3A_1074 = vector.load %arg9[%get3A_1072, %get3A_1073] : memref<32x8192xf32, #tpu.memory_space<vmem>>, vector<32x256xf32>
      %add3A_1075 = arith.addf %dot_general3A_1071, %get3A_1074 : vector<32x256xf32>
      %add3A_1076 = arith.addf %add3A_1075, %concatenate3A_46 : vector<32x256xf32>
      %tanh3A_1077 = math.tanh %add3A_1076 : vector<32x256xf32>
      %add3A_1078 = arith.constant 1.000000e+00 : f32
      %add3A_1079 = vector.broadcast %add3A_1078 : f32 to vector<32x256xf32>
      %add3A_1080 = arith.addf %tanh3A_1077, %add3A_1079 : vector<32x256xf32>
      %mul3A_1081 = vector.broadcast %add3A_1069 : vector<1x256xf32> to vector<32x256xf32>
      %mul3A_1082 = arith.mulf %mul3A_1081, %add3A_1080 : vector<32x256xf32>
      %add3A_1083 = arith.addf %get3A_1049, %mul3A_1082 : vector<32x256xf32>
      %mul3A_1084 = arith.mulf %add3A_1083, %add3A_1083 : vector<32x256xf32>
      %reduce_sum3A_1085 = arith.constant dense<0.000000e+00> : vector<256xf32>
      %reduce_sum3A_1086 = vector.multi_reduction <add>, %mul3A_1084, %reduce_sum3A_1085 [0] : vector<32x256xf32> to vector<256xf32>
      %broadcast_in_dim3A_1087 = vector.shape_cast %reduce_sum3A_1086 : vector<256xf32> to vector<1x256xf32>
      %max3A_1088 = arith.constant 9.99999996E-13 : f32
      %max3A_1089 = vector.broadcast %max3A_1088 : f32 to vector<1x256xf32>
      %max3A_1090 = arith.maximumf %broadcast_in_dim3A_1087, %max3A_1089 : vector<1x256xf32>
      %rsqrt3A_1091 = math.rsqrt %max3A_1090 : vector<1x256xf32>
      %mul3A_1092 = vector.broadcast %rsqrt3A_1091 : vector<1x256xf32> to vector<32x256xf32>
      %mul3A_1093 = arith.mulf %add3A_1083, %mul3A_1092 : vector<32x256xf32>
      %gt3A_1094 = arith.constant 5.000000e-01 : f32
      %gt3A_1095 = vector.broadcast %gt3A_1094 : f32 to vector<1x256xf32>
      %gt3A_1096 = arith.cmpf ogt, %concatenate3A_47, %gt3A_1095 : vector<1x256xf32>
      %broadcast_in_dim3A_1097 = vector.shape_cast %gt3A_1096 : vector<1x256xi1> to vector<1x256xi1>
      %broadcast_in_dim3A_1098 = vector.broadcast %broadcast_in_dim3A_1097 : vector<1x256xi1> to vector<32x256xi1>
      %select_n3A_1099 = arith.select %broadcast_in_dim3A_1098, %mul3A_1093, %get3A_1049 : vector<32x256xi1>, vector<32x256xf32>
      %swap3A_1100 = arith.constant 0 : index
      %swap3A_1101 = arith.constant 4608 : index
      %swap3A_1102 = vector.load %arg8[%swap3A_1100, %swap3A_1101] : memref<32x8192xf32, #tpu.memory_space<vmem>>, vector<32x256xf32>
      tpu.vector_store %arg8[%swap3A_1100, %swap3A_1101], %select_n3A_1099 {strides = array<i32>} : memref<32x8192xf32, #tpu.memory_space<vmem>>, vector<32x256xf32>,
      %get3A_1103 = arith.constant 0 : index
      %get3A_1104 = arith.constant 4864 : index
      %get3A_1105 = vector.load %arg8[%get3A_1103, %get3A_1104] : memref<32x8192xf32, #tpu.memory_space<vmem>>, vector<32x256xf32>
      %get3A_1106 = arith.constant 0 : index
      %get3A_1107 = arith.constant 0 : index
      %get3A_1108 = arith.constant 4864 : index
      %get3A_1109 = vector.load %arg3[%get3A_1106, %get3A_1107, %get3A_1108] : memref<1x32x8192xf32, #tpu.memory_space<vmem>>, vector<1x32x256xf32>
      %get3A_1110 = vector.shape_cast %get3A_1109 : vector<1x32x256xf32> to vector<32x256xf32>
      %add3A_1111 = arith.addf %get3A_1105, %get3A_1110 : vector<32x256xf32>
      %mul3A_1112 = arith.mulf %concatenate3A, %add3A_1111 : vector<32x256xf32>
      %reduce_sum3A_1113 = arith.constant dense<0.000000e+00> : vector<256xf32>
      %reduce_sum3A_1114 = vector.multi_reduction <add>, %mul3A_1112, %reduce_sum3A_1113 [0] : vector<32x256xf32> to vector<256xf32>
      %broadcast_in_dim3A_1115 = vector.shape_cast %reduce_sum3A_1114 : vector<256xf32> to vector<1x256xf32>
      %mul3A_1116 = arith.constant 5.000000e-01 : f32
      %mul3A_1117 = vector.broadcast %mul3A_1116 : f32 to vector<1x256xf32>
      %mul3A_1118 = arith.mulf %mul3A_1117, %broadcast_in_dim3A_1115 : vector<1x256xf32>
      %tanh3A_1119 = math.tanh %mul3A_1118 : vector<1x256xf32>
      %mul3A_1120 = arith.constant 2.500000e-01 : f32
      %mul3A_1121 = vector.broadcast %mul3A_1120 : f32 to vector<1x256xf32>
      %mul3A_1122 = arith.mulf %mul3A_1121, %tanh3A_1119 : vector<1x256xf32>
      %add3A_1123 = arith.constant 2.500000e-01 : f32
      %add3A_1124 = vector.broadcast %add3A_1123 : f32 to vector<1x256xf32>
      %add3A_1125 = arith.addf %mul3A_1122, %add3A_1124 : vector<1x256xf32>
      %dot_general3A_1126 = arith.constant dense<0.000000e+00> : vector<32x256xf32>
      %dot_general3A_1127 = tpu.matmul %get3A_1, %get3A_1105, %dot_general3A_1126 {dimension_numbers = #tpu.dot_dimension_numbers<[1], [0], [0], [1], [0, 0, 1, 1], [], []>, transpose_lhs_hint = false} : vector<32x32xf32>, vector<32x256xf32>, vector<32x256xf32> -> vector<32x256xf32>
      %get3A_1128 = arith.constant 0 : index
      %get3A_1129 = arith.constant 4864 : index
      %get3A_1130 = vector.load %arg9[%get3A_1128, %get3A_1129] : memref<32x8192xf32, #tpu.memory_space<vmem>>, vector<32x256xf32>
      %add3A_1131 = arith.addf %dot_general3A_1127, %get3A_1130 : vector<32x256xf32>
      %add3A_1132 = arith.addf %add3A_1131, %concatenate3A_46 : vector<32x256xf32>
      %tanh3A_1133 = math.tanh %add3A_1132 : vector<32x256xf32>
      %add3A_1134 = arith.constant 1.000000e+00 : f32
      %add3A_1135 = vector.broadcast %add3A_1134 : f32 to vector<32x256xf32>
      %add3A_1136 = arith.addf %tanh3A_1133, %add3A_1135 : vector<32x256xf32>
      %mul3A_1137 = vector.broadcast %add3A_1125 : vector<1x256xf32> to vector<32x256xf32>
      %mul3A_1138 = arith.mulf %mul3A_1137, %add3A_1136 : vector<32x256xf32>
      %add3A_1139 = arith.addf %get3A_1105, %mul3A_1138 : vector<32x256xf32>
      %mul3A_1140 = arith.mulf %add3A_1139, %add3A_1139 : vector<32x256xf32>
      %reduce_sum3A_1141 = arith.constant dense<0.000000e+00> : vector<256xf32>
      %reduce_sum3A_1142 = vector.multi_reduction <add>, %mul3A_1140, %reduce_sum3A_1141 [0] : vector<32x256xf32> to vector<256xf32>
      %broadcast_in_dim3A_1143 = vector.shape_cast %reduce_sum3A_1142 : vector<256xf32> to vector<1x256xf32>
      %max3A_1144 = arith.constant 9.99999996E-13 : f32
      %max3A_1145 = vector.broadcast %max3A_1144 : f32 to vector<1x256xf32>
      %max3A_1146 = arith.maximumf %broadcast_in_dim3A_1143, %max3A_1145 : vector<1x256xf32>
      %rsqrt3A_1147 = math.rsqrt %max3A_1146 : vector<1x256xf32>
      %mul3A_1148 = vector.broadcast %rsqrt3A_1147 : vector<1x256xf32> to vector<32x256xf32>
      %mul3A_1149 = arith.mulf %add3A_1139, %mul3A_1148 : vector<32x256xf32>
      %gt3A_1150 = arith.constant 5.000000e-01 : f32
      %gt3A_1151 = vector.broadcast %gt3A_1150 : f32 to vector<1x256xf32>
      %gt3A_1152 = arith.cmpf ogt, %concatenate3A_47, %gt3A_1151 : vector<1x256xf32>
      %broadcast_in_dim3A_1153 = vector.shape_cast %gt3A_1152 : vector<1x256xi1> to vector<1x256xi1>
      %broadcast_in_dim3A_1154 = vector.broadcast %broadcast_in_dim3A_1153 : vector<1x256xi1> to vector<32x256xi1>
      %select_n3A_1155 = arith.select %broadcast_in_dim3A_1154, %mul3A_1149, %get3A_1105 : vector<32x256xi1>, vector<32x256xf32>
      %swap3A_1156 = arith.constant 0 : index
      %swap3A_1157 = arith.constant 4864 : index
      %swap3A_1158 = vector.load %arg8[%swap3A_1156, %swap3A_1157] : memref<32x8192xf32, #tpu.memory_space<vmem>>, vector<32x256xf32>
      tpu.vector_store %arg8[%swap3A_1156, %swap3A_1157], %select_n3A_1155 {strides = array<i32>} : memref<32x8192xf32, #tpu.memory_space<vmem>>, vector<32x256xf32>,
      %get3A_1159 = arith.constant 0 : index
      %get3A_1160 = arith.constant 5120 : index
      %get3A_1161 = vector.load %arg8[%get3A_1159, %get3A_1160] : memref<32x8192xf32, #tpu.memory_space<vmem>>, vector<32x256xf32>
      %get3A_1162 = arith.constant 0 : index
      %get3A_1163 = arith.constant 0 : index
      %get3A_1164 = arith.constant 5120 : index
      %get3A_1165 = vector.load %arg3[%get3A_1162, %get3A_1163, %get3A_1164] : memref<1x32x8192xf32, #tpu.memory_space<vmem>>, vector<1x32x256xf32>
      %get3A_1166 = vector.shape_cast %get3A_1165 : vector<1x32x256xf32> to vector<32x256xf32>
      %add3A_1167 = arith.addf %get3A_1161, %get3A_1166 : vector<32x256xf32>
      %mul3A_1168 = arith.mulf %concatenate3A, %add3A_1167 : vector<32x256xf32>
      %reduce_sum3A_1169 = arith.constant dense<0.000000e+00> : vector<256xf32>
      %reduce_sum3A_1170 = vector.multi_reduction <add>, %mul3A_1168, %reduce_sum3A_1169 [0] : vector<32x256xf32> to vector<256xf32>
      %broadcast_in_dim3A_1171 = vector.shape_cast %reduce_sum3A_1170 : vector<256xf32> to vector<1x256xf32>
      %mul3A_1172 = arith.constant 5.000000e-01 : f32
      %mul3A_1173 = vector.broadcast %mul3A_1172 : f32 to vector<1x256xf32>
      %mul3A_1174 = arith.mulf %mul3A_1173, %broadcast_in_dim3A_1171 : vector<1x256xf32>
      %tanh3A_1175 = math.tanh %mul3A_1174 : vector<1x256xf32>
      %mul3A_1176 = arith.constant 2.500000e-01 : f32
      %mul3A_1177 = vector.broadcast %mul3A_1176 : f32 to vector<1x256xf32>
      %mul3A_1178 = arith.mulf %mul3A_1177, %tanh3A_1175 : vector<1x256xf32>
      %add3A_1179 = arith.constant 2.500000e-01 : f32
      %add3A_1180 = vector.broadcast %add3A_1179 : f32 to vector<1x256xf32>
      %add3A_1181 = arith.addf %mul3A_1178, %add3A_1180 : vector<1x256xf32>
      %dot_general3A_1182 = arith.constant dense<0.000000e+00> : vector<32x256xf32>
      %dot_general3A_1183 = tpu.matmul %get3A_1, %get3A_1161, %dot_general3A_1182 {dimension_numbers = #tpu.dot_dimension_numbers<[1], [0], [0], [1], [0, 0, 1, 1], [], []>, transpose_lhs_hint = false} : vector<32x32xf32>, vector<32x256xf32>, vector<32x256xf32> -> vector<32x256xf32>
      %get3A_1184 = arith.constant 0 : index
      %get3A_1185 = arith.constant 5120 : index
      %get3A_1186 = vector.load %arg9[%get3A_1184, %get3A_1185] : memref<32x8192xf32, #tpu.memory_space<vmem>>, vector<32x256xf32>
      %add3A_1187 = arith.addf %dot_general3A_1183, %get3A_1186 : vector<32x256xf32>
      %add3A_1188 = arith.addf %add3A_1187, %concatenate3A_46 : vector<32x256xf32>
      %tanh3A_1189 = math.tanh %add3A_1188 : vector<32x256xf32>
      %add3A_1190 = arith.constant 1.000000e+00 : f32
      %add3A_1191 = vector.broadcast %add3A_1190 : f32 to vector<32x256xf32>
      %add3A_1192 = arith.addf %tanh3A_1189, %add3A_1191 : vector<32x256xf32>
      %mul3A_1193 = vector.broadcast %add3A_1181 : vector<1x256xf32> to vector<32x256xf32>
      %mul3A_1194 = arith.mulf %mul3A_1193, %add3A_1192 : vector<32x256xf32>
      %add3A_1195 = arith.addf %get3A_1161, %mul3A_1194 : vector<32x256xf32>
      %mul3A_1196 = arith.mulf %add3A_1195, %add3A_1195 : vector<32x256xf32>
      %reduce_sum3A_1197 = arith.constant dense<0.000000e+00> : vector<256xf32>
      %reduce_sum3A_1198 = vector.multi_reduction <add>, %mul3A_1196, %reduce_sum3A_1197 [0] : vector<32x256xf32> to vector<256xf32>
      %broadcast_in_dim3A_1199 = vector.shape_cast %reduce_sum3A_1198 : vector<256xf32> to vector<1x256xf32>
      %max3A_1200 = arith.constant 9.99999996E-13 : f32
      %max3A_1201 = vector.broadcast %max3A_1200 : f32 to vector<1x256xf32>
      %max3A_1202 = arith.maximumf %broadcast_in_dim3A_1199, %max3A_1201 : vector<1x256xf32>
      %rsqrt3A_1203 = math.rsqrt %max3A_1202 : vector<1x256xf32>
      %mul3A_1204 = vector.broadcast %rsqrt3A_1203 : vector<1x256xf32> to vector<32x256xf32>
      %mul3A_1205 = arith.mulf %add3A_1195, %mul3A_1204 : vector<32x256xf32>
      %gt3A_1206 = arith.constant 5.000000e-01 : f32
      %gt3A_1207 = vector.broadcast %gt3A_1206 : f32 to vector<1x256xf32>
      %gt3A_1208 = arith.cmpf ogt, %concatenate3A_47, %gt3A_1207 : vector<1x256xf32>
      %broadcast_in_dim3A_1209 = vector.shape_cast %gt3A_1208 : vector<1x256xi1> to vector<1x256xi1>
      %broadcast_in_dim3A_1210 = vector.broadcast %broadcast_in_dim3A_1209 : vector<1x256xi1> to vector<32x256xi1>
      %select_n3A_1211 = arith.select %broadcast_in_dim3A_1210, %mul3A_1205, %get3A_1161 : vector<32x256xi1>, vector<32x256xf32>
      %swap3A_1212 = arith.constant 0 : index
      %swap3A_1213 = arith.constant 5120 : index
      %swap3A_1214 = vector.load %arg8[%swap3A_1212, %swap3A_1213] : memref<32x8192xf32, #tpu.memory_space<vmem>>, vector<32x256xf32>
      tpu.vector_store %arg8[%swap3A_1212, %swap3A_1213], %select_n3A_1211 {strides = array<i32>} : memref<32x8192xf32, #tpu.memory_space<vmem>>, vector<32x256xf32>,
      %get3A_1215 = arith.constant 0 : index
      %get3A_1216 = arith.constant 5376 : index
      %get3A_1217 = vector.load %arg8[%get3A_1215, %get3A_1216] : memref<32x8192xf32, #tpu.memory_space<vmem>>, vector<32x256xf32>
      %get3A_1218 = arith.constant 0 : index
      %get3A_1219 = arith.constant 0 : index
      %get3A_1220 = arith.constant 5376 : index
      %get3A_1221 = vector.load %arg3[%get3A_1218, %get3A_1219, %get3A_1220] : memref<1x32x8192xf32, #tpu.memory_space<vmem>>, vector<1x32x256xf32>
      %get3A_1222 = vector.shape_cast %get3A_1221 : vector<1x32x256xf32> to vector<32x256xf32>
      %add3A_1223 = arith.addf %get3A_1217, %get3A_1222 : vector<32x256xf32>
      %mul3A_1224 = arith.mulf %concatenate3A, %add3A_1223 : vector<32x256xf32>
      %reduce_sum3A_1225 = arith.constant dense<0.000000e+00> : vector<256xf32>
      %reduce_sum3A_1226 = vector.multi_reduction <add>, %mul3A_1224, %reduce_sum3A_1225 [0] : vector<32x256xf32> to vector<256xf32>
      %broadcast_in_dim3A_1227 = vector.shape_cast %reduce_sum3A_1226 : vector<256xf32> to vector<1x256xf32>
      %mul3A_1228 = arith.constant 5.000000e-01 : f32
      %mul3A_1229 = vector.broadcast %mul3A_1228 : f32 to vector<1x256xf32>
      %mul3A_1230 = arith.mulf %mul3A_1229, %broadcast_in_dim3A_1227 : vector<1x256xf32>
      %tanh3A_1231 = math.tanh %mul3A_1230 : vector<1x256xf32>
      %mul3A_1232 = arith.constant 2.500000e-01 : f32
      %mul3A_1233 = vector.broadcast %mul3A_1232 : f32 to vector<1x256xf32>
      %mul3A_1234 = arith.mulf %mul3A_1233, %tanh3A_1231 : vector<1x256xf32>
      %add3A_1235 = arith.constant 2.500000e-01 : f32
      %add3A_1236 = vector.broadcast %add3A_1235 : f32 to vector<1x256xf32>
      %add3A_1237 = arith.addf %mul3A_1234, %add3A_1236 : vector<1x256xf32>
      %dot_general3A_1238 = arith.constant dense<0.000000e+00> : vector<32x256xf32>
      %dot_general3A_1239 = tpu.matmul %get3A_1, %get3A_1217, %dot_general3A_1238 {dimension_numbers = #tpu.dot_dimension_numbers<[1], [0], [0], [1], [0, 0, 1, 1], [], []>, transpose_lhs_hint = false} : vector<32x32xf32>, vector<32x256xf32>, vector<32x256xf32> -> vector<32x256xf32>
      %get3A_1240 = arith.constant 0 : index
      %get3A_1241 = arith.constant 5376 : index
      %get3A_1242 = vector.load %arg9[%get3A_1240, %get3A_1241] : memref<32x8192xf32, #tpu.memory_space<vmem>>, vector<32x256xf32>
      %add3A_1243 = arith.addf %dot_general3A_1239, %get3A_1242 : vector<32x256xf32>
      %add3A_1244 = arith.addf %add3A_1243, %concatenate3A_46 : vector<32x256xf32>
      %tanh3A_1245 = math.tanh %add3A_1244 : vector<32x256xf32>
      %add3A_1246 = arith.constant 1.000000e+00 : f32
      %add3A_1247 = vector.broadcast %add3A_1246 : f32 to vector<32x256xf32>
      %add3A_1248 = arith.addf %tanh3A_1245, %add3A_1247 : vector<32x256xf32>
      %mul3A_1249 = vector.broadcast %add3A_1237 : vector<1x256xf32> to vector<32x256xf32>
      %mul3A_1250 = arith.mulf %mul3A_1249, %add3A_1248 : vector<32x256xf32>
      %add3A_1251 = arith.addf %get3A_1217, %mul3A_1250 : vector<32x256xf32>
      %mul3A_1252 = arith.mulf %add3A_1251, %add3A_1251 : vector<32x256xf32>
      %reduce_sum3A_1253 = arith.constant dense<0.000000e+00> : vector<256xf32>
      %reduce_sum3A_1254 = vector.multi_reduction <add>, %mul3A_1252, %reduce_sum3A_1253 [0] : vector<32x256xf32> to vector<256xf32>
      %broadcast_in_dim3A_1255 = vector.shape_cast %reduce_sum3A_1254 : vector<256xf32> to vector<1x256xf32>
      %max3A_1256 = arith.constant 9.99999996E-13 : f32
      %max3A_1257 = vector.broadcast %max3A_1256 : f32 to vector<1x256xf32>
      %max3A_1258 = arith.maximumf %broadcast_in_dim3A_1255, %max3A_1257 : vector<1x256xf32>
      %rsqrt3A_1259 = math.rsqrt %max3A_1258 : vector<1x256xf32>
      %mul3A_1260 = vector.broadcast %rsqrt3A_1259 : vector<1x256xf32> to vector<32x256xf32>
      %mul3A_1261 = arith.mulf %add3A_1251, %mul3A_1260 : vector<32x256xf32>
      %gt3A_1262 = arith.constant 5.000000e-01 : f32
      %gt3A_1263 = vector.broadcast %gt3A_1262 : f32 to vector<1x256xf32>
      %gt3A_1264 = arith.cmpf ogt, %concatenate3A_47, %gt3A_1263 : vector<1x256xf32>
      %broadcast_in_dim3A_1265 = vector.shape_cast %gt3A_1264 : vector<1x256xi1> to vector<1x256xi1>
      %broadcast_in_dim3A_1266 = vector.broadcast %broadcast_in_dim3A_1265 : vector<1x256xi1> to vector<32x256xi1>
      %select_n3A_1267 = arith.select %broadcast_in_dim3A_1266, %mul3A_1261, %get3A_1217 : vector<32x256xi1>, vector<32x256xf32>
      %swap3A_1268 = arith.constant 0 : index
      %swap3A_1269 = arith.constant 5376 : index
      %swap3A_1270 = vector.load %arg8[%swap3A_1268, %swap3A_1269] : memref<32x8192xf32, #tpu.memory_space<vmem>>, vector<32x256xf32>
      tpu.vector_store %arg8[%swap3A_1268, %swap3A_1269], %select_n3A_1267 {strides = array<i32>} : memref<32x8192xf32, #tpu.memory_space<vmem>>, vector<32x256xf32>,
      %get3A_1271 = arith.constant 0 : index
      %get3A_1272 = arith.constant 5632 : index
      %get3A_1273 = vector.load %arg8[%get3A_1271, %get3A_1272] : memref<32x8192xf32, #tpu.memory_space<vmem>>, vector<32x256xf32>
      %get3A_1274 = arith.constant 0 : index
      %get3A_1275 = arith.constant 0 : index
      %get3A_1276 = arith.constant 5632 : index
      %get3A_1277 = vector.load %arg3[%get3A_1274, %get3A_1275, %get3A_1276] : memref<1x32x8192xf32, #tpu.memory_space<vmem>>, vector<1x32x256xf32>
      %get3A_1278 = vector.shape_cast %get3A_1277 : vector<1x32x256xf32> to vector<32x256xf32>
      %add3A_1279 = arith.addf %get3A_1273, %get3A_1278 : vector<32x256xf32>
      %mul3A_1280 = arith.mulf %concatenate3A, %add3A_1279 : vector<32x256xf32>
      %reduce_sum3A_1281 = arith.constant dense<0.000000e+00> : vector<256xf32>
      %reduce_sum3A_1282 = vector.multi_reduction <add>, %mul3A_1280, %reduce_sum3A_1281 [0] : vector<32x256xf32> to vector<256xf32>
      %broadcast_in_dim3A_1283 = vector.shape_cast %reduce_sum3A_1282 : vector<256xf32> to vector<1x256xf32>
      %mul3A_1284 = arith.constant 5.000000e-01 : f32
      %mul3A_1285 = vector.broadcast %mul3A_1284 : f32 to vector<1x256xf32>
      %mul3A_1286 = arith.mulf %mul3A_1285, %broadcast_in_dim3A_1283 : vector<1x256xf32>
      %tanh3A_1287 = math.tanh %mul3A_1286 : vector<1x256xf32>
      %mul3A_1288 = arith.constant 2.500000e-01 : f32
      %mul3A_1289 = vector.broadcast %mul3A_1288 : f32 to vector<1x256xf32>
      %mul3A_1290 = arith.mulf %mul3A_1289, %tanh3A_1287 : vector<1x256xf32>
      %add3A_1291 = arith.constant 2.500000e-01 : f32
      %add3A_1292 = vector.broadcast %add3A_1291 : f32 to vector<1x256xf32>
      %add3A_1293 = arith.addf %mul3A_1290, %add3A_1292 : vector<1x256xf32>
      %dot_general3A_1294 = arith.constant dense<0.000000e+00> : vector<32x256xf32>
      %dot_general3A_1295 = tpu.matmul %get3A_1, %get3A_1273, %dot_general3A_1294 {dimension_numbers = #tpu.dot_dimension_numbers<[1], [0], [0], [1], [0, 0, 1, 1], [], []>, transpose_lhs_hint = false} : vector<32x32xf32>, vector<32x256xf32>, vector<32x256xf32> -> vector<32x256xf32>
      %get3A_1296 = arith.constant 0 : index
      %get3A_1297 = arith.constant 5632 : index
      %get3A_1298 = vector.load %arg9[%get3A_1296, %get3A_1297] : memref<32x8192xf32, #tpu.memory_space<vmem>>, vector<32x256xf32>
      %add3A_1299 = arith.addf %dot_general3A_1295, %get3A_1298 : vector<32x256xf32>
      %add3A_1300 = arith.addf %add3A_1299, %concatenate3A_46 : vector<32x256xf32>
      %tanh3A_1301 = math.tanh %add3A_1300 : vector<32x256xf32>
      %add3A_1302 = arith.constant 1.000000e+00 : f32
      %add3A_1303 = vector.broadcast %add3A_1302 : f32 to vector<32x256xf32>
      %add3A_1304 = arith.addf %tanh3A_1301, %add3A_1303 : vector<32x256xf32>
      %mul3A_1305 = vector.broadcast %add3A_1293 : vector<1x256xf32> to vector<32x256xf32>
      %mul3A_1306 = arith.mulf %mul3A_1305, %add3A_1304 : vector<32x256xf32>
      %add3A_1307 = arith.addf %get3A_1273, %mul3A_1306 : vector<32x256xf32>
      %mul3A_1308 = arith.mulf %add3A_1307, %add3A_1307 : vector<32x256xf32>
      %reduce_sum3A_1309 = arith.constant dense<0.000000e+00> : vector<256xf32>
      %reduce_sum3A_1310 = vector.multi_reduction <add>, %mul3A_1308, %reduce_sum3A_1309 [0] : vector<32x256xf32> to vector<256xf32>
      %broadcast_in_dim3A_1311 = vector.shape_cast %reduce_sum3A_1310 : vector<256xf32> to vector<1x256xf32>
      %max3A_1312 = arith.constant 9.99999996E-13 : f32
      %max3A_1313 = vector.broadcast %max3A_1312 : f32 to vector<1x256xf32>
      %max3A_1314 = arith.maximumf %broadcast_in_dim3A_1311, %max3A_1313 : vector<1x256xf32>
      %rsqrt3A_1315 = math.rsqrt %max3A_1314 : vector<1x256xf32>
      %mul3A_1316 = vector.broadcast %rsqrt3A_1315 : vector<1x256xf32> to vector<32x256xf32>
      %mul3A_1317 = arith.mulf %add3A_1307, %mul3A_1316 : vector<32x256xf32>
      %gt3A_1318 = arith.constant 5.000000e-01 : f32
      %gt3A_1319 = vector.broadcast %gt3A_1318 : f32 to vector<1x256xf32>
      %gt3A_1320 = arith.cmpf ogt, %concatenate3A_47, %gt3A_1319 : vector<1x256xf32>
      %broadcast_in_dim3A_1321 = vector.shape_cast %gt3A_1320 : vector<1x256xi1> to vector<1x256xi1>
      %broadcast_in_dim3A_1322 = vector.broadcast %broadcast_in_dim3A_1321 : vector<1x256xi1> to vector<32x256xi1>
      %select_n3A_1323 = arith.select %broadcast_in_dim3A_1322, %mul3A_1317, %get3A_1273 : vector<32x256xi1>, vector<32x256xf32>
      %swap3A_1324 = arith.constant 0 : index
      %swap3A_1325 = arith.constant 5632 : index
      %swap3A_1326 = vector.load %arg8[%swap3A_1324, %swap3A_1325] : memref<32x8192xf32, #tpu.memory_space<vmem>>, vector<32x256xf32>
      tpu.vector_store %arg8[%swap3A_1324, %swap3A_1325], %select_n3A_1323 {strides = array<i32>} : memref<32x8192xf32, #tpu.memory_space<vmem>>, vector<32x256xf32>,
      %get3A_1327 = arith.constant 0 : index
      %get3A_1328 = arith.constant 5888 : index
      %get3A_1329 = vector.load %arg8[%get3A_1327, %get3A_1328] : memref<32x8192xf32, #tpu.memory_space<vmem>>, vector<32x256xf32>
      %get3A_1330 = arith.constant 0 : index
      %get3A_1331 = arith.constant 0 : index
      %get3A_1332 = arith.constant 5888 : index
      %get3A_1333 = vector.load %arg3[%get3A_1330, %get3A_1331, %get3A_1332] : memref<1x32x8192xf32, #tpu.memory_space<vmem>>, vector<1x32x256xf32>
      %get3A_1334 = vector.shape_cast %get3A_1333 : vector<1x32x256xf32> to vector<32x256xf32>
      %add3A_1335 = arith.addf %get3A_1329, %get3A_1334 : vector<32x256xf32>
      %mul3A_1336 = arith.mulf %concatenate3A, %add3A_1335 : vector<32x256xf32>
      %reduce_sum3A_1337 = arith.constant dense<0.000000e+00> : vector<256xf32>
      %reduce_sum3A_1338 = vector.multi_reduction <add>, %mul3A_1336, %reduce_sum3A_1337 [0] : vector<32x256xf32> to vector<256xf32>
      %broadcast_in_dim3A_1339 = vector.shape_cast %reduce_sum3A_1338 : vector<256xf32> to vector<1x256xf32>
      %mul3A_1340 = arith.constant 5.000000e-01 : f32
      %mul3A_1341 = vector.broadcast %mul3A_1340 : f32 to vector<1x256xf32>
      %mul3A_1342 = arith.mulf %mul3A_1341, %broadcast_in_dim3A_1339 : vector<1x256xf32>
      %tanh3A_1343 = math.tanh %mul3A_1342 : vector<1x256xf32>
      %mul3A_1344 = arith.constant 2.500000e-01 : f32
      %mul3A_1345 = vector.broadcast %mul3A_1344 : f32 to vector<1x256xf32>
      %mul3A_1346 = arith.mulf %mul3A_1345, %tanh3A_1343 : vector<1x256xf32>
      %add3A_1347 = arith.constant 2.500000e-01 : f32
      %add3A_1348 = vector.broadcast %add3A_1347 : f32 to vector<1x256xf32>
      %add3A_1349 = arith.addf %mul3A_1346, %add3A_1348 : vector<1x256xf32>
      %dot_general3A_1350 = arith.constant dense<0.000000e+00> : vector<32x256xf32>
      %dot_general3A_1351 = tpu.matmul %get3A_1, %get3A_1329, %dot_general3A_1350 {dimension_numbers = #tpu.dot_dimension_numbers<[1], [0], [0], [1], [0, 0, 1, 1], [], []>, transpose_lhs_hint = false} : vector<32x32xf32>, vector<32x256xf32>, vector<32x256xf32> -> vector<32x256xf32>
      %get3A_1352 = arith.constant 0 : index
      %get3A_1353 = arith.constant 5888 : index
      %get3A_1354 = vector.load %arg9[%get3A_1352, %get3A_1353] : memref<32x8192xf32, #tpu.memory_space<vmem>>, vector<32x256xf32>
      %add3A_1355 = arith.addf %dot_general3A_1351, %get3A_1354 : vector<32x256xf32>
      %add3A_1356 = arith.addf %add3A_1355, %concatenate3A_46 : vector<32x256xf32>
      %tanh3A_1357 = math.tanh %add3A_1356 : vector<32x256xf32>
      %add3A_1358 = arith.constant 1.000000e+00 : f32
      %add3A_1359 = vector.broadcast %add3A_1358 : f32 to vector<32x256xf32>
      %add3A_1360 = arith.addf %tanh3A_1357, %add3A_1359 : vector<32x256xf32>
      %mul3A_1361 = vector.broadcast %add3A_1349 : vector<1x256xf32> to vector<32x256xf32>
      %mul3A_1362 = arith.mulf %mul3A_1361, %add3A_1360 : vector<32x256xf32>
      %add3A_1363 = arith.addf %get3A_1329, %mul3A_1362 : vector<32x256xf32>
      %mul3A_1364 = arith.mulf %add3A_1363, %add3A_1363 : vector<32x256xf32>
      %reduce_sum3A_1365 = arith.constant dense<0.000000e+00> : vector<256xf32>
      %reduce_sum3A_1366 = vector.multi_reduction <add>, %mul3A_1364, %reduce_sum3A_1365 [0] : vector<32x256xf32> to vector<256xf32>
      %broadcast_in_dim3A_1367 = vector.shape_cast %reduce_sum3A_1366 : vector<256xf32> to vector<1x256xf32>
      %max3A_1368 = arith.constant 9.99999996E-13 : f32
      %max3A_1369 = vector.broadcast %max3A_1368 : f32 to vector<1x256xf32>
      %max3A_1370 = arith.maximumf %broadcast_in_dim3A_1367, %max3A_1369 : vector<1x256xf32>
      %rsqrt3A_1371 = math.rsqrt %max3A_1370 : vector<1x256xf32>
      %mul3A_1372 = vector.broadcast %rsqrt3A_1371 : vector<1x256xf32> to vector<32x256xf32>
      %mul3A_1373 = arith.mulf %add3A_1363, %mul3A_1372 : vector<32x256xf32>
      %gt3A_1374 = arith.constant 5.000000e-01 : f32
      %gt3A_1375 = vector.broadcast %gt3A_1374 : f32 to vector<1x256xf32>
      %gt3A_1376 = arith.cmpf ogt, %concatenate3A_47, %gt3A_1375 : vector<1x256xf32>
      %broadcast_in_dim3A_1377 = vector.shape_cast %gt3A_1376 : vector<1x256xi1> to vector<1x256xi1>
      %broadcast_in_dim3A_1378 = vector.broadcast %broadcast_in_dim3A_1377 : vector<1x256xi1> to vector<32x256xi1>
      %select_n3A_1379 = arith.select %broadcast_in_dim3A_1378, %mul3A_1373, %get3A_1329 : vector<32x256xi1>, vector<32x256xf32>
      %swap3A_1380 = arith.constant 0 : index
      %swap3A_1381 = arith.constant 5888 : index
      %swap3A_1382 = vector.load %arg8[%swap3A_1380, %swap3A_1381] : memref<32x8192xf32, #tpu.memory_space<vmem>>, vector<32x256xf32>
      tpu.vector_store %arg8[%swap3A_1380, %swap3A_1381], %select_n3A_1379 {strides = array<i32>} : memref<32x8192xf32, #tpu.memory_space<vmem>>, vector<32x256xf32>,
      %get3A_1383 = arith.constant 0 : index
      %get3A_1384 = arith.constant 6144 : index
      %get3A_1385 = vector.load %arg8[%get3A_1383, %get3A_1384] : memref<32x8192xf32, #tpu.memory_space<vmem>>, vector<32x256xf32>
      %get3A_1386 = arith.constant 0 : index
      %get3A_1387 = arith.constant 0 : index
      %get3A_1388 = arith.constant 6144 : index
      %get3A_1389 = vector.load %arg3[%get3A_1386, %get3A_1387, %get3A_1388] : memref<1x32x8192xf32, #tpu.memory_space<vmem>>, vector<1x32x256xf32>
      %get3A_1390 = vector.shape_cast %get3A_1389 : vector<1x32x256xf32> to vector<32x256xf32>
      %add3A_1391 = arith.addf %get3A_1385, %get3A_1390 : vector<32x256xf32>
      %mul3A_1392 = arith.mulf %concatenate3A, %add3A_1391 : vector<32x256xf32>
      %reduce_sum3A_1393 = arith.constant dense<0.000000e+00> : vector<256xf32>
      %reduce_sum3A_1394 = vector.multi_reduction <add>, %mul3A_1392, %reduce_sum3A_1393 [0] : vector<32x256xf32> to vector<256xf32>
      %broadcast_in_dim3A_1395 = vector.shape_cast %reduce_sum3A_1394 : vector<256xf32> to vector<1x256xf32>
      %mul3A_1396 = arith.constant 5.000000e-01 : f32
      %mul3A_1397 = vector.broadcast %mul3A_1396 : f32 to vector<1x256xf32>
      %mul3A_1398 = arith.mulf %mul3A_1397, %broadcast_in_dim3A_1395 : vector<1x256xf32>
      %tanh3A_1399 = math.tanh %mul3A_1398 : vector<1x256xf32>
      %mul3A_1400 = arith.constant 2.500000e-01 : f32
      %mul3A_1401 = vector.broadcast %mul3A_1400 : f32 to vector<1x256xf32>
      %mul3A_1402 = arith.mulf %mul3A_1401, %tanh3A_1399 : vector<1x256xf32>
      %add3A_1403 = arith.constant 2.500000e-01 : f32
      %add3A_1404 = vector.broadcast %add3A_1403 : f32 to vector<1x256xf32>
      %add3A_1405 = arith.addf %mul3A_1402, %add3A_1404 : vector<1x256xf32>
      %dot_general3A_1406 = arith.constant dense<0.000000e+00> : vector<32x256xf32>
      %dot_general3A_1407 = tpu.matmul %get3A_1, %get3A_1385, %dot_general3A_1406 {dimension_numbers = #tpu.dot_dimension_numbers<[1], [0], [0], [1], [0, 0, 1, 1], [], []>, transpose_lhs_hint = false} : vector<32x32xf32>, vector<32x256xf32>, vector<32x256xf32> -> vector<32x256xf32>
      %get3A_1408 = arith.constant 0 : index
      %get3A_1409 = arith.constant 6144 : index
      %get3A_1410 = vector.load %arg9[%get3A_1408, %get3A_1409] : memref<32x8192xf32, #tpu.memory_space<vmem>>, vector<32x256xf32>
      %add3A_1411 = arith.addf %dot_general3A_1407, %get3A_1410 : vector<32x256xf32>
      %add3A_1412 = arith.addf %add3A_1411, %concatenate3A_46 : vector<32x256xf32>
      %tanh3A_1413 = math.tanh %add3A_1412 : vector<32x256xf32>
      %add3A_1414 = arith.constant 1.000000e+00 : f32
      %add3A_1415 = vector.broadcast %add3A_1414 : f32 to vector<32x256xf32>
      %add3A_1416 = arith.addf %tanh3A_1413, %add3A_1415 : vector<32x256xf32>
      %mul3A_1417 = vector.broadcast %add3A_1405 : vector<1x256xf32> to vector<32x256xf32>
      %mul3A_1418 = arith.mulf %mul3A_1417, %add3A_1416 : vector<32x256xf32>
      %add3A_1419 = arith.addf %get3A_1385, %mul3A_1418 : vector<32x256xf32>
      %mul3A_1420 = arith.mulf %add3A_1419, %add3A_1419 : vector<32x256xf32>
      %reduce_sum3A_1421 = arith.constant dense<0.000000e+00> : vector<256xf32>
      %reduce_sum3A_1422 = vector.multi_reduction <add>, %mul3A_1420, %reduce_sum3A_1421 [0] : vector<32x256xf32> to vector<256xf32>
      %broadcast_in_dim3A_1423 = vector.shape_cast %reduce_sum3A_1422 : vector<256xf32> to vector<1x256xf32>
      %max3A_1424 = arith.constant 9.99999996E-13 : f32
      %max3A_1425 = vector.broadcast %max3A_1424 : f32 to vector<1x256xf32>
      %max3A_1426 = arith.maximumf %broadcast_in_dim3A_1423, %max3A_1425 : vector<1x256xf32>
      %rsqrt3A_1427 = math.rsqrt %max3A_1426 : vector<1x256xf32>
      %mul3A_1428 = vector.broadcast %rsqrt3A_1427 : vector<1x256xf32> to vector<32x256xf32>
      %mul3A_1429 = arith.mulf %add3A_1419, %mul3A_1428 : vector<32x256xf32>
      %gt3A_1430 = arith.constant 5.000000e-01 : f32
      %gt3A_1431 = vector.broadcast %gt3A_1430 : f32 to vector<1x256xf32>
      %gt3A_1432 = arith.cmpf ogt, %concatenate3A_47, %gt3A_1431 : vector<1x256xf32>
      %broadcast_in_dim3A_1433 = vector.shape_cast %gt3A_1432 : vector<1x256xi1> to vector<1x256xi1>
      %broadcast_in_dim3A_1434 = vector.broadcast %broadcast_in_dim3A_1433 : vector<1x256xi1> to vector<32x256xi1>
      %select_n3A_1435 = arith.select %broadcast_in_dim3A_1434, %mul3A_1429, %get3A_1385 : vector<32x256xi1>, vector<32x256xf32>
      %swap3A_1436 = arith.constant 0 : index
      %swap3A_1437 = arith.constant 6144 : index
      %swap3A_1438 = vector.load %arg8[%swap3A_1436, %swap3A_1437] : memref<32x8192xf32, #tpu.memory_space<vmem>>, vector<32x256xf32>
      tpu.vector_store %arg8[%swap3A_1436, %swap3A_1437], %select_n3A_1435 {strides = array<i32>} : memref<32x8192xf32, #tpu.memory_space<vmem>>, vector<32x256xf32>,
      %get3A_1439 = arith.constant 0 : index
      %get3A_1440 = arith.constant 6400 : index
      %get3A_1441 = vector.load %arg8[%get3A_1439, %get3A_1440] : memref<32x8192xf32, #tpu.memory_space<vmem>>, vector<32x256xf32>
      %get3A_1442 = arith.constant 0 : index
      %get3A_1443 = arith.constant 0 : index
      %get3A_1444 = arith.constant 6400 : index
      %get3A_1445 = vector.load %arg3[%get3A_1442, %get3A_1443, %get3A_1444] : memref<1x32x8192xf32, #tpu.memory_space<vmem>>, vector<1x32x256xf32>
      %get3A_1446 = vector.shape_cast %get3A_1445 : vector<1x32x256xf32> to vector<32x256xf32>
      %add3A_1447 = arith.addf %get3A_1441, %get3A_1446 : vector<32x256xf32>
      %mul3A_1448 = arith.mulf %concatenate3A, %add3A_1447 : vector<32x256xf32>
      %reduce_sum3A_1449 = arith.constant dense<0.000000e+00> : vector<256xf32>
      %reduce_sum3A_1450 = vector.multi_reduction <add>, %mul3A_1448, %reduce_sum3A_1449 [0] : vector<32x256xf32> to vector<256xf32>
      %broadcast_in_dim3A_1451 = vector.shape_cast %reduce_sum3A_1450 : vector<256xf32> to vector<1x256xf32>
      %mul3A_1452 = arith.constant 5.000000e-01 : f32
      %mul3A_1453 = vector.broadcast %mul3A_1452 : f32 to vector<1x256xf32>
      %mul3A_1454 = arith.mulf %mul3A_1453, %broadcast_in_dim3A_1451 : vector<1x256xf32>
      %tanh3A_1455 = math.tanh %mul3A_1454 : vector<1x256xf32>
      %mul3A_1456 = arith.constant 2.500000e-01 : f32
      %mul3A_1457 = vector.broadcast %mul3A_1456 : f32 to vector<1x256xf32>
      %mul3A_1458 = arith.mulf %mul3A_1457, %tanh3A_1455 : vector<1x256xf32>
      %add3A_1459 = arith.constant 2.500000e-01 : f32
      %add3A_1460 = vector.broadcast %add3A_1459 : f32 to vector<1x256xf32>
      %add3A_1461 = arith.addf %mul3A_1458, %add3A_1460 : vector<1x256xf32>
      %dot_general3A_1462 = arith.constant dense<0.000000e+00> : vector<32x256xf32>
      %dot_general3A_1463 = tpu.matmul %get3A_1, %get3A_1441, %dot_general3A_1462 {dimension_numbers = #tpu.dot_dimension_numbers<[1], [0], [0], [1], [0, 0, 1, 1], [], []>, transpose_lhs_hint = false} : vector<32x32xf32>, vector<32x256xf32>, vector<32x256xf32> -> vector<32x256xf32>
      %get3A_1464 = arith.constant 0 : index
      %get3A_1465 = arith.constant 6400 : index
      %get3A_1466 = vector.load %arg9[%get3A_1464, %get3A_1465] : memref<32x8192xf32, #tpu.memory_space<vmem>>, vector<32x256xf32>
      %add3A_1467 = arith.addf %dot_general3A_1463, %get3A_1466 : vector<32x256xf32>
      %add3A_1468 = arith.addf %add3A_1467, %concatenate3A_46 : vector<32x256xf32>
      %tanh3A_1469 = math.tanh %add3A_1468 : vector<32x256xf32>
      %add3A_1470 = arith.constant 1.000000e+00 : f32
      %add3A_1471 = vector.broadcast %add3A_1470 : f32 to vector<32x256xf32>
      %add3A_1472 = arith.addf %tanh3A_1469, %add3A_1471 : vector<32x256xf32>
      %mul3A_1473 = vector.broadcast %add3A_1461 : vector<1x256xf32> to vector<32x256xf32>
      %mul3A_1474 = arith.mulf %mul3A_1473, %add3A_1472 : vector<32x256xf32>
      %add3A_1475 = arith.addf %get3A_1441, %mul3A_1474 : vector<32x256xf32>
      %mul3A_1476 = arith.mulf %add3A_1475, %add3A_1475 : vector<32x256xf32>
      %reduce_sum3A_1477 = arith.constant dense<0.000000e+00> : vector<256xf32>
      %reduce_sum3A_1478 = vector.multi_reduction <add>, %mul3A_1476, %reduce_sum3A_1477 [0] : vector<32x256xf32> to vector<256xf32>
      %broadcast_in_dim3A_1479 = vector.shape_cast %reduce_sum3A_1478 : vector<256xf32> to vector<1x256xf32>
      %max3A_1480 = arith.constant 9.99999996E-13 : f32
      %max3A_1481 = vector.broadcast %max3A_1480 : f32 to vector<1x256xf32>
      %max3A_1482 = arith.maximumf %broadcast_in_dim3A_1479, %max3A_1481 : vector<1x256xf32>
      %rsqrt3A_1483 = math.rsqrt %max3A_1482 : vector<1x256xf32>
      %mul3A_1484 = vector.broadcast %rsqrt3A_1483 : vector<1x256xf32> to vector<32x256xf32>
      %mul3A_1485 = arith.mulf %add3A_1475, %mul3A_1484 : vector<32x256xf32>
      %gt3A_1486 = arith.constant 5.000000e-01 : f32
      %gt3A_1487 = vector.broadcast %gt3A_1486 : f32 to vector<1x256xf32>
      %gt3A_1488 = arith.cmpf ogt, %concatenate3A_47, %gt3A_1487 : vector<1x256xf32>
      %broadcast_in_dim3A_1489 = vector.shape_cast %gt3A_1488 : vector<1x256xi1> to vector<1x256xi1>
      %broadcast_in_dim3A_1490 = vector.broadcast %broadcast_in_dim3A_1489 : vector<1x256xi1> to vector<32x256xi1>
      %select_n3A_1491 = arith.select %broadcast_in_dim3A_1490, %mul3A_1485, %get3A_1441 : vector<32x256xi1>, vector<32x256xf32>
      %swap3A_1492 = arith.constant 0 : index
      %swap3A_1493 = arith.constant 6400 : index
      %swap3A_1494 = vector.load %arg8[%swap3A_1492, %swap3A_1493] : memref<32x8192xf32, #tpu.memory_space<vmem>>, vector<32x256xf32>
      tpu.vector_store %arg8[%swap3A_1492, %swap3A_1493], %select_n3A_1491 {strides = array<i32>} : memref<32x8192xf32, #tpu.memory_space<vmem>>, vector<32x256xf32>,
      %get3A_1495 = arith.constant 0 : index
      %get3A_1496 = arith.constant 6656 : index
      %get3A_1497 = vector.load %arg8[%get3A_1495, %get3A_1496] : memref<32x8192xf32, #tpu.memory_space<vmem>>, vector<32x256xf32>
      %get3A_1498 = arith.constant 0 : index
      %get3A_1499 = arith.constant 0 : index
      %get3A_1500 = arith.constant 6656 : index
      %get3A_1501 = vector.load %arg3[%get3A_1498, %get3A_1499, %get3A_1500] : memref<1x32x8192xf32, #tpu.memory_space<vmem>>, vector<1x32x256xf32>
      %get3A_1502 = vector.shape_cast %get3A_1501 : vector<1x32x256xf32> to vector<32x256xf32>
      %add3A_1503 = arith.addf %get3A_1497, %get3A_1502 : vector<32x256xf32>
      %mul3A_1504 = arith.mulf %concatenate3A, %add3A_1503 : vector<32x256xf32>
      %reduce_sum3A_1505 = arith.constant dense<0.000000e+00> : vector<256xf32>
      %reduce_sum3A_1506 = vector.multi_reduction <add>, %mul3A_1504, %reduce_sum3A_1505 [0] : vector<32x256xf32> to vector<256xf32>
      %broadcast_in_dim3A_1507 = vector.shape_cast %reduce_sum3A_1506 : vector<256xf32> to vector<1x256xf32>
      %mul3A_1508 = arith.constant 5.000000e-01 : f32
      %mul3A_1509 = vector.broadcast %mul3A_1508 : f32 to vector<1x256xf32>
      %mul3A_1510 = arith.mulf %mul3A_1509, %broadcast_in_dim3A_1507 : vector<1x256xf32>
      %tanh3A_1511 = math.tanh %mul3A_1510 : vector<1x256xf32>
      %mul3A_1512 = arith.constant 2.500000e-01 : f32
      %mul3A_1513 = vector.broadcast %mul3A_1512 : f32 to vector<1x256xf32>
      %mul3A_1514 = arith.mulf %mul3A_1513, %tanh3A_1511 : vector<1x256xf32>
      %add3A_1515 = arith.constant 2.500000e-01 : f32
      %add3A_1516 = vector.broadcast %add3A_1515 : f32 to vector<1x256xf32>
      %add3A_1517 = arith.addf %mul3A_1514, %add3A_1516 : vector<1x256xf32>
      %dot_general3A_1518 = arith.constant dense<0.000000e+00> : vector<32x256xf32>
      %dot_general3A_1519 = tpu.matmul %get3A_1, %get3A_1497, %dot_general3A_1518 {dimension_numbers = #tpu.dot_dimension_numbers<[1], [0], [0], [1], [0, 0, 1, 1], [], []>, transpose_lhs_hint = false} : vector<32x32xf32>, vector<32x256xf32>, vector<32x256xf32> -> vector<32x256xf32>
      %get3A_1520 = arith.constant 0 : index
      %get3A_1521 = arith.constant 6656 : index
      %get3A_1522 = vector.load %arg9[%get3A_1520, %get3A_1521] : memref<32x8192xf32, #tpu.memory_space<vmem>>, vector<32x256xf32>
      %add3A_1523 = arith.addf %dot_general3A_1519, %get3A_1522 : vector<32x256xf32>
      %add3A_1524 = arith.addf %add3A_1523, %concatenate3A_46 : vector<32x256xf32>
      %tanh3A_1525 = math.tanh %add3A_1524 : vector<32x256xf32>
      %add3A_1526 = arith.constant 1.000000e+00 : f32
      %add3A_1527 = vector.broadcast %add3A_1526 : f32 to vector<32x256xf32>
      %add3A_1528 = arith.addf %tanh3A_1525, %add3A_1527 : vector<32x256xf32>
      %mul3A_1529 = vector.broadcast %add3A_1517 : vector<1x256xf32> to vector<32x256xf32>
      %mul3A_1530 = arith.mulf %mul3A_1529, %add3A_1528 : vector<32x256xf32>
      %add3A_1531 = arith.addf %get3A_1497, %mul3A_1530 : vector<32x256xf32>
      %mul3A_1532 = arith.mulf %add3A_1531, %add3A_1531 : vector<32x256xf32>
      %reduce_sum3A_1533 = arith.constant dense<0.000000e+00> : vector<256xf32>
      %reduce_sum3A_1534 = vector.multi_reduction <add>, %mul3A_1532, %reduce_sum3A_1533 [0] : vector<32x256xf32> to vector<256xf32>
      %broadcast_in_dim3A_1535 = vector.shape_cast %reduce_sum3A_1534 : vector<256xf32> to vector<1x256xf32>
      %max3A_1536 = arith.constant 9.99999996E-13 : f32
      %max3A_1537 = vector.broadcast %max3A_1536 : f32 to vector<1x256xf32>
      %max3A_1538 = arith.maximumf %broadcast_in_dim3A_1535, %max3A_1537 : vector<1x256xf32>
      %rsqrt3A_1539 = math.rsqrt %max3A_1538 : vector<1x256xf32>
      %mul3A_1540 = vector.broadcast %rsqrt3A_1539 : vector<1x256xf32> to vector<32x256xf32>
      %mul3A_1541 = arith.mulf %add3A_1531, %mul3A_1540 : vector<32x256xf32>
      %gt3A_1542 = arith.constant 5.000000e-01 : f32
      %gt3A_1543 = vector.broadcast %gt3A_1542 : f32 to vector<1x256xf32>
      %gt3A_1544 = arith.cmpf ogt, %concatenate3A_47, %gt3A_1543 : vector<1x256xf32>
      %broadcast_in_dim3A_1545 = vector.shape_cast %gt3A_1544 : vector<1x256xi1> to vector<1x256xi1>
      %broadcast_in_dim3A_1546 = vector.broadcast %broadcast_in_dim3A_1545 : vector<1x256xi1> to vector<32x256xi1>
      %select_n3A_1547 = arith.select %broadcast_in_dim3A_1546, %mul3A_1541, %get3A_1497 : vector<32x256xi1>, vector<32x256xf32>
      %swap3A_1548 = arith.constant 0 : index
      %swap3A_1549 = arith.constant 6656 : index
      %swap3A_1550 = vector.load %arg8[%swap3A_1548, %swap3A_1549] : memref<32x8192xf32, #tpu.memory_space<vmem>>, vector<32x256xf32>
      tpu.vector_store %arg8[%swap3A_1548, %swap3A_1549], %select_n3A_1547 {strides = array<i32>} : memref<32x8192xf32, #tpu.memory_space<vmem>>, vector<32x256xf32>,
      %get3A_1551 = arith.constant 0 : index
      %get3A_1552 = arith.constant 6912 : index
      %get3A_1553 = vector.load %arg8[%get3A_1551, %get3A_1552] : memref<32x8192xf32, #tpu.memory_space<vmem>>, vector<32x256xf32>
      %get3A_1554 = arith.constant 0 : index
      %get3A_1555 = arith.constant 0 : index
      %get3A_1556 = arith.constant 6912 : index
      %get3A_1557 = vector.load %arg3[%get3A_1554, %get3A_1555, %get3A_1556] : memref<1x32x8192xf32, #tpu.memory_space<vmem>>, vector<1x32x256xf32>
      %get3A_1558 = vector.shape_cast %get3A_1557 : vector<1x32x256xf32> to vector<32x256xf32>
      %add3A_1559 = arith.addf %get3A_1553, %get3A_1558 : vector<32x256xf32>
      %mul3A_1560 = arith.mulf %concatenate3A, %add3A_1559 : vector<32x256xf32>
      %reduce_sum3A_1561 = arith.constant dense<0.000000e+00> : vector<256xf32>
      %reduce_sum3A_1562 = vector.multi_reduction <add>, %mul3A_1560, %reduce_sum3A_1561 [0] : vector<32x256xf32> to vector<256xf32>
      %broadcast_in_dim3A_1563 = vector.shape_cast %reduce_sum3A_1562 : vector<256xf32> to vector<1x256xf32>
      %mul3A_1564 = arith.constant 5.000000e-01 : f32
      %mul3A_1565 = vector.broadcast %mul3A_1564 : f32 to vector<1x256xf32>
      %mul3A_1566 = arith.mulf %mul3A_1565, %broadcast_in_dim3A_1563 : vector<1x256xf32>
      %tanh3A_1567 = math.tanh %mul3A_1566 : vector<1x256xf32>
      %mul3A_1568 = arith.constant 2.500000e-01 : f32
      %mul3A_1569 = vector.broadcast %mul3A_1568 : f32 to vector<1x256xf32>
      %mul3A_1570 = arith.mulf %mul3A_1569, %tanh3A_1567 : vector<1x256xf32>
      %add3A_1571 = arith.constant 2.500000e-01 : f32
      %add3A_1572 = vector.broadcast %add3A_1571 : f32 to vector<1x256xf32>
      %add3A_1573 = arith.addf %mul3A_1570, %add3A_1572 : vector<1x256xf32>
      %dot_general3A_1574 = arith.constant dense<0.000000e+00> : vector<32x256xf32>
      %dot_general3A_1575 = tpu.matmul %get3A_1, %get3A_1553, %dot_general3A_1574 {dimension_numbers = #tpu.dot_dimension_numbers<[1], [0], [0], [1], [0, 0, 1, 1], [], []>, transpose_lhs_hint = false} : vector<32x32xf32>, vector<32x256xf32>, vector<32x256xf32> -> vector<32x256xf32>
      %get3A_1576 = arith.constant 0 : index
      %get3A_1577 = arith.constant 6912 : index
      %get3A_1578 = vector.load %arg9[%get3A_1576, %get3A_1577] : memref<32x8192xf32, #tpu.memory_space<vmem>>, vector<32x256xf32>
      %add3A_1579 = arith.addf %dot_general3A_1575, %get3A_1578 : vector<32x256xf32>
      %add3A_1580 = arith.addf %add3A_1579, %concatenate3A_46 : vector<32x256xf32>
      %tanh3A_1581 = math.tanh %add3A_1580 : vector<32x256xf32>
      %add3A_1582 = arith.constant 1.000000e+00 : f32
      %add3A_1583 = vector.broadcast %add3A_1582 : f32 to vector<32x256xf32>
      %add3A_1584 = arith.addf %tanh3A_1581, %add3A_1583 : vector<32x256xf32>
      %mul3A_1585 = vector.broadcast %add3A_1573 : vector<1x256xf32> to vector<32x256xf32>
      %mul3A_1586 = arith.mulf %mul3A_1585, %add3A_1584 : vector<32x256xf32>
      %add3A_1587 = arith.addf %get3A_1553, %mul3A_1586 : vector<32x256xf32>
      %mul3A_1588 = arith.mulf %add3A_1587, %add3A_1587 : vector<32x256xf32>
      %reduce_sum3A_1589 = arith.constant dense<0.000000e+00> : vector<256xf32>
      %reduce_sum3A_1590 = vector.multi_reduction <add>, %mul3A_1588, %reduce_sum3A_1589 [0] : vector<32x256xf32> to vector<256xf32>
      %broadcast_in_dim3A_1591 = vector.shape_cast %reduce_sum3A_1590 : vector<256xf32> to vector<1x256xf32>
      %max3A_1592 = arith.constant 9.99999996E-13 : f32
      %max3A_1593 = vector.broadcast %max3A_1592 : f32 to vector<1x256xf32>
      %max3A_1594 = arith.maximumf %broadcast_in_dim3A_1591, %max3A_1593 : vector<1x256xf32>
      %rsqrt3A_1595 = math.rsqrt %max3A_1594 : vector<1x256xf32>
      %mul3A_1596 = vector.broadcast %rsqrt3A_1595 : vector<1x256xf32> to vector<32x256xf32>
      %mul3A_1597 = arith.mulf %add3A_1587, %mul3A_1596 : vector<32x256xf32>
      %gt3A_1598 = arith.constant 5.000000e-01 : f32
      %gt3A_1599 = vector.broadcast %gt3A_1598 : f32 to vector<1x256xf32>
      %gt3A_1600 = arith.cmpf ogt, %concatenate3A_47, %gt3A_1599 : vector<1x256xf32>
      %broadcast_in_dim3A_1601 = vector.shape_cast %gt3A_1600 : vector<1x256xi1> to vector<1x256xi1>
      %broadcast_in_dim3A_1602 = vector.broadcast %broadcast_in_dim3A_1601 : vector<1x256xi1> to vector<32x256xi1>
      %select_n3A_1603 = arith.select %broadcast_in_dim3A_1602, %mul3A_1597, %get3A_1553 : vector<32x256xi1>, vector<32x256xf32>
      %swap3A_1604 = arith.constant 0 : index
      %swap3A_1605 = arith.constant 6912 : index
      %swap3A_1606 = vector.load %arg8[%swap3A_1604, %swap3A_1605] : memref<32x8192xf32, #tpu.memory_space<vmem>>, vector<32x256xf32>
      tpu.vector_store %arg8[%swap3A_1604, %swap3A_1605], %select_n3A_1603 {strides = array<i32>} : memref<32x8192xf32, #tpu.memory_space<vmem>>, vector<32x256xf32>,
      %get3A_1607 = arith.constant 0 : index
      %get3A_1608 = arith.constant 7168 : index
      %get3A_1609 = vector.load %arg8[%get3A_1607, %get3A_1608] : memref<32x8192xf32, #tpu.memory_space<vmem>>, vector<32x256xf32>
      %get3A_1610 = arith.constant 0 : index
      %get3A_1611 = arith.constant 0 : index
      %get3A_1612 = arith.constant 7168 : index
      %get3A_1613 = vector.load %arg3[%get3A_1610, %get3A_1611, %get3A_1612] : memref<1x32x8192xf32, #tpu.memory_space<vmem>>, vector<1x32x256xf32>
      %get3A_1614 = vector.shape_cast %get3A_1613 : vector<1x32x256xf32> to vector<32x256xf32>
      %add3A_1615 = arith.addf %get3A_1609, %get3A_1614 : vector<32x256xf32>
      %mul3A_1616 = arith.mulf %concatenate3A, %add3A_1615 : vector<32x256xf32>
      %reduce_sum3A_1617 = arith.constant dense<0.000000e+00> : vector<256xf32>
      %reduce_sum3A_1618 = vector.multi_reduction <add>, %mul3A_1616, %reduce_sum3A_1617 [0] : vector<32x256xf32> to vector<256xf32>
      %broadcast_in_dim3A_1619 = vector.shape_cast %reduce_sum3A_1618 : vector<256xf32> to vector<1x256xf32>
      %mul3A_1620 = arith.constant 5.000000e-01 : f32
      %mul3A_1621 = vector.broadcast %mul3A_1620 : f32 to vector<1x256xf32>
      %mul3A_1622 = arith.mulf %mul3A_1621, %broadcast_in_dim3A_1619 : vector<1x256xf32>
      %tanh3A_1623 = math.tanh %mul3A_1622 : vector<1x256xf32>
      %mul3A_1624 = arith.constant 2.500000e-01 : f32
      %mul3A_1625 = vector.broadcast %mul3A_1624 : f32 to vector<1x256xf32>
      %mul3A_1626 = arith.mulf %mul3A_1625, %tanh3A_1623 : vector<1x256xf32>
      %add3A_1627 = arith.constant 2.500000e-01 : f32
      %add3A_1628 = vector.broadcast %add3A_1627 : f32 to vector<1x256xf32>
      %add3A_1629 = arith.addf %mul3A_1626, %add3A_1628 : vector<1x256xf32>
      %dot_general3A_1630 = arith.constant dense<0.000000e+00> : vector<32x256xf32>
      %dot_general3A_1631 = tpu.matmul %get3A_1, %get3A_1609, %dot_general3A_1630 {dimension_numbers = #tpu.dot_dimension_numbers<[1], [0], [0], [1], [0, 0, 1, 1], [], []>, transpose_lhs_hint = false} : vector<32x32xf32>, vector<32x256xf32>, vector<32x256xf32> -> vector<32x256xf32>
      %get3A_1632 = arith.constant 0 : index
      %get3A_1633 = arith.constant 7168 : index
      %get3A_1634 = vector.load %arg9[%get3A_1632, %get3A_1633] : memref<32x8192xf32, #tpu.memory_space<vmem>>, vector<32x256xf32>
      %add3A_1635 = arith.addf %dot_general3A_1631, %get3A_1634 : vector<32x256xf32>
      %add3A_1636 = arith.addf %add3A_1635, %concatenate3A_46 : vector<32x256xf32>
      %tanh3A_1637 = math.tanh %add3A_1636 : vector<32x256xf32>
      %add3A_1638 = arith.constant 1.000000e+00 : f32
      %add3A_1639 = vector.broadcast %add3A_1638 : f32 to vector<32x256xf32>
      %add3A_1640 = arith.addf %tanh3A_1637, %add3A_1639 : vector<32x256xf32>
      %mul3A_1641 = vector.broadcast %add3A_1629 : vector<1x256xf32> to vector<32x256xf32>
      %mul3A_1642 = arith.mulf %mul3A_1641, %add3A_1640 : vector<32x256xf32>
      %add3A_1643 = arith.addf %get3A_1609, %mul3A_1642 : vector<32x256xf32>
      %mul3A_1644 = arith.mulf %add3A_1643, %add3A_1643 : vector<32x256xf32>
      %reduce_sum3A_1645 = arith.constant dense<0.000000e+00> : vector<256xf32>
      %reduce_sum3A_1646 = vector.multi_reduction <add>, %mul3A_1644, %reduce_sum3A_1645 [0] : vector<32x256xf32> to vector<256xf32>
      %broadcast_in_dim3A_1647 = vector.shape_cast %reduce_sum3A_1646 : vector<256xf32> to vector<1x256xf32>
      %max3A_1648 = arith.constant 9.99999996E-13 : f32
      %max3A_1649 = vector.broadcast %max3A_1648 : f32 to vector<1x256xf32>
      %max3A_1650 = arith.maximumf %broadcast_in_dim3A_1647, %max3A_1649 : vector<1x256xf32>
      %rsqrt3A_1651 = math.rsqrt %max3A_1650 : vector<1x256xf32>
      %mul3A_1652 = vector.broadcast %rsqrt3A_1651 : vector<1x256xf32> to vector<32x256xf32>
      %mul3A_1653 = arith.mulf %add3A_1643, %mul3A_1652 : vector<32x256xf32>
      %gt3A_1654 = arith.constant 5.000000e-01 : f32
      %gt3A_1655 = vector.broadcast %gt3A_1654 : f32 to vector<1x256xf32>
      %gt3A_1656 = arith.cmpf ogt, %concatenate3A_47, %gt3A_1655 : vector<1x256xf32>
      %broadcast_in_dim3A_1657 = vector.shape_cast %gt3A_1656 : vector<1x256xi1> to vector<1x256xi1>
      %broadcast_in_dim3A_1658 = vector.broadcast %broadcast_in_dim3A_1657 : vector<1x256xi1> to vector<32x256xi1>
      %select_n3A_1659 = arith.select %broadcast_in_dim3A_1658, %mul3A_1653, %get3A_1609 : vector<32x256xi1>, vector<32x256xf32>
      %swap3A_1660 = arith.constant 0 : index
      %swap3A_1661 = arith.constant 7168 : index
      %swap3A_1662 = vector.load %arg8[%swap3A_1660, %swap3A_1661] : memref<32x8192xf32, #tpu.memory_space<vmem>>, vector<32x256xf32>
      tpu.vector_store %arg8[%swap3A_1660, %swap3A_1661], %select_n3A_1659 {strides = array<i32>} : memref<32x8192xf32, #tpu.memory_space<vmem>>, vector<32x256xf32>,
      %get3A_1663 = arith.constant 0 : index
      %get3A_1664 = arith.constant 7424 : index
      %get3A_1665 = vector.load %arg8[%get3A_1663, %get3A_1664] : memref<32x8192xf32, #tpu.memory_space<vmem>>, vector<32x256xf32>
      %get3A_1666 = arith.constant 0 : index
      %get3A_1667 = arith.constant 0 : index
      %get3A_1668 = arith.constant 7424 : index
      %get3A_1669 = vector.load %arg3[%get3A_1666, %get3A_1667, %get3A_1668] : memref<1x32x8192xf32, #tpu.memory_space<vmem>>, vector<1x32x256xf32>
      %get3A_1670 = vector.shape_cast %get3A_1669 : vector<1x32x256xf32> to vector<32x256xf32>
      %add3A_1671 = arith.addf %get3A_1665, %get3A_1670 : vector<32x256xf32>
      %mul3A_1672 = arith.mulf %concatenate3A, %add3A_1671 : vector<32x256xf32>
      %reduce_sum3A_1673 = arith.constant dense<0.000000e+00> : vector<256xf32>
      %reduce_sum3A_1674 = vector.multi_reduction <add>, %mul3A_1672, %reduce_sum3A_1673 [0] : vector<32x256xf32> to vector<256xf32>
      %broadcast_in_dim3A_1675 = vector.shape_cast %reduce_sum3A_1674 : vector<256xf32> to vector<1x256xf32>
      %mul3A_1676 = arith.constant 5.000000e-01 : f32
      %mul3A_1677 = vector.broadcast %mul3A_1676 : f32 to vector<1x256xf32>
      %mul3A_1678 = arith.mulf %mul3A_1677, %broadcast_in_dim3A_1675 : vector<1x256xf32>
      %tanh3A_1679 = math.tanh %mul3A_1678 : vector<1x256xf32>
      %mul3A_1680 = arith.constant 2.500000e-01 : f32
      %mul3A_1681 = vector.broadcast %mul3A_1680 : f32 to vector<1x256xf32>
      %mul3A_1682 = arith.mulf %mul3A_1681, %tanh3A_1679 : vector<1x256xf32>
      %add3A_1683 = arith.constant 2.500000e-01 : f32
      %add3A_1684 = vector.broadcast %add3A_1683 : f32 to vector<1x256xf32>
      %add3A_1685 = arith.addf %mul3A_1682, %add3A_1684 : vector<1x256xf32>
      %dot_general3A_1686 = arith.constant dense<0.000000e+00> : vector<32x256xf32>
      %dot_general3A_1687 = tpu.matmul %get3A_1, %get3A_1665, %dot_general3A_1686 {dimension_numbers = #tpu.dot_dimension_numbers<[1], [0], [0], [1], [0, 0, 1, 1], [], []>, transpose_lhs_hint = false} : vector<32x32xf32>, vector<32x256xf32>, vector<32x256xf32> -> vector<32x256xf32>
      %get3A_1688 = arith.constant 0 : index
      %get3A_1689 = arith.constant 7424 : index
      %get3A_1690 = vector.load %arg9[%get3A_1688, %get3A_1689] : memref<32x8192xf32, #tpu.memory_space<vmem>>, vector<32x256xf32>
      %add3A_1691 = arith.addf %dot_general3A_1687, %get3A_1690 : vector<32x256xf32>
      %add3A_1692 = arith.addf %add3A_1691, %concatenate3A_46 : vector<32x256xf32>
      %tanh3A_1693 = math.tanh %add3A_1692 : vector<32x256xf32>
      %add3A_1694 = arith.constant 1.000000e+00 : f32
      %add3A_1695 = vector.broadcast %add3A_1694 : f32 to vector<32x256xf32>
      %add3A_1696 = arith.addf %tanh3A_1693, %add3A_1695 : vector<32x256xf32>
      %mul3A_1697 = vector.broadcast %add3A_1685 : vector<1x256xf32> to vector<32x256xf32>
      %mul3A_1698 = arith.mulf %mul3A_1697, %add3A_1696 : vector<32x256xf32>
      %add3A_1699 = arith.addf %get3A_1665, %mul3A_1698 : vector<32x256xf32>
      %mul3A_1700 = arith.mulf %add3A_1699, %add3A_1699 : vector<32x256xf32>
      %reduce_sum3A_1701 = arith.constant dense<0.000000e+00> : vector<256xf32>
      %reduce_sum3A_1702 = vector.multi_reduction <add>, %mul3A_1700, %reduce_sum3A_1701 [0] : vector<32x256xf32> to vector<256xf32>
      %broadcast_in_dim3A_1703 = vector.shape_cast %reduce_sum3A_1702 : vector<256xf32> to vector<1x256xf32>
      %max3A_1704 = arith.constant 9.99999996E-13 : f32
      %max3A_1705 = vector.broadcast %max3A_1704 : f32 to vector<1x256xf32>
      %max3A_1706 = arith.maximumf %broadcast_in_dim3A_1703, %max3A_1705 : vector<1x256xf32>
      %rsqrt3A_1707 = math.rsqrt %max3A_1706 : vector<1x256xf32>
      %mul3A_1708 = vector.broadcast %rsqrt3A_1707 : vector<1x256xf32> to vector<32x256xf32>
      %mul3A_1709 = arith.mulf %add3A_1699, %mul3A_1708 : vector<32x256xf32>
      %gt3A_1710 = arith.constant 5.000000e-01 : f32
      %gt3A_1711 = vector.broadcast %gt3A_1710 : f32 to vector<1x256xf32>
      %gt3A_1712 = arith.cmpf ogt, %concatenate3A_47, %gt3A_1711 : vector<1x256xf32>
      %broadcast_in_dim3A_1713 = vector.shape_cast %gt3A_1712 : vector<1x256xi1> to vector<1x256xi1>
      %broadcast_in_dim3A_1714 = vector.broadcast %broadcast_in_dim3A_1713 : vector<1x256xi1> to vector<32x256xi1>
      %select_n3A_1715 = arith.select %broadcast_in_dim3A_1714, %mul3A_1709, %get3A_1665 : vector<32x256xi1>, vector<32x256xf32>
      %swap3A_1716 = arith.constant 0 : index
      %swap3A_1717 = arith.constant 7424 : index
      %swap3A_1718 = vector.load %arg8[%swap3A_1716, %swap3A_1717] : memref<32x8192xf32, #tpu.memory_space<vmem>>, vector<32x256xf32>
      tpu.vector_store %arg8[%swap3A_1716, %swap3A_1717], %select_n3A_1715 {strides = array<i32>} : memref<32x8192xf32, #tpu.memory_space<vmem>>, vector<32x256xf32>,
      %get3A_1719 = arith.constant 0 : index
      %get3A_1720 = arith.constant 7680 : index
      %get3A_1721 = vector.load %arg8[%get3A_1719, %get3A_1720] : memref<32x8192xf32, #tpu.memory_space<vmem>>, vector<32x256xf32>
      %get3A_1722 = arith.constant 0 : index
      %get3A_1723 = arith.constant 0 : index
      %get3A_1724 = arith.constant 7680 : index
      %get3A_1725 = vector.load %arg3[%get3A_1722, %get3A_1723, %get3A_1724] : memref<1x32x8192xf32, #tpu.memory_space<vmem>>, vector<1x32x256xf32>
      %get3A_1726 = vector.shape_cast %get3A_1725 : vector<1x32x256xf32> to vector<32x256xf32>
      %add3A_1727 = arith.addf %get3A_1721, %get3A_1726 : vector<32x256xf32>
      %mul3A_1728 = arith.mulf %concatenate3A, %add3A_1727 : vector<32x256xf32>
      %reduce_sum3A_1729 = arith.constant dense<0.000000e+00> : vector<256xf32>
      %reduce_sum3A_1730 = vector.multi_reduction <add>, %mul3A_1728, %reduce_sum3A_1729 [0] : vector<32x256xf32> to vector<256xf32>
      %broadcast_in_dim3A_1731 = vector.shape_cast %reduce_sum3A_1730 : vector<256xf32> to vector<1x256xf32>
      %mul3A_1732 = arith.constant 5.000000e-01 : f32
      %mul3A_1733 = vector.broadcast %mul3A_1732 : f32 to vector<1x256xf32>
      %mul3A_1734 = arith.mulf %mul3A_1733, %broadcast_in_dim3A_1731 : vector<1x256xf32>
      %tanh3A_1735 = math.tanh %mul3A_1734 : vector<1x256xf32>
      %mul3A_1736 = arith.constant 2.500000e-01 : f32
      %mul3A_1737 = vector.broadcast %mul3A_1736 : f32 to vector<1x256xf32>
      %mul3A_1738 = arith.mulf %mul3A_1737, %tanh3A_1735 : vector<1x256xf32>
      %add3A_1739 = arith.constant 2.500000e-01 : f32
      %add3A_1740 = vector.broadcast %add3A_1739 : f32 to vector<1x256xf32>
      %add3A_1741 = arith.addf %mul3A_1738, %add3A_1740 : vector<1x256xf32>
      %dot_general3A_1742 = arith.constant dense<0.000000e+00> : vector<32x256xf32>
      %dot_general3A_1743 = tpu.matmul %get3A_1, %get3A_1721, %dot_general3A_1742 {dimension_numbers = #tpu.dot_dimension_numbers<[1], [0], [0], [1], [0, 0, 1, 1], [], []>, transpose_lhs_hint = false} : vector<32x32xf32>, vector<32x256xf32>, vector<32x256xf32> -> vector<32x256xf32>
      %get3A_1744 = arith.constant 0 : index
      %get3A_1745 = arith.constant 7680 : index
      %get3A_1746 = vector.load %arg9[%get3A_1744, %get3A_1745] : memref<32x8192xf32, #tpu.memory_space<vmem>>, vector<32x256xf32>
      %add3A_1747 = arith.addf %dot_general3A_1743, %get3A_1746 : vector<32x256xf32>
      %add3A_1748 = arith.addf %add3A_1747, %concatenate3A_46 : vector<32x256xf32>
      %tanh3A_1749 = math.tanh %add3A_1748 : vector<32x256xf32>
      %add3A_1750 = arith.constant 1.000000e+00 : f32
      %add3A_1751 = vector.broadcast %add3A_1750 : f32 to vector<32x256xf32>
      %add3A_1752 = arith.addf %tanh3A_1749, %add3A_1751 : vector<32x256xf32>
      %mul3A_1753 = vector.broadcast %add3A_1741 : vector<1x256xf32> to vector<32x256xf32>
      %mul3A_1754 = arith.mulf %mul3A_1753, %add3A_1752 : vector<32x256xf32>
      %add3A_1755 = arith.addf %get3A_1721, %mul3A_1754 : vector<32x256xf32>
      %mul3A_1756 = arith.mulf %add3A_1755, %add3A_1755 : vector<32x256xf32>
      %reduce_sum3A_1757 = arith.constant dense<0.000000e+00> : vector<256xf32>
      %reduce_sum3A_1758 = vector.multi_reduction <add>, %mul3A_1756, %reduce_sum3A_1757 [0] : vector<32x256xf32> to vector<256xf32>
      %broadcast_in_dim3A_1759 = vector.shape_cast %reduce_sum3A_1758 : vector<256xf32> to vector<1x256xf32>
      %max3A_1760 = arith.constant 9.99999996E-13 : f32
      %max3A_1761 = vector.broadcast %max3A_1760 : f32 to vector<1x256xf32>
      %max3A_1762 = arith.maximumf %broadcast_in_dim3A_1759, %max3A_1761 : vector<1x256xf32>
      %rsqrt3A_1763 = math.rsqrt %max3A_1762 : vector<1x256xf32>
      %mul3A_1764 = vector.broadcast %rsqrt3A_1763 : vector<1x256xf32> to vector<32x256xf32>
      %mul3A_1765 = arith.mulf %add3A_1755, %mul3A_1764 : vector<32x256xf32>
      %gt3A_1766 = arith.constant 5.000000e-01 : f32
      %gt3A_1767 = vector.broadcast %gt3A_1766 : f32 to vector<1x256xf32>
      %gt3A_1768 = arith.cmpf ogt, %concatenate3A_47, %gt3A_1767 : vector<1x256xf32>
      %broadcast_in_dim3A_1769 = vector.shape_cast %gt3A_1768 : vector<1x256xi1> to vector<1x256xi1>
      %broadcast_in_dim3A_1770 = vector.broadcast %broadcast_in_dim3A_1769 : vector<1x256xi1> to vector<32x256xi1>
      %select_n3A_1771 = arith.select %broadcast_in_dim3A_1770, %mul3A_1765, %get3A_1721 : vector<32x256xi1>, vector<32x256xf32>
      %swap3A_1772 = arith.constant 0 : index
      %swap3A_1773 = arith.constant 7680 : index
      %swap3A_1774 = vector.load %arg8[%swap3A_1772, %swap3A_1773] : memref<32x8192xf32, #tpu.memory_space<vmem>>, vector<32x256xf32>
      tpu.vector_store %arg8[%swap3A_1772, %swap3A_1773], %select_n3A_1771 {strides = array<i32>} : memref<32x8192xf32, #tpu.memory_space<vmem>>, vector<32x256xf32>,
      %get3A_1775 = arith.constant 0 : index
      %get3A_1776 = arith.constant 7936 : index
      %get3A_1777 = vector.load %arg8[%get3A_1775, %get3A_1776] : memref<32x8192xf32, #tpu.memory_space<vmem>>, vector<32x256xf32>
      %get3A_1778 = arith.constant 0 : index
      %get3A_1779 = arith.constant 0 : index
      %get3A_1780 = arith.constant 7936 : index
      %get3A_1781 = vector.load %arg3[%get3A_1778, %get3A_1779, %get3A_1780] : memref<1x32x8192xf32, #tpu.memory_space<vmem>>, vector<1x32x256xf32>
      %get3A_1782 = vector.shape_cast %get3A_1781 : vector<1x32x256xf32> to vector<32x256xf32>
      %add3A_1783 = arith.addf %get3A_1777, %get3A_1782 : vector<32x256xf32>
      %mul3A_1784 = arith.mulf %concatenate3A, %add3A_1783 : vector<32x256xf32>
      %reduce_sum3A_1785 = arith.constant dense<0.000000e+00> : vector<256xf32>
      %reduce_sum3A_1786 = vector.multi_reduction <add>, %mul3A_1784, %reduce_sum3A_1785 [0] : vector<32x256xf32> to vector<256xf32>
      %broadcast_in_dim3A_1787 = vector.shape_cast %reduce_sum3A_1786 : vector<256xf32> to vector<1x256xf32>
      %mul3A_1788 = arith.constant 5.000000e-01 : f32
      %mul3A_1789 = vector.broadcast %mul3A_1788 : f32 to vector<1x256xf32>
      %mul3A_1790 = arith.mulf %mul3A_1789, %broadcast_in_dim3A_1787 : vector<1x256xf32>
      %tanh3A_1791 = math.tanh %mul3A_1790 : vector<1x256xf32>
      %mul3A_1792 = arith.constant 2.500000e-01 : f32
      %mul3A_1793 = vector.broadcast %mul3A_1792 : f32 to vector<1x256xf32>
      %mul3A_1794 = arith.mulf %mul3A_1793, %tanh3A_1791 : vector<1x256xf32>
      %add3A_1795 = arith.constant 2.500000e-01 : f32
      %add3A_1796 = vector.broadcast %add3A_1795 : f32 to vector<1x256xf32>
      %add3A_1797 = arith.addf %mul3A_1794, %add3A_1796 : vector<1x256xf32>
      %dot_general3A_1798 = arith.constant dense<0.000000e+00> : vector<32x256xf32>
      %dot_general3A_1799 = tpu.matmul %get3A_1, %get3A_1777, %dot_general3A_1798 {dimension_numbers = #tpu.dot_dimension_numbers<[1], [0], [0], [1], [0, 0, 1, 1], [], []>, transpose_lhs_hint = false} : vector<32x32xf32>, vector<32x256xf32>, vector<32x256xf32> -> vector<32x256xf32>
      %get3A_1800 = arith.constant 0 : index
      %get3A_1801 = arith.constant 7936 : index
      %get3A_1802 = vector.load %arg9[%get3A_1800, %get3A_1801] : memref<32x8192xf32, #tpu.memory_space<vmem>>, vector<32x256xf32>
      %add3A_1803 = arith.addf %dot_general3A_1799, %get3A_1802 : vector<32x256xf32>
      %add3A_1804 = arith.addf %add3A_1803, %concatenate3A_46 : vector<32x256xf32>
      %tanh3A_1805 = math.tanh %add3A_1804 : vector<32x256xf32>
      %add3A_1806 = arith.constant 1.000000e+00 : f32
      %add3A_1807 = vector.broadcast %add3A_1806 : f32 to vector<32x256xf32>
      %add3A_1808 = arith.addf %tanh3A_1805, %add3A_1807 : vector<32x256xf32>
      %mul3A_1809 = vector.broadcast %add3A_1797 : vector<1x256xf32> to vector<32x256xf32>
      %mul3A_1810 = arith.mulf %mul3A_1809, %add3A_1808 : vector<32x256xf32>
      %add3A_1811 = arith.addf %get3A_1777, %mul3A_1810 : vector<32x256xf32>
      %mul3A_1812 = arith.mulf %add3A_1811, %add3A_1811 : vector<32x256xf32>
      %reduce_sum3A_1813 = arith.constant dense<0.000000e+00> : vector<256xf32>
      %reduce_sum3A_1814 = vector.multi_reduction <add>, %mul3A_1812, %reduce_sum3A_1813 [0] : vector<32x256xf32> to vector<256xf32>
      %broadcast_in_dim3A_1815 = vector.shape_cast %reduce_sum3A_1814 : vector<256xf32> to vector<1x256xf32>
      %max3A_1816 = arith.constant 9.99999996E-13 : f32
      %max3A_1817 = vector.broadcast %max3A_1816 : f32 to vector<1x256xf32>
      %max3A_1818 = arith.maximumf %broadcast_in_dim3A_1815, %max3A_1817 : vector<1x256xf32>
      %rsqrt3A_1819 = math.rsqrt %max3A_1818 : vector<1x256xf32>
      %mul3A_1820 = vector.broadcast %rsqrt3A_1819 : vector<1x256xf32> to vector<32x256xf32>
      %mul3A_1821 = arith.mulf %add3A_1811, %mul3A_1820 : vector<32x256xf32>
      %gt3A_1822 = arith.constant 5.000000e-01 : f32
      %gt3A_1823 = vector.broadcast %gt3A_1822 : f32 to vector<1x256xf32>
      %gt3A_1824 = arith.cmpf ogt, %concatenate3A_47, %gt3A_1823 : vector<1x256xf32>
      %broadcast_in_dim3A_1825 = vector.shape_cast %gt3A_1824 : vector<1x256xi1> to vector<1x256xi1>
      %broadcast_in_dim3A_1826 = vector.broadcast %broadcast_in_dim3A_1825 : vector<1x256xi1> to vector<32x256xi1>
      %select_n3A_1827 = arith.select %broadcast_in_dim3A_1826, %mul3A_1821, %get3A_1777 : vector<32x256xi1>, vector<32x256xf32>
      %swap3A_1828 = arith.constant 0 : index
      %swap3A_1829 = arith.constant 7936 : index
      %swap3A_1830 = vector.load %arg8[%swap3A_1828, %swap3A_1829] : memref<32x8192xf32, #tpu.memory_space<vmem>>, vector<32x256xf32>
      tpu.vector_store %arg8[%swap3A_1828, %swap3A_1829], %select_n3A_1827 {strides = array<i32>} : memref<32x8192xf32, #tpu.memory_space<vmem>>, vector<32x256xf32>,
    }
    %scan3A_22 = arith.constant 20 : i32
    %get3A_23 = arith.constant 0 : index
    %get3A_24 = arith.constant 0 : index
    %get3A_25 = vector.load %arg8[%get3A_23, %get3A_24] : memref<32x8192xf32, #tpu.memory_space<vmem>>, vector<32x8192xf32>
    %swap3A_26 = arith.constant 0 : index
    %swap3A_27 = arith.constant 0 : index
    %swap3A_28 = arith.constant 0 : index
    %swap3A_29 = vector.load %arg7[%swap3A_26, %swap3A_27, %swap3A_28] : memref<1x32x8192xf32, #tpu.memory_space<vmem>>, vector<1x32x8192xf32>
    %swap3A_30 = vector.shape_cast %swap3A_29 : vector<1x32x8192xf32> to vector<32x8192xf32>
    %swap3A_31 = vector.shape_cast %get3A_25 : vector<32x8192xf32> to vector<1x32x8192xf32>
    tpu.vector_store %arg7[%swap3A_26, %swap3A_27, %swap3A_28], %swap3A_31 {strides = array<i32>} : memref<1x32x8192xf32, #tpu.memory_space<vmem>>, vector<1x32x8192xf32>,
    return
  }
  func.func @transform_0(%arg0: i32) -> (i32, i32, i32, i32) {
    %c0_i32 = arith.constant 0 : i32
    %c0_i32_0 = arith.constant 0 : i32
    %c0_i32_1 = arith.constant 0 : i32
    %c0_i32_2 = arith.constant 0 : i32
    return %c0_i32, %arg0, %c0_i32_0, %c0_i32_1 : i32, i32, i32, i32
  }
  func.func @transform_1(%arg0: i32) -> (i32, i32, i32, i32) {
    %c0_i32 = arith.constant 0 : i32
    %c0_i32_0 = arith.constant 0 : i32
    %c0_i32_1 = arith.constant 0 : i32
    %c0_i32_2 = arith.constant 0 : i32
    return %c0_i32, %arg0, %c0_i32_0, %c0_i32_1 : i32, i32, i32, i32
  }
  func.func @transform_2(%arg0: i32) -> (i32, i32, i32) {
    %c0_i32 = arith.constant 0 : i32
    %c0_i32_0 = arith.constant 0 : i32
    %c0_i32_1 = arith.constant 0 : i32
    return %arg0, %c0_i32, %c0_i32_0 : i32, i32, i32
  }
  func.func @transform_3(%arg0: i32) -> (i32, i32) {
    %c0_i32 = arith.constant 0 : i32
    %c0_i32_0 = arith.constant 0 : i32
    %c0_i32_1 = arith.constant 0 : i32
    return %c0_i32, %c0_i32_0 : i32, i32
  }
  func.func @transform_4(%arg0: i32) -> (i32, i32) {
    %c0_i32 = arith.constant 0 : i32
    %c0_i32_0 = arith.constant 0 : i32
    %c0_i32_1 = arith.constant 0 : i32
    return %c0_i32, %c0_i32_0 : i32, i32
  }
  func.func @transform_5(%arg0: i32) -> (i32, i32) {
    %c0_i32 = arith.constant 0 : i32
    %c0_i32_0 = arith.constant 0 : i32
    %c0_i32_1 = arith.constant 0 : i32
    return %c0_i32, %c0_i32_0 : i32, i32
  }
  func.func @transform_6(%arg0: i32) -> (i32, i32, i32) {
    %c0_i32 = arith.constant 0 : i32
    %c0_i32_0 = arith.constant 0 : i32
    %c0_i32_1 = arith.constant 0 : i32
    return %arg0, %c0_i32, %c0_i32_0 : i32, i32, i32
  }
}

</mosaic_0001>

<sc_bundles>
// kernel: sparse-core-data-format-call.1.cloned.1.call-start
scs
called_computation.1_lowered:
.L_overlay_start_0:
0x0: {  	s2 =	sld [smem:$0x3FD9]  }
0x1: {  	s3 =	sld [smem:$0x3FFE];
	_ =	sdelay $0x1  }
0x2: {  	s1 =	srdreg.scid  }
0x3: {  	s0 =	sand.u32 $0x1, s1  }
0x4: {  	s18 =	sshll.u32 s0, $0xA;
	s2 =	sadd.s32 s3, s2  }
0x5: {  	s2 =	sadd.s32 s2, s18  }
0x6: {  	[smem:$0x3FC2] =	sst s2  }
0x7: {  	_ = 	snop  }
0x8: {  	s2 =	sld [smem:$0x3FD0];
	(tm) =	ssettm $0x1  }
0x9: {  	s19 =	sld [smem:$0x3FFB];
	_ =	sdelay $0x3  }
0xa: {  	_ =	strace s19  }
0xb: {  	s3 =	sld [smem:$0x3FFC];
	_ =	sdelay $0x3  }
0xc: {  	_ =	strace s3  }
0xd: {  	s3 =	sld [smem:$0x3FFD];
	_ =	sdelay $0x3  }
0xe: {  	_ =	strace s3  }
0xf: {  	_ =	strace $0x8FFFFFFF  }
0x10: {  	s20 =	sld [smem:$0x3FDB];
	_ =	sdelay $0x1  }
0x11: {  	s4 =	simm.s32 $_scs_section_size  }
0x12: {  	s5 =	simm.s32 $_size__tile_overlayer_lowered;
	s6 =	simm.s32 $_tile_overlayer_lowered  }
0x13: {  	s23 =	simm.s32 $0x1BFF;
	s22 =	sshll.u32 s6, $0x1;
	s3 =	sadd.s32 s4, s20  }
0x14: {  	s7 =	simm.s32 $0x0;
	s21 =	sshll.u32 s5, $0x1;
	s5 =	sadd.s32 s22, s3  }
0x15: {  	[timem:s7], [sflag:s23] =	dma.local [hbm:s5], s21  }
0x16: {  	_ =	swait.ge [sflag:s23], s21  }
0x17: {  	s4 =	ssub.s32 $0x0, s21;
	[sflag:s23] =	ssyncset.done $0x0  }
0x18: {  	[sflag:s23] =	ssyncadd.s32 s4;
	_ =	sdelay $0x1  }
0x19: {  	s24 =	simm.s32 $0x1B8B  }
0x1a: {  	_ =	swait.ge [sflag:s24], $0x1  }
0x1b: {  	[sflag:s24] =	ssyncset.done $0x0  }
0x1c: {  	s26 =	simm.s32 $0x1B8E;
	s25 =	sld [smem:$0x3FFE];
	[sflag:s24] =	ssyncadd.s32 $0xFFFFFFFF  }
0x1d: {  	s27 =	simm.s32 $execute0_lowered;
	[smem:$0x3FD2] =	sst s26  }
0x1e: {  	s5 =	sshll.u32 s27, $0x1;
	_ =	strace $0x8000004C;
	[dreg:$0x1] =	wrdreg $0xFFFFFFFF  }
0x1f: {  	s28 =	simm.s32 $_size_execute0_lowered;
	s3 =	sadd.s32 s3, s5;
	[dreg:$0x0] =	wrdreg $0x0  }
0x20: {  	s5 =	sshll.u32 s28, $0x1;
	[dreg:$0x2] =	wrdreg s3  }
0x21: {  	[dreg:$0x3] =	wrdreg s5  }
0x22: {  	[dreg:$0x4] =	wrdreg $0xC0  }
0x23: {  	_ =	task [dreg:s7], $0x5FFFF  }
0x24: {  	[dreg:$0x1] =	wrdreg $0xFFFFFFFF  }
0x25: {  	[dreg:$0x0] =	wrdreg $0x60  }
0x26: {  	[dreg:$0x2] =	wrdreg s25  }
0x27: {  	[dreg:$0x3] =	wrdreg s2  }
0x28: {  	[dreg:$0x4] =	wrdreg $0x9  }
0x29: {  	_ =	task.clear_ibuf [dreg:s7], $0x5FFFF;
	_ =	strace $0x9000004C  }
0x2a: {  	s29 =	simm.s32 $0x9;
	_ =	strace $0x8000004E  }
0x2b: {  	_ =	swait.ge [sflag:s29], $0x1  }
0x2c: {  	[sflag:s29] =	ssyncadd.s32 $0xFFFFFFFF  }
0x2d: {  	_ =	strace $0x9000004E  }
0x2e: {  	_ =	sfence  }
0x2f: {  	s30 =	sld [smem:$0x0];
	_ =	sdelay $0x2  }
0x30: {  	s31 =	sshll.u32 s1, $0xD;
	s1 =	sshrl.u32 s1, $0x2  }
0x31: {  	s3 =	sand.u32 $0x4000, s31;
	s1 =	sadd.s32 s1, s30  }
0x32: {  	s0 =	sor.u32 s3, s0;
	s1 =	sshll.u32 s1, $0x11  }
0x33: {  	s0 =	sor.u32 s1, s0  }
0x34: {  	s0 =	sadd.s32 $0x8F2B, s0  }
0x35: {  	[sflag:s0] =	ssyncadd.remote.s32 $0x1  }
0x36: {  	_ =	sfence.sel $0xFFFF  }
0x37: {  	[dreg:$0x0] =	wrdreg $0xFFFFFFFF;
	(pc) =	sbr.abs _section_cstart, $3  }
0x38: {  	[dreg:$0x1] =	wrdreg $0xFFFFFFFF  }
0x39: {  	_ =	task.clear_ibuf [dreg:s7], $0x2FFFF;
	_ =	strace $0x9FFFFFFF  }
0x3a: {  	(tm) =	ssettm $0x7FFFFFFF  }
0x3b: {  	_ =	shalt  }
tec
execute0_lowered:
.L_overlay_start_1:
0x0: {  	(tag) =	ssettag $0x1  }
0x1: {  	s1 =	rddreg [dreg:$0x0]  }
0x2: {  	s2 =	rddreg [dreg:$0x1]  }
0x3: {  	s0 =	rddreg [dreg:$0x2];
	_ =	strace $0x8000004D;
	s4 =	srdreg.scid  }
0x4: {  	s6 =	simm.s32 $0x2;
	s11 =	simm.s32 $0x0;
	p0 =	por $0x0, $0x0  }
.Ltmp0:
0x5: {  	s7 =	simm.s32 $0x2000;
	s12 =	simm.s32 $0x0;
	(pc) =	sbr.rel .LBB1_1-.Ltmp0, $4  }
0x6: {  	s9 =	simm.s32 $0x0;
	s3 =	sadd.s32 $0x1E00, s1;
	s5 =	sshll.u32 s4, $0x4  }
0x7: {  	s1 =	stileid.u32;
	s4 =	simm.s32 $0x1;
	s5 =	sand.u32 $0x10, s5  }
0x8: {  	s8 =	simm.s32 $0x0;
	[sflag:s4] =	ssyncpa.u1 $0x0;
	s5 =	sor.u32 s1, s5  }
0x9: {  	[sflag:s6] =	ssyncpa.u1 $0x0;
	s6 =	simm.s32 $0x800;
	s10 =	smov.u32 s5  }
.LBB1_7:
0xa: {  	s13 =	sadd.s32 $0x10, s9  }
0xb: {  	s11 =	sadd.s32 $0x20, s10;
	s15 =	smov.u32 s10;
	p2 =	sgt.s32 s13, $0x3F  }
0xc: {  	p1 =	slt.u32 s8, $0x2;
	s15 =	smov.u32 @p2 s11  }
0xd: {  	s8 =	sadd.s32 $0x1, s8;
	s13 =	simm.s32 @p2 $0x0;
	p2 =	sgt.s32 s15, $0x7F  }
0xe: {  	s15 =	smov.u32 @p2 s5;
	p2 =	sne.s32 s8, $0x12  }
.Ltmp1:
0xf: {  	_ = 	snop;
	(pc) =	sbr.rel @!p2 .LBB1_8-.Ltmp1, $4  }
0x10: {  	s14 =	simm.s32 @!p1 $0x2  }
0x11: {  	s12 =	smov.u32 s10;
	_ =	swait.ge @!p1 [sflag:s14], $0x4000  }
0x12: {  	p0 =	por !p0, !p0;
	s11 =	smov.u32 s9;
	[sflag:s14] =	ssyncset.done @!p1 $0x0  }
0x13: {  	s9 =	smov.u32 s13;
	[sflag:s14] =	ssyncadd.s32 @!p1 $0xFFFFC000;
	s10 =	smov.u32 s15  }
.LBB1_1:
0x14: {  	p1 =	sgt.u32 s8, $0xF  }
0x15: {  	s13 =	sxor.u32 @!p1 $0xFFFFFFFF, s8;
	s14 =	sshll.u32 @!p1 s10, $0xD  }
0x16: {  	s15 =	sshll.u32 @!p1 s9, $0x7;
	s13 =	sshll.u32 @!p1 s13, $0xE;
	s14 =	sadd.s32 @!p1 s3, s14  }
0x17: {  	s13 =	sand.u32 @!p1 $0x4000, s13;
	s14 =	sadd.s32 @!p1 s15, s14;
	s15 =	simm.s32 @!p1 $0x0  }
0x18: {  	[tilespmem:s13], [sflag:$0x1] =	stream.linear.gather @!p1 [hbm4b:s14+s15], $0x4000, $0x38;
	[tilespmem:$0x10000] =	vst v63  }
0x19: {  	p1 =	seq.s32 s8, $0x0  }
0x1a: {  	p2 =	seq.s32 @!p1 s8, $0x11  }
0x1b: {  	p1 =	por p1, p2  }
.Ltmp2:
0x1c: {  	_ = 	snop;
	(pc) =	sbr.rel @p1 .LBB1_7-.Ltmp2, $1  }
0x1d: {  	_ =	sdelay $0x3  }
0x1e: {  	s13 =	simm.s32 $0x1;
	_ =	swait.ge [sflag:s4], $0x4000;
	s16 =	sshll.u32 s8, $0xE  }
0x1f: {  	s13 =	simm.s32 @!p0 $0x0;
	[sflag:s4] =	ssyncset.done $0x0;
	s31 =	sand.u32 $0x4000, s16  }
0x20: {  	s16 =	simm.s32 $0x0;
	s14 =	sshll.u32 s13, $0xE;
	[sflag:s4] =	ssyncadd.s32 $0xFFFFC000  }
0x21: {  	s13 =	sor.u32 $0x8040, s14;
	s15 =	sor.u32 $0x40, s14;
	s14 =	sor.u32 $0x8000, s31  }
.LBB1_3:
0x22: {  	v0 =	vmov s15;
	_ =	sdelay $0x3  }
0x23: {  	s18 =	simm.s32 $0x0  }
0x24: {  	v6 =	vld.idx.msk [tilespmem:v0+s18+$0x30 ss:$0x1], $0xffff  }
0x25: {  	v7 =	vld.idx.msk [tilespmem:v0+s18+$0xFFFFFFC0 ss:$0x1], $0xffff  }
0x26: {  	v5 =	vld.idx.msk [tilespmem:v0+s18+$0xFFFFFFD0 ss:$0x1], $0xffff  }
0x27: {  	v4 =	vld.idx.msk [tilespmem:v0+s18+$0xFFFFFFE0 ss:$0x1], $0xffff  }
0x28: {  	v3 =	vld.idx.msk [tilespmem:v0+s18+$0xFFFFFFF0 ss:$0x1], $0xffff  }
0x29: {  	v1 =	vld.idx.msk [tilespmem:v0+s18+$0x0 ss:$0x1], $0xffff  }
0x2a: {  	v2 =	vld.idx.msk [tilespmem:v0+s18+$0x10 ss:$0x1], $0xffff;
	[tilespmem:s13+$0x30] =	vst v6  }
0x2b: {  	s17 =	simm.s32 $0x80;
	s19 =	simm.s32 $0x400;
	[tilespmem:s13+$0xFFFFFFC0] =	vst v7;
	v6 =	vld.idx.msk [tilespmem:v0+s18+$0x20 ss:$0x1], $0xffff;
	s18 =	smov.u32 s13  }
.LBB1_4:
0x2c: {  	p1 =	sne.s32 s19, $0xE00;
	v7 =	vld.idx.msk [tilespmem:v0+s17+$0x30 ss:$0x1], $0xffff;
	[tilespmem:s18+$0xFFFFFFD0] =	vst v5  }
0x2d: {  	v8 =	vld.idx.msk [tilespmem:v0+s17+$0xFFFFFFC0 ss:$0x1], $0xffff;
	[tilespmem:s18+$0xFFFFFFE0] =	vst v4  }
0x2e: {  	v5 =	vld.idx.msk [tilespmem:v0+s17+$0xFFFFFFD0 ss:$0x1], $0xffff;
	[tilespmem:s18+$0xFFFFFFF0] =	vst v3  }
.Ltmp3:
0x2f: {  	v4 =	vld.idx.msk [tilespmem:v0+s17+$0xFFFFFFE0 ss:$0x1], $0xffff;
	[tilespmem:s18+$0x0] =	vst v1;
	(pc) =	sbr.rel @p1 .LBB1_4-.Ltmp3, $4  }
0x30: {  	v3 =	vld.idx.msk [tilespmem:v0+s17+$0xFFFFFFF0 ss:$0x1], $0xffff;
	[tilespmem:s18+$0x10] =	vst v2  }
0x31: {  	v1 =	vld.idx.msk [tilespmem:v0+s17+$0x0 ss:$0x1], $0xffff;
	[tilespmem:s18+$0x20] =	vst v6;
	s18 =	sadd.s32 $0x800, s18  }
0x32: {  	v2 =	vld.idx.msk [tilespmem:v0+s17+$0x10 ss:$0x1], $0xffff;
	[tilespmem:s18+$0x30] =	vst v7  }
0x33: {  	[tilespmem:s18+$0xFFFFFFC0] =	vst v8;
	v6 =	vld.idx.msk [tilespmem:v0+s17+$0x20 ss:$0x1], $0xffff;
	s17 =	sshra.s32 s19, $0x2;
	s19 =	sadd.s32 $0x200, s19  }
0x34: {  	_ =	sdelay $0x2  }
0x35: {  	[tilespmem:s18+$0xFFFFFFD0] =	vst v5  }
0x36: {  	v56 =	vld.idx.msk [tilespmem:v0+s17+$0x30 ss:$0x1], $0xffff;
	[tilespmem:s18+$0xFFFFFFE0] =	vst v4  }
0x37: {  	v57 =	vld.idx.msk [tilespmem:v0+s17+$0xFFFFFFC0 ss:$0x1], $0xffff;
	[tilespmem:s18+$0xFFFFFFF0] =	vst v3  }
0x38: {  	v58 =	vld.idx.msk [tilespmem:v0+s17+$0xFFFFFFD0 ss:$0x1], $0xffff;
	[tilespmem:s18+$0x0] =	vst v1  }
0x39: {  	v59 =	vld.idx.msk [tilespmem:v0+s17+$0xFFFFFFE0 ss:$0x1], $0xffff;
	[tilespmem:s18+$0x10] =	vst v2  }
0x3a: {  	v60 =	vld.idx.msk [tilespmem:v0+s17+$0xFFFFFFF0 ss:$0x1], $0xffff;
	s31 =	sadd.s32 $0x800, s18;
	[tilespmem:s18+$0x20] =	vst v6  }
0x3b: {  	v61 =	vld.idx.msk [tilespmem:v0+s17+$0x0 ss:$0x1], $0xffff;
	[tilespmem:s31+$0x30] =	vst v56  }
0x3c: {  	v62 =	vld.idx.msk [tilespmem:v0+s17+$0x10 ss:$0x1], $0xffff;
	s16 =	sadd.s32 $0x1, s16;
	[tilespmem:s31+$0xFFFFFFC0] =	vst v57  }
0x3d: {  	v63 =	vld.idx.msk [tilespmem:v0+s17+$0x20 ss:$0x1], $0xffff;
	p1 =	sne.s32 s16, $0x10;
	[tilespmem:s31+$0xFFFFFFD0] =	vst v58  }
.Ltmp4:
0x3e: {  	[tilespmem:s31+$0xFFFFFFE0] =	vst v59;
	(pc) =	sbr.rel @p1 .LBB1_3-.Ltmp4, $4  }
0x3f: {  	[tilespmem:s31+$0xFFFFFFF0] =	vst v60  }
0x40: {  	[tilespmem:s31+$0x0] =	vst v61  }
0x41: {  	[tilespmem:s31+$0x10] =	vst v62  }
0x42: {  	s13 =	sadd.s32 $0x80, s13;
	s15 =	sadd.s32 $0x400, s15;
	[tilespmem:s31+$0x20] =	vst v63  }
.Ltmp5:
0x43: {  	(pc) =	sbr.rel .LBB1_7-.Ltmp5, $4  }
0x44: {  	s12 =	sshll.u32 s12, $0xD;
	s11 =	sshll.u32 s11, $0x4  }
0x45: {  	s11 =	sand.u32 $0x3F0, s11;
	s12 =	sadd.s32 s2, s12  }
0x46: {  	s11 =	sadd.s32 s11, s12  }
0x47: {  	[hbm4b:s11+s6] =	stream.strided.scatter [tilespmem:s14], [sflag:$0x2], $0x4000, s7, s6, $0x38;
	[tilespmem:$0x10000] =	vst v63  }
.LBB1_8:
0x48: {  	_ =	sfence.sel $0x180000  }
0x49: {  	s2 =	simm.s32 $0x1;
	[bflag:$0x0] =	sbarrier.arrive $0xFFFF  }
0x4a: {  	s31 =	simm.s32 $0x2;
	[sflag:s2] =	ssyncpa.u1 $0x1  }
0x4b: {  	[sflag:s31] =	ssyncpa.u1 $0x1  }
0x4c: {  	p0 =	sne.s32 s1, $0x0;
	_ =	strace $0x9000004D  }
0x4d: {  	s0 =	sadd.s32 @!p0 $0x100000, s0;
	[bflag:$0x2] =	sbarrier.arrive $0xFFFF  }
0x4e: {  	[sflag:s0] =	ssyncadd.tile.s32 @!p0 $0x1;
	_ =	shalt  }
.Lfunc_end1:
_tile_overlayer_lowered:
.L_overlay_start_2:
0x4f: {  	(tag) =	ssettag $0x2  }
0x50: {  	s0 =	rddreg [dreg:$0x0];
	s2 =	stileid.u32  }
0x51: {  	s1 =	rddreg [dreg:$0x1];
	p0 =	sne.s32 s2, $0x0  }
0x52: {  	s3 =	rddreg [dreg:$0x2];
	[bflag:$0x3] =	sbarrier.arrive $0xFFFF;
	s2 =	simm.s32 @!p0 $0x1C01  }
0x53: {  	[timem:s3], [sflag:s2] =	dma.local @!p0 [hbm:s0], s1  }
0x54: {  	s0 =	simm.s32 @!p0 $0x1  }
0x55: {  	_ =	swait.ge @!p0 [sflag:s0], s1  }
0x56: {  	s1 =	ssub.s32 @!p0 $0x0, s1;
	[sflag:s0] =	ssyncset.done @!p0 $0x0  }
0x57: {  	[sflag:s0] =	ssyncadd.s32 @!p0 s1  }
0x58: {  	[bflag:$0x3] =	sbarrier.arrive $0xFFFF  }
0x59: {  	_ =	shalt  }

// kernel: sparse-core-data-format-call.2.cloned.1.call-start
scs
called_computation.2_lowered:
.L_overlay_start_0:
0x0: {  	s2 =	sld [smem:$0x3FD9]  }
0x1: {  	s3 =	sld [smem:$0x3FFE];
	_ =	sdelay $0x1  }
0x2: {  	s1 =	srdreg.scid  }
0x3: {  	s0 =	sand.u32 $0x1, s1  }
0x4: {  	s18 =	sshll.u32 s0, $0xA;
	s2 =	sadd.s32 s3, s2  }
0x5: {  	s2 =	sadd.s32 s2, s18  }
0x6: {  	[smem:$0x3FC2] =	sst s2  }
0x7: {  	_ = 	snop  }
0x8: {  	s2 =	sld [smem:$0x3FD0];
	(tm) =	ssettm $0x1  }
0x9: {  	s19 =	sld [smem:$0x3FFB];
	_ =	sdelay $0x3  }
0xa: {  	_ =	strace s19  }
0xb: {  	s3 =	sld [smem:$0x3FFC];
	_ =	sdelay $0x3  }
0xc: {  	_ =	strace s3  }
0xd: {  	s3 =	sld [smem:$0x3FFD];
	_ =	sdelay $0x3  }
0xe: {  	_ =	strace s3  }
0xf: {  	_ =	strace $0x8FFFFFFF  }
0x10: {  	s20 =	sld [smem:$0x3FDB];
	_ =	sdelay $0x1  }
0x11: {  	s4 =	simm.s32 $_scs_section_size  }
0x12: {  	s5 =	simm.s32 $_size__tile_overlayer_lowered;
	s6 =	simm.s32 $_tile_overlayer_lowered  }
0x13: {  	s23 =	simm.s32 $0x1BFF;
	s22 =	sshll.u32 s6, $0x1;
	s3 =	sadd.s32 s4, s20  }
0x14: {  	s7 =	simm.s32 $0x0;
	s21 =	sshll.u32 s5, $0x1;
	s5 =	sadd.s32 s22, s3  }
0x15: {  	[timem:s7], [sflag:s23] =	dma.local [hbm:s5], s21  }
0x16: {  	_ =	swait.ge [sflag:s23], s21  }
0x17: {  	s4 =	ssub.s32 $0x0, s21;
	[sflag:s23] =	ssyncset.done $0x0  }
0x18: {  	[sflag:s23] =	ssyncadd.s32 s4;
	_ =	sdelay $0x1  }
0x19: {  	s24 =	simm.s32 $0x1B8B  }
0x1a: {  	_ =	swait.ge [sflag:s24], $0x1  }
0x1b: {  	[sflag:s24] =	ssyncset.done $0x0  }
0x1c: {  	s26 =	simm.s32 $0x1B8E;
	s25 =	sld [smem:$0x3FFE];
	[sflag:s24] =	ssyncadd.s32 $0xFFFFFFFF  }
0x1d: {  	s27 =	simm.s32 $execute0_lowered;
	[smem:$0x3FD2] =	sst s26  }
0x1e: {  	s5 =	sshll.u32 s27, $0x1;
	_ =	strace $0x80000049;
	[dreg:$0x1] =	wrdreg $0xFFFFFFFF  }
0x1f: {  	s28 =	simm.s32 $_size_execute0_lowered;
	s3 =	sadd.s32 s3, s5;
	[dreg:$0x0] =	wrdreg $0x0  }
0x20: {  	s5 =	sshll.u32 s28, $0x1;
	[dreg:$0x2] =	wrdreg s3  }
0x21: {  	[dreg:$0x3] =	wrdreg s5  }
0x22: {  	[dreg:$0x4] =	wrdreg $0xC0  }
0x23: {  	_ =	task [dreg:s7], $0x5FFFF  }
0x24: {  	[dreg:$0x1] =	wrdreg $0xFFFFFFFF  }
0x25: {  	[dreg:$0x0] =	wrdreg $0x60  }
0x26: {  	[dreg:$0x2] =	wrdreg s2  }
0x27: {  	[dreg:$0x3] =	wrdreg s25  }
0x28: {  	[dreg:$0x4] =	wrdreg $0x9  }
0x29: {  	_ =	task.clear_ibuf [dreg:s7], $0x5FFFF;
	_ =	strace $0x90000049  }
0x2a: {  	s29 =	simm.s32 $0x9;
	_ =	strace $0x8000004B  }
0x2b: {  	_ =	swait.ge [sflag:s29], $0x1  }
0x2c: {  	[sflag:s29] =	ssyncadd.s32 $0xFFFFFFFF  }
0x2d: {  	_ =	strace $0x9000004B  }
0x2e: {  	_ =	sfence  }
0x2f: {  	s30 =	sld [smem:$0x0];
	_ =	sdelay $0x2  }
0x30: {  	s31 =	sshll.u32 s1, $0xD;
	s1 =	sshrl.u32 s1, $0x2  }
0x31: {  	s3 =	sand.u32 $0x4000, s31;
	s1 =	sadd.s32 s1, s30  }
0x32: {  	s0 =	sor.u32 s3, s0;
	s1 =	sshll.u32 s1, $0x11  }
0x33: {  	s0 =	sor.u32 s1, s0  }
0x34: {  	s0 =	sadd.s32 $0x8F2B, s0  }
0x35: {  	[sflag:s0] =	ssyncadd.remote.s32 $0x1  }
0x36: {  	_ =	sfence.sel $0xFFFF  }
0x37: {  	[dreg:$0x0] =	wrdreg $0xFFFFFFFF;
	(pc) =	sbr.abs _section_cstart, $3  }
0x38: {  	[dreg:$0x1] =	wrdreg $0xFFFFFFFF  }
0x39: {  	_ =	task.clear_ibuf [dreg:s7], $0x2FFFF;
	_ =	strace $0x9FFFFFFF  }
0x3a: {  	(tm) =	ssettm $0x7FFFFFFF  }
0x3b: {  	_ =	shalt  }
tec
execute0_lowered:
.L_overlay_start_1:
0x0: {  	(tag) =	ssettag $0x1  }
0x1: {  	s2 =	rddreg [dreg:$0x0]  }
0x2: {  	s4 =	rddreg [dreg:$0x1]  }
0x3: {  	s0 =	rddreg [dreg:$0x2];
	_ =	strace $0x8000004A  }
0x4: {  	s3 =	srdreg.scid;
	s1 =	stileid.u32;
	s6 =	simm.s32 $0x2  }
0x5: {  	s12 =	simm.s32 $0x0;
	p0 =	por $0x0, $0x0;
	s7 =	simm.s32 $0x2000  }
.Ltmp0:
0x6: {  	s13 =	simm.s32 $0x0;
	s14 =	simm.s32 $0x0;
	(pc) =	sbr.rel .LBB1_1-.Ltmp0, $4  }
0x7: {  	s9 =	simm.s32 $0x0;
	s10 =	simm.s32 $0x0;
	s5 =	sshll.u32 s3, $0x4  }
0x8: {  	s8 =	simm.s32 $0x0;
	s3 =	simm.s32 $0x1;
	s5 =	sand.u32 $0x10, s5  }
0x9: {  	s4 =	sadd.s32 $0x1E00, s4;
	[sflag:s3] =	ssyncpa.u1 $0x0;
	s5 =	sor.u32 s1, s5  }
0xa: {  	[sflag:s6] =	ssyncpa.u1 $0x0;
	s6 =	simm.s32 $0x80;
	s11 =	smov.u32 s5  }
.LBB1_7:
0xb: {  	s15 =	sadd.s32 $0x4, s9  }
0xc: {  	s12 =	sadd.s32 $0x20, s10;
	s16 =	smov.u32 s10;
	p2 =	sgt.s32 s15, $0x1F  }
0xd: {  	s16 =	smov.u32 @p2 s12  }
0xe: {  	s18 =	smov.u32 s11;
	s12 =	sadd.s32 $0x20, s11;
	p3 =	sgt.s32 s16, $0x1F  }
0xf: {  	p1 =	slt.u32 s8, $0x2;
	s18 =	smov.u32 @p3 s12  }
0x10: {  	s8 =	sadd.s32 $0x1, s8;
	s15 =	simm.s32 @p2 $0x0;
	p2 =	sgt.s32 s18, $0x3F  }
0x11: {  	s18 =	smov.u32 @p2 s5;
	p2 =	sne.s32 s8, $0x12  }
.Ltmp1:
0x12: {  	s17 =	simm.s32 @!p1 $0x2;
	(pc) =	sbr.rel @!p2 .LBB1_8-.Ltmp1, $4  }
0x13: {  	s13 =	smov.u32 s10;
	_ =	swait.ge @!p1 [sflag:s17], $0x4000  }
0x14: {  	s14 =	smov.u32 s11;
	p0 =	por !p0, !p0;
	[sflag:s17] =	ssyncset.done @!p1 $0x0  }
0x15: {  	s16 =	simm.s32 @p3 $0x0;
	s12 =	smov.u32 s9;
	[sflag:s17] =	ssyncadd.s32 @!p1 $0xFFFFC000  }
0x16: {  	s9 =	smov.u32 s15;
	s10 =	smov.u32 s16;
	s11 =	smov.u32 s18  }
.LBB1_1:
0x17: {  	p1 =	sgt.u32 s8, $0xF  }
0x18: {  	s15 =	sxor.u32 @!p1 $0xFFFFFFFF, s8;
	s16 =	sshll.u32 @!p1 s11, $0xE;
	s17 =	sshll.u32 @!p1 s10, $0x9  }
0x19: {  	s18 =	sshll.u32 @!p1 s9, $0x4;
	s15 =	sshll.u32 @!p1 s15, $0xE;
	s16 =	sadd.s32 @!p1 s2, s16  }
0x1a: {  	s18 =	sand.u32 @!p1 $0x1F0, s18;
	s15 =	sand.u32 @!p1 $0x4000, s15;
	s16 =	sadd.s32 @!p1 s17, s16  }
0x1b: {  	s17 =	simm.s32 @!p1 $0x200;
	s16 =	sadd.s32 @!p1 s18, s16;
	s18 =	simm.s32 @!p1 $0x1000  }
0x1c: {  	[tilespmem:s15], [sflag:$0x1] =	stream.strided.gather @!p1 [hbm4b:s16+s17], $0x4000, s18, s17, $0x38;
	[tilespmem:$0x10000] =	vst v63  }
0x1d: {  	p1 =	seq.s32 s8, $0x0  }
0x1e: {  	p2 =	seq.s32 @!p1 s8, $0x11  }
0x1f: {  	p1 =	por p1, p2  }
.Ltmp2:
0x20: {  	_ = 	snop;
	(pc) =	sbr.rel @p1 .LBB1_7-.Ltmp2, $1  }
0x21: {  	_ =	sdelay $0x3  }
0x22: {  	s15 =	simm.s32 $0x1;
	_ =	swait.ge [sflag:s3], $0x4000;
	s18 =	sshll.u32 s8, $0xE  }
0x23: {  	s15 =	simm.s32 @!p0 $0x0;
	[sflag:s3] =	ssyncset.done $0x0;
	s31 =	sand.u32 $0x4000, s18  }
0x24: {  	s18 =	simm.s32 $0x0;
	s15 =	sshll.u32 s15, $0xE;
	[sflag:s3] =	ssyncadd.s32 $0xFFFFC000  }
0x25: {  	s16 =	sor.u32 $0x8040, s15;
	s17 =	sor.u32 $0x40, s15;
	s15 =	sor.u32 $0x8000, s31  }
.LBB1_3:
0x26: {  	v0 =	vmov s17;
	_ =	sdelay $0x3  }
0x27: {  	s20 =	simm.s32 $0x0  }
0x28: {  	v6 =	vld.idx.msk [tilespmem:v0+s20+$0x30 ss:$0x1], $0xffff  }
0x29: {  	v7 =	vld.idx.msk [tilespmem:v0+s20+$0xFFFFFFC0 ss:$0x1], $0xffff  }
0x2a: {  	v5 =	vld.idx.msk [tilespmem:v0+s20+$0xFFFFFFD0 ss:$0x1], $0xffff  }
0x2b: {  	v4 =	vld.idx.msk [tilespmem:v0+s20+$0xFFFFFFE0 ss:$0x1], $0xffff  }
0x2c: {  	v3 =	vld.idx.msk [tilespmem:v0+s20+$0xFFFFFFF0 ss:$0x1], $0xffff  }
0x2d: {  	v1 =	vld.idx.msk [tilespmem:v0+s20+$0x0 ss:$0x1], $0xffff  }
0x2e: {  	v2 =	vld.idx.msk [tilespmem:v0+s20+$0x10 ss:$0x1], $0xffff;
	[tilespmem:s16+$0x30] =	vst v6  }
0x2f: {  	s19 =	simm.s32 $0x80;
	s21 =	simm.s32 $0x400;
	[tilespmem:s16+$0xFFFFFFC0] =	vst v7;
	v6 =	vld.idx.msk [tilespmem:v0+s20+$0x20 ss:$0x1], $0xffff;
	s20 =	smov.u32 s16  }
.LBB1_4:
0x30: {  	p1 =	sne.s32 s21, $0x600;
	v7 =	vld.idx.msk [tilespmem:v0+s19+$0x30 ss:$0x1], $0xffff;
	[tilespmem:s20+$0xFFFFFFD0] =	vst v5  }
0x31: {  	v8 =	vld.idx.msk [tilespmem:v0+s19+$0xFFFFFFC0 ss:$0x1], $0xffff;
	[tilespmem:s20+$0xFFFFFFE0] =	vst v4  }
0x32: {  	v5 =	vld.idx.msk [tilespmem:v0+s19+$0xFFFFFFD0 ss:$0x1], $0xffff;
	[tilespmem:s20+$0xFFFFFFF0] =	vst v3  }
.Ltmp3:
0x33: {  	v4 =	vld.idx.msk [tilespmem:v0+s19+$0xFFFFFFE0 ss:$0x1], $0xffff;
	[tilespmem:s20+$0x0] =	vst v1;
	(pc) =	sbr.rel @p1 .LBB1_4-.Ltmp3, $4  }
0x34: {  	v3 =	vld.idx.msk [tilespmem:v0+s19+$0xFFFFFFF0 ss:$0x1], $0xffff;
	[tilespmem:s20+$0x10] =	vst v2  }
0x35: {  	v1 =	vld.idx.msk [tilespmem:v0+s19+$0x0 ss:$0x1], $0xffff;
	[tilespmem:s20+$0x20] =	vst v6;
	s20 =	sadd.s32 $0x1000, s20  }
0x36: {  	v2 =	vld.idx.msk [tilespmem:v0+s19+$0x10 ss:$0x1], $0xffff;
	[tilespmem:s20+$0x30] =	vst v7  }
0x37: {  	[tilespmem:s20+$0xFFFFFFC0] =	vst v8;
	v6 =	vld.idx.msk [tilespmem:v0+s19+$0x20 ss:$0x1], $0xffff;
	s19 =	sshra.s32 s21, $0x2;
	s21 =	sadd.s32 $0x200, s21  }
0x38: {  	_ =	sdelay $0x2  }
0x39: {  	[tilespmem:s20+$0xFFFFFFD0] =	vst v5  }
0x3a: {  	v56 =	vld.idx.msk [tilespmem:v0+s19+$0x30 ss:$0x1], $0xffff;
	[tilespmem:s20+$0xFFFFFFE0] =	vst v4  }
0x3b: {  	v57 =	vld.idx.msk [tilespmem:v0+s19+$0xFFFFFFC0 ss:$0x1], $0xffff;
	[tilespmem:s20+$0xFFFFFFF0] =	vst v3  }
0x3c: {  	v58 =	vld.idx.msk [tilespmem:v0+s19+$0xFFFFFFD0 ss:$0x1], $0xffff;
	[tilespmem:s20+$0x0] =	vst v1  }
0x3d: {  	v59 =	vld.idx.msk [tilespmem:v0+s19+$0xFFFFFFE0 ss:$0x1], $0xffff;
	[tilespmem:s20+$0x10] =	vst v2  }
0x3e: {  	v60 =	vld.idx.msk [tilespmem:v0+s19+$0xFFFFFFF0 ss:$0x1], $0xffff;
	s31 =	sadd.s32 $0x1000, s20;
	[tilespmem:s20+$0x20] =	vst v6  }
0x3f: {  	v61 =	vld.idx.msk [tilespmem:v0+s19+$0x0 ss:$0x1], $0xffff;
	[tilespmem:s31+$0x30] =	vst v56  }
0x40: {  	v62 =	vld.idx.msk [tilespmem:v0+s19+$0x10 ss:$0x1], $0xffff;
	s18 =	sadd.s32 $0x1, s18;
	[tilespmem:s31+$0xFFFFFFC0] =	vst v57  }
0x41: {  	v63 =	vld.idx.msk [tilespmem:v0+s19+$0x20 ss:$0x1], $0xffff;
	p1 =	sne.s32 s18, $0x20;
	[tilespmem:s31+$0xFFFFFFD0] =	vst v58  }
.Ltmp4:
0x42: {  	[tilespmem:s31+$0xFFFFFFE0] =	vst v59;
	(pc) =	sbr.rel @p1 .LBB1_3-.Ltmp4, $4  }
0x43: {  	[tilespmem:s31+$0xFFFFFFF0] =	vst v60  }
0x44: {  	[tilespmem:s31+$0x0] =	vst v61  }
0x45: {  	[tilespmem:s31+$0x10] =	vst v62  }
0x46: {  	s16 =	sadd.s32 $0x80, s16;
	s17 =	sadd.s32 $0x200, s17;
	[tilespmem:s31+$0x20] =	vst v63  }
.Ltmp5:
0x47: {  	s13 =	sshll.u32 s13, $0xA;
	s14 =	sshll.u32 s14, $0x4;
	(pc) =	sbr.rel .LBB1_7-.Ltmp5, $4  }
0x48: {  	s14 =	sand.u32 $0x3F0, s14;
	s13 =	sadd.s32 s4, s13  }
0x49: {  	s12 =	sshll.u32 s12, $0xF;
	s13 =	sadd.s32 s14, s13  }
0x4a: {  	s12 =	sadd.s32 s12, s13  }
0x4b: {  	[hbm4b:s12+s6] =	stream.strided.scatter [tilespmem:s15], [sflag:$0x2], $0x4000, s7, s6, $0x38;
	[tilespmem:$0x10000] =	vst v63  }
.LBB1_8:
0x4c: {  	_ =	sfence.sel $0x180000  }
0x4d: {  	s2 =	simm.s32 $0x1;
	[bflag:$0x0] =	sbarrier.arrive $0xFFFF  }
0x4e: {  	s31 =	simm.s32 $0x2;
	[sflag:s2] =	ssyncpa.u1 $0x1  }
0x4f: {  	[sflag:s31] =	ssyncpa.u1 $0x1  }
0x50: {  	p0 =	sne.s32 s1, $0x0;
	_ =	strace $0x9000004A  }
0x51: {  	s0 =	sadd.s32 @!p0 $0x100000, s0;
	[bflag:$0x2] =	sbarrier.arrive $0xFFFF  }
0x52: {  	[sflag:s0] =	ssyncadd.tile.s32 @!p0 $0x1;
	_ =	shalt  }
.Lfunc_end1:
_tile_overlayer_lowered:
.L_overlay_start_2:
0x53: {  	(tag) =	ssettag $0x2  }
0x54: {  	s0 =	rddreg [dreg:$0x0];
	s2 =	stileid.u32  }
0x55: {  	s1 =	rddreg [dreg:$0x1];
	p0 =	sne.s32 s2, $0x0  }
0x56: {  	s3 =	rddreg [dreg:$0x2];
	[bflag:$0x3] =	sbarrier.arrive $0xFFFF;
	s2 =	simm.s32 @!p0 $0x1C01  }
0x57: {  	[timem:s3], [sflag:s2] =	dma.local @!p0 [hbm:s0], s1  }
0x58: {  	s0 =	simm.s32 @!p0 $0x1  }
0x59: {  	_ =	swait.ge @!p0 [sflag:s0], s1  }
0x5a: {  	s1 =	ssub.s32 @!p0 $0x0, s1;
	[sflag:s0] =	ssyncset.done @!p0 $0x0  }
0x5b: {  	[sflag:s0] =	ssyncadd.s32 @!p0 s1  }
0x5c: {  	[bflag:$0x3] =	sbarrier.arrive $0xFFFF  }
0x5d: {  	_ =	shalt  }

// kernel: sparse-core-data-format-call.3.cloned.1.call-start
scs
called_computation.3_lowered:
.L_overlay_start_0:
0x0: {  	s2 =	sld [smem:$0x3FD9]  }
0x1: {  	s3 =	sld [smem:$0x3FFE];
	_ =	sdelay $0x1  }
0x2: {  	s1 =	srdreg.scid  }
0x3: {  	s0 =	sand.u32 $0x1, s1  }
0x4: {  	s19 =	sshll.u32 s0, $0xA;
	s2 =	sadd.s32 s3, s2  }
0x5: {  	s2 =	sadd.s32 s2, s19  }
0x6: {  	[smem:$0x3FC2] =	sst s2  }
0x7: {  	_ = 	snop  }
0x8: {  	s2 =	sld [smem:$0x3FC7]  }
0x9: {  	s20 =	sld [smem:$0x3FD0];
	(tm) =	ssettm $0x1  }
0xa: {  	s4 =	sld [smem:$0x3FFB];
	_ =	sdelay $0x3  }
0xb: {  	_ =	strace s4  }
0xc: {  	s4 =	sld [smem:$0x3FFC];
	_ =	sdelay $0x3  }
0xd: {  	_ =	strace s4  }
0xe: {  	s4 =	sld [smem:$0x3FFD];
	_ =	sdelay $0x3  }
0xf: {  	_ =	strace s4  }
0x10: {  	_ =	strace $0x8FFFFFFF  }
0x11: {  	s21 =	sld [smem:$0x3FDB];
	_ =	sdelay $0x1  }
0x12: {  	s5 =	simm.s32 $_scs_section_size  }
0x13: {  	s6 =	simm.s32 $_size__tile_overlayer_lowered;
	s7 =	simm.s32 $_tile_overlayer_lowered  }
0x14: {  	s24 =	simm.s32 $0x1BFF;
	s23 =	sshll.u32 s7, $0x1;
	s4 =	sadd.s32 s5, s21  }
0x15: {  	s8 =	simm.s32 $0x0;
	s22 =	sshll.u32 s6, $0x1;
	s6 =	sadd.s32 s23, s4  }
0x16: {  	[timem:s8], [sflag:s24] =	dma.local [hbm:s6], s22  }
0x17: {  	_ =	swait.ge [sflag:s24], s22  }
0x18: {  	s5 =	ssub.s32 $0x0, s22;
	[sflag:s24] =	ssyncset.done $0x0  }
0x19: {  	[sflag:s24] =	ssyncadd.s32 s5;
	_ =	sdelay $0x1  }
0x1a: {  	s25 =	simm.s32 $0x1B8B  }
0x1b: {  	_ =	swait.ge [sflag:s25], $0x1  }
0x1c: {  	[sflag:s25] =	ssyncset.done $0x0  }
0x1d: {  	s26 =	simm.s32 $0x1B8E;
	[sflag:s25] =	ssyncadd.s32 $0xFFFFFFFF  }
0x1e: {  	s27 =	simm.s32 $execute0_lowered;
	[smem:$0x3FD2] =	sst s26  }
0x1f: {  	s5 =	sshll.u32 s27, $0x1;
	_ =	strace $0x80000046;
	[dreg:$0x1] =	wrdreg $0xFFFFFFFF  }
0x20: {  	s28 =	simm.s32 $_size_execute0_lowered;
	s4 =	sadd.s32 s4, s5;
	[dreg:$0x0] =	wrdreg $0x0  }
0x21: {  	s5 =	sshll.u32 s28, $0x1;
	[dreg:$0x2] =	wrdreg s4  }
0x22: {  	[dreg:$0x3] =	wrdreg s5  }
0x23: {  	[dreg:$0x4] =	wrdreg $0xC0  }
0x24: {  	_ =	task [dreg:s8], $0x5FFFF  }
0x25: {  	[dreg:$0x1] =	wrdreg $0xFFFFFFFF  }
0x26: {  	[dreg:$0x0] =	wrdreg $0x60  }
0x27: {  	[dreg:$0x2] =	wrdreg s2  }
0x28: {  	[dreg:$0x3] =	wrdreg s20  }
0x29: {  	[dreg:$0x4] =	wrdreg $0x9  }
0x2a: {  	_ =	task.clear_ibuf [dreg:s8], $0x5FFFF;
	_ =	strace $0x90000046  }
0x2b: {  	s29 =	simm.s32 $0x9;
	_ =	strace $0x80000048  }
0x2c: {  	_ =	swait.ge [sflag:s29], $0x1  }
0x2d: {  	[sflag:s29] =	ssyncadd.s32 $0xFFFFFFFF  }
0x2e: {  	_ =	strace $0x90000048  }
0x2f: {  	_ =	sfence  }
0x30: {  	s30 =	sld [smem:$0x0];
	_ =	sdelay $0x2  }
0x31: {  	s31 =	sshll.u32 s1, $0xD;
	s1 =	sshrl.u32 s1, $0x2  }
0x32: {  	s3 =	sand.u32 $0x4000, s31;
	s1 =	sadd.s32 s1, s30  }
0x33: {  	s0 =	sor.u32 s3, s0;
	s1 =	sshll.u32 s1, $0x11  }
0x34: {  	s0 =	sor.u32 s1, s0  }
0x35: {  	s0 =	sadd.s32 $0x8F2B, s0  }
0x36: {  	[sflag:s0] =	ssyncadd.remote.s32 $0x1  }
0x37: {  	_ =	sfence.sel $0xFFFF  }
0x38: {  	[dreg:$0x0] =	wrdreg $0xFFFFFFFF;
	(pc) =	sbr.abs _section_cstart, $3  }
0x39: {  	[dreg:$0x1] =	wrdreg $0xFFFFFFFF  }
0x3a: {  	_ =	task.clear_ibuf [dreg:s8], $0x2FFFF;
	_ =	strace $0x9FFFFFFF  }
0x3b: {  	(tm) =	ssettm $0x7FFFFFFF  }
tec
execute0_lowered:
.L_overlay_start_1:
0x0: {  	(tag) =	ssettag $0x1  }
0x1: {  	s2 =	rddreg [dreg:$0x0]  }
0x2: {  	s3 =	rddreg [dreg:$0x1]  }
0x3: {  	s0 =	rddreg [dreg:$0x2];
	_ =	strace $0x80000047  }
0x4: {  	s4 =	srdreg.scid;
	s1 =	stileid.u32;
	s6 =	simm.s32 $0x2  }
.Ltmp0:
0x5: {  	s11 =	simm.s32 $0x0;
	p0 =	por $0x0, $0x0;
	(pc) =	sbr.rel .LBB1_1-.Ltmp0, $4  }
0x6: {  	s7 =	simm.s32 $0x1000;
	s12 =	simm.s32 $0x0;
	s5 =	sshll.u32 s4, $0x4  }
0x7: {  	s9 =	simm.s32 $0x0;
	s4 =	simm.s32 $0x1;
	s5 =	sand.u32 $0x10, s5  }
0x8: {  	s8 =	simm.s32 $0x0;
	[sflag:s4] =	ssyncpa.u1 $0x0;
	s5 =	sor.u32 s1, s5  }
0x9: {  	[sflag:s6] =	ssyncpa.u1 $0x0;
	s6 =	simm.s32 $0x800;
	s10 =	smov.u32 s5  }
.LBB1_7:
0xa: {  	s13 =	sadd.s32 $0x10, s9  }
0xb: {  	s11 =	sadd.s32 $0x20, s10;
	s15 =	smov.u32 s10;
	p2 =	sgt.s32 s13, $0x1F  }
0xc: {  	p1 =	slt.u32 s8, $0x2;
	s15 =	smov.u32 @p2 s11  }
0xd: {  	s8 =	sadd.s32 $0x1, s8;
	s13 =	simm.s32 @p2 $0x0;
	p2 =	sgt.s32 s15, $0xFF  }
0xe: {  	s15 =	smov.u32 @p2 s5;
	p2 =	sne.s32 s8, $0x12  }
.Ltmp1:
0xf: {  	_ = 	snop;
	(pc) =	sbr.rel @!p2 .LBB1_8-.Ltmp1, $4  }
0x10: {  	s14 =	simm.s32 @!p1 $0x2  }
0x11: {  	s12 =	smov.u32 s10;
	_ =	swait.ge @!p1 [sflag:s14], $0x4000  }
0x12: {  	p0 =	por !p0, !p0;
	s11 =	smov.u32 s9;
	[sflag:s14] =	ssyncset.done @!p1 $0x0  }
0x13: {  	s9 =	smov.u32 s13;
	[sflag:s14] =	ssyncadd.s32 @!p1 $0xFFFFC000;
	s10 =	smov.u32 s15  }
.LBB1_1:
0x14: {  	p1 =	sgt.u32 s8, $0xF  }
0x15: {  	s13 =	sxor.u32 @!p1 $0xFFFFFFFF, s8;
	s14 =	sshll.u32 @!p1 s10, $0xC  }
0x16: {  	s15 =	sshll.u32 @!p1 s9, $0x7;
	s13 =	sshll.u32 @!p1 s13, $0xE;
	s14 =	sadd.s32 @!p1 s2, s14  }
0x17: {  	s13 =	sand.u32 @!p1 $0x4000, s13;
	s14 =	sadd.s32 @!p1 s15, s14;
	s15 =	simm.s32 @!p1 $0x0  }
0x18: {  	[tilespmem:s13], [sflag:$0x1] =	stream.linear.gather @!p1 [hbm4b:s14+s15], $0x4000, $0x38;
	[tilespmem:$0x10000] =	vst v63  }
0x19: {  	p1 =	seq.s32 s8, $0x0  }
0x1a: {  	p2 =	seq.s32 @!p1 s8, $0x11  }
0x1b: {  	p1 =	por p1, p2  }
.Ltmp2:
0x1c: {  	_ = 	snop;
	(pc) =	sbr.rel @p1 .LBB1_7-.Ltmp2, $1  }
0x1d: {  	_ =	sdelay $0x3  }
0x1e: {  	s13 =	simm.s32 $0x1;
	_ =	swait.ge [sflag:s4], $0x4000;
	s16 =	sshll.u32 s8, $0xE  }
0x1f: {  	s13 =	simm.s32 @!p0 $0x0;
	[sflag:s4] =	ssyncset.done $0x0;
	s31 =	sand.u32 $0x4000, s16  }
0x20: {  	s16 =	simm.s32 $0x0;
	s14 =	sshll.u32 s13, $0xE;
	[sflag:s4] =	ssyncadd.s32 $0xFFFFC000  }
0x21: {  	s13 =	sor.u32 $0x8040, s14;
	s15 =	sor.u32 $0x40, s14;
	s14 =	sor.u32 $0x8000, s31  }
.LBB1_3:
0x22: {  	v0 =	vmov s15;
	_ =	sdelay $0x3  }
0x23: {  	s18 =	simm.s32 $0x0  }
0x24: {  	v6 =	vld.idx.msk [tilespmem:v0+s18+$0x30 ss:$0x1], $0xffff  }
0x25: {  	v7 =	vld.idx.msk [tilespmem:v0+s18+$0xFFFFFFC0 ss:$0x1], $0xffff  }
0x26: {  	v5 =	vld.idx.msk [tilespmem:v0+s18+$0xFFFFFFD0 ss:$0x1], $0xffff  }
0x27: {  	v4 =	vld.idx.msk [tilespmem:v0+s18+$0xFFFFFFE0 ss:$0x1], $0xffff  }
0x28: {  	v3 =	vld.idx.msk [tilespmem:v0+s18+$0xFFFFFFF0 ss:$0x1], $0xffff  }
0x29: {  	v1 =	vld.idx.msk [tilespmem:v0+s18+$0x0 ss:$0x1], $0xffff  }
0x2a: {  	v2 =	vld.idx.msk [tilespmem:v0+s18+$0x10 ss:$0x1], $0xffff;
	[tilespmem:s13+$0x30] =	vst v6  }
0x2b: {  	s17 =	simm.s32 $0x80;
	s19 =	simm.s32 $0x400;
	[tilespmem:s13+$0xFFFFFFC0] =	vst v7;
	v6 =	vld.idx.msk [tilespmem:v0+s18+$0x20 ss:$0x1], $0xffff;
	s18 =	smov.u32 s13  }
.LBB1_4:
0x2c: {  	p1 =	sne.s32 s19, $0xE00;
	v7 =	vld.idx.msk [tilespmem:v0+s17+$0x30 ss:$0x1], $0xffff;
	[tilespmem:s18+$0xFFFFFFD0] =	vst v5  }
0x2d: {  	v8 =	vld.idx.msk [tilespmem:v0+s17+$0xFFFFFFC0 ss:$0x1], $0xffff;
	[tilespmem:s18+$0xFFFFFFE0] =	vst v4  }
0x2e: {  	v5 =	vld.idx.msk [tilespmem:v0+s17+$0xFFFFFFD0 ss:$0x1], $0xffff;
	[tilespmem:s18+$0xFFFFFFF0] =	vst v3  }
.Ltmp3:
0x2f: {  	v4 =	vld.idx.msk [tilespmem:v0+s17+$0xFFFFFFE0 ss:$0x1], $0xffff;
	[tilespmem:s18+$0x0] =	vst v1;
	(pc) =	sbr.rel @p1 .LBB1_4-.Ltmp3, $4  }
0x30: {  	v3 =	vld.idx.msk [tilespmem:v0+s17+$0xFFFFFFF0 ss:$0x1], $0xffff;
	[tilespmem:s18+$0x10] =	vst v2  }
0x31: {  	v1 =	vld.idx.msk [tilespmem:v0+s17+$0x0 ss:$0x1], $0xffff;
	[tilespmem:s18+$0x20] =	vst v6;
	s18 =	sadd.s32 $0x800, s18  }
0x32: {  	v2 =	vld.idx.msk [tilespmem:v0+s17+$0x10 ss:$0x1], $0xffff;
	[tilespmem:s18+$0x30] =	vst v7  }
0x33: {  	[tilespmem:s18+$0xFFFFFFC0] =	vst v8;
	v6 =	vld.idx.msk [tilespmem:v0+s17+$0x20 ss:$0x1], $0xffff;
	s17 =	sshra.s32 s19, $0x2;
	s19 =	sadd.s32 $0x200, s19  }
0x34: {  	_ =	sdelay $0x2  }
0x35: {  	[tilespmem:s18+$0xFFFFFFD0] =	vst v5  }
0x36: {  	v56 =	vld.idx.msk [tilespmem:v0+s17+$0x30 ss:$0x1], $0xffff;
	[tilespmem:s18+$0xFFFFFFE0] =	vst v4  }
0x37: {  	v57 =	vld.idx.msk [tilespmem:v0+s17+$0xFFFFFFC0 ss:$0x1], $0xffff;
	[tilespmem:s18+$0xFFFFFFF0] =	vst v3  }
0x38: {  	v58 =	vld.idx.msk [tilespmem:v0+s17+$0xFFFFFFD0 ss:$0x1], $0xffff;
	[tilespmem:s18+$0x0] =	vst v1  }
0x39: {  	v59 =	vld.idx.msk [tilespmem:v0+s17+$0xFFFFFFE0 ss:$0x1], $0xffff;
	[tilespmem:s18+$0x10] =	vst v2  }
0x3a: {  	v60 =	vld.idx.msk [tilespmem:v0+s17+$0xFFFFFFF0 ss:$0x1], $0xffff;
	s31 =	sadd.s32 $0x800, s18;
	[tilespmem:s18+$0x20] =	vst v6  }
0x3b: {  	v61 =	vld.idx.msk [tilespmem:v0+s17+$0x0 ss:$0x1], $0xffff;
	[tilespmem:s31+$0x30] =	vst v56  }
0x3c: {  	v62 =	vld.idx.msk [tilespmem:v0+s17+$0x10 ss:$0x1], $0xffff;
	s16 =	sadd.s32 $0x1, s16;
	[tilespmem:s31+$0xFFFFFFC0] =	vst v57  }
0x3d: {  	v63 =	vld.idx.msk [tilespmem:v0+s17+$0x20 ss:$0x1], $0xffff;
	p1 =	sne.s32 s16, $0x10;
	[tilespmem:s31+$0xFFFFFFD0] =	vst v58  }
.Ltmp4:
0x3e: {  	[tilespmem:s31+$0xFFFFFFE0] =	vst v59;
	(pc) =	sbr.rel @p1 .LBB1_3-.Ltmp4, $4  }
0x3f: {  	[tilespmem:s31+$0xFFFFFFF0] =	vst v60  }
0x40: {  	[tilespmem:s31+$0x0] =	vst v61  }
0x41: {  	[tilespmem:s31+$0x10] =	vst v62  }
0x42: {  	s13 =	sadd.s32 $0x80, s13;
	s15 =	sadd.s32 $0x400, s15;
	[tilespmem:s31+$0x20] =	vst v63  }
.Ltmp5:
0x43: {  	(pc) =	sbr.rel .LBB1_7-.Ltmp5, $4  }
0x44: {  	s12 =	sshll.u32 s12, $0xC;
	s11 =	sshll.u32 s11, $0x4  }
0x45: {  	s11 =	sand.u32 $0x1F0, s11;
	s12 =	sadd.s32 s3, s12  }
0x46: {  	s11 =	sadd.s32 s11, s12  }
0x47: {  	[hbm4b:s11+s6] =	stream.strided.scatter [tilespmem:s14], [sflag:$0x2], $0x4000, s7, s6, $0x38;
	[tilespmem:$0x10000] =	vst v63  }
.LBB1_8:
0x48: {  	_ =	sfence.sel $0x180000  }
0x49: {  	s2 =	simm.s32 $0x1;
	[bflag:$0x0] =	sbarrier.arrive $0xFFFF  }
0x4a: {  	s31 =	simm.s32 $0x2;
	[sflag:s2] =	ssyncpa.u1 $0x1  }
0x4b: {  	[sflag:s31] =	ssyncpa.u1 $0x1  }
0x4c: {  	p0 =	sne.s32 s1, $0x0;
	_ =	strace $0x90000047  }
0x4d: {  	s0 =	sadd.s32 @!p0 $0x100000, s0;
	[bflag:$0x2] =	sbarrier.arrive $0xFFFF  }
0x4e: {  	[sflag:s0] =	ssyncadd.tile.s32 @!p0 $0x1;
	_ =	shalt  }
.Lfunc_end1:
_tile_overlayer_lowered:
.L_overlay_start_2:
0x4f: {  	(tag) =	ssettag $0x2  }
0x50: {  	s0 =	rddreg [dreg:$0x0];
	s2 =	stileid.u32  }
0x51: {  	s1 =	rddreg [dreg:$0x1];
	p0 =	sne.s32 s2, $0x0  }
0x52: {  	s3 =	rddreg [dreg:$0x2];
	[bflag:$0x3] =	sbarrier.arrive $0xFFFF;
	s2 =	simm.s32 @!p0 $0x1C01  }
0x53: {  	[timem:s3], [sflag:s2] =	dma.local @!p0 [hbm:s0], s1  }
0x54: {  	s0 =	simm.s32 @!p0 $0x1  }
0x55: {  	_ =	swait.ge @!p0 [sflag:s0], s1  }
0x56: {  	s1 =	ssub.s32 @!p0 $0x0, s1;
	[sflag:s0] =	ssyncset.done @!p0 $0x0  }
0x57: {  	[sflag:s0] =	ssyncadd.s32 @!p0 s1  }
0x58: {  	[bflag:$0x3] =	sbarrier.arrive $0xFFFF  }
0x59: {  	_ =	shalt  }

// kernel: sparse-core-data-format-call.cloned.1.call-start
scs
called_computation_lowered:
.L_overlay_start_0:
0x0: {  	s2 =	sld [smem:$0x3FD9]  }
0x1: {  	s3 =	sld [smem:$0x3FFE];
	_ =	sdelay $0x1  }
0x2: {  	s1 =	srdreg.scid  }
0x3: {  	s0 =	sand.u32 $0x1, s1  }
0x4: {  	s18 =	sshll.u32 s0, $0xA;
	s2 =	sadd.s32 s3, s2  }
0x5: {  	s2 =	sadd.s32 s2, s18  }
0x6: {  	[smem:$0x3FC2] =	sst s2  }
0x7: {  	_ = 	snop  }
0x8: {  	s2 =	sld [smem:$0x3FD0];
	(tm) =	ssettm $0x1  }
0x9: {  	s19 =	sld [smem:$0x3FFB];
	_ =	sdelay $0x3  }
0xa: {  	_ =	strace s19  }
0xb: {  	s3 =	sld [smem:$0x3FFC];
	_ =	sdelay $0x3  }
0xc: {  	_ =	strace s3  }
0xd: {  	s3 =	sld [smem:$0x3FFD];
	_ =	sdelay $0x3  }
0xe: {  	_ =	strace s3  }
0xf: {  	_ =	strace $0x8FFFFFFF  }
0x10: {  	s20 =	sld [smem:$0x3FDB];
	_ =	sdelay $0x1  }
0x11: {  	s4 =	simm.s32 $_scs_section_size  }
0x12: {  	s5 =	simm.s32 $_size__tile_overlayer_lowered;
	s6 =	simm.s32 $_tile_overlayer_lowered  }
0x13: {  	s23 =	simm.s32 $0x1BFF;
	s22 =	sshll.u32 s6, $0x1;
	s3 =	sadd.s32 s4, s20  }
0x14: {  	s7 =	simm.s32 $0x0;
	s21 =	sshll.u32 s5, $0x1;
	s5 =	sadd.s32 s22, s3  }
0x15: {  	[timem:s7], [sflag:s23] =	dma.local [hbm:s5], s21  }
0x16: {  	_ =	swait.ge [sflag:s23], s21  }
0x17: {  	s4 =	ssub.s32 $0x0, s21;
	[sflag:s23] =	ssyncset.done $0x0  }
0x18: {  	[sflag:s23] =	ssyncadd.s32 s4;
	_ =	sdelay $0x1  }
0x19: {  	s24 =	simm.s32 $0x1B8B  }
0x1a: {  	_ =	swait.ge [sflag:s24], $0x1  }
0x1b: {  	[sflag:s24] =	ssyncset.done $0x0  }
0x1c: {  	s26 =	simm.s32 $0x1B8E;
	s25 =	sld [smem:$0x3FFE];
	[sflag:s24] =	ssyncadd.s32 $0xFFFFFFFF  }
0x1d: {  	s27 =	simm.s32 $execute0_lowered;
	[smem:$0x3FD2] =	sst s26  }
0x1e: {  	s5 =	sshll.u32 s27, $0x1;
	_ =	strace $0x8000004F;
	[dreg:$0x1] =	wrdreg $0xFFFFFFFF  }
0x1f: {  	s28 =	simm.s32 $_size_execute0_lowered;
	s3 =	sadd.s32 s3, s5;
	[dreg:$0x0] =	wrdreg $0x0  }
0x20: {  	s5 =	sshll.u32 s28, $0x1;
	[dreg:$0x2] =	wrdreg s3  }
0x21: {  	[dreg:$0x3] =	wrdreg s5  }
0x22: {  	[dreg:$0x4] =	wrdreg $0xC0  }
0x23: {  	_ =	task [dreg:s7], $0x5FFFF  }
0x24: {  	[dreg:$0x1] =	wrdreg $0xFFFFFFFF  }
0x25: {  	[dreg:$0x0] =	wrdreg $0x60  }
0x26: {  	[dreg:$0x2] =	wrdreg s2  }
0x27: {  	[dreg:$0x3] =	wrdreg s25  }
0x28: {  	[dreg:$0x4] =	wrdreg $0x9  }
0x29: {  	_ =	task.clear_ibuf [dreg:s7], $0x5FFFF;
	_ =	strace $0x9000004F  }
0x2a: {  	s29 =	simm.s32 $0x9;
	_ =	strace $0x80000051  }
0x2b: {  	_ =	swait.ge [sflag:s29], $0x1  }
0x2c: {  	[sflag:s29] =	ssyncadd.s32 $0xFFFFFFFF  }
0x2d: {  	_ =	strace $0x90000051  }
0x2e: {  	_ =	sfence  }
0x2f: {  	s30 =	sld [smem:$0x0];
	_ =	sdelay $0x2  }
0x30: {  	s31 =	sshll.u32 s1, $0xD;
	s1 =	sshrl.u32 s1, $0x2  }
0x31: {  	s3 =	sand.u32 $0x4000, s31;
	s1 =	sadd.s32 s1, s30  }
0x32: {  	s0 =	sor.u32 s3, s0;
	s1 =	sshll.u32 s1, $0x11  }
0x33: {  	s0 =	sor.u32 s1, s0  }
0x34: {  	s0 =	sadd.s32 $0x8F2B, s0  }
0x35: {  	[sflag:s0] =	ssyncadd.remote.s32 $0x1  }
0x36: {  	_ =	sfence.sel $0xFFFF  }
0x37: {  	[dreg:$0x0] =	wrdreg $0xFFFFFFFF;
	(pc) =	sbr.abs _section_cstart, $3  }
0x38: {  	[dreg:$0x1] =	wrdreg $0xFFFFFFFF  }
0x39: {  	_ =	task.clear_ibuf [dreg:s7], $0x2FFFF;
	_ =	strace $0x9FFFFFFF  }
0x3a: {  	(tm) =	ssettm $0x7FFFFFFF  }
0x3b: {  	_ =	shalt  }
tec
execute0_lowered:
.L_overlay_start_1:
0x0: {  	(tag) =	ssettag $0x1  }
0x1: {  	s2 =	rddreg [dreg:$0x0]  }
0x2: {  	s4 =	rddreg [dreg:$0x1]  }
0x3: {  	s0 =	rddreg [dreg:$0x2];
	_ =	strace $0x80000050  }
0x4: {  	s3 =	srdreg.scid;
	s1 =	stileid.u32;
	s6 =	simm.s32 $0x2  }
0x5: {  	s12 =	simm.s32 $0x0;
	p0 =	por $0x0, $0x0;
	s7 =	simm.s32 $0x1000  }
.Ltmp0:
0x6: {  	s13 =	simm.s32 $0x0;
	s14 =	simm.s32 $0x0;
	(pc) =	sbr.rel .LBB1_1-.Ltmp0, $4  }
0x7: {  	s9 =	simm.s32 $0x0;
	s10 =	simm.s32 $0x0;
	s5 =	sshll.u32 s3, $0x4  }
0x8: {  	s8 =	simm.s32 $0x0;
	s3 =	simm.s32 $0x1;
	s5 =	sand.u32 $0x10, s5  }
0x9: {  	s4 =	sadd.s32 $0x1E00, s4;
	[sflag:s3] =	ssyncpa.u1 $0x0;
	s5 =	sor.u32 s1, s5  }
0xa: {  	[sflag:s6] =	ssyncpa.u1 $0x0;
	s6 =	simm.s32 $0x80;
	s11 =	smov.u32 s5  }
.LBB1_7:
0xb: {  	s15 =	sadd.s32 $0x4, s9  }
0xc: {  	s12 =	sadd.s32 $0x20, s10;
	s16 =	smov.u32 s10;
	p2 =	sgt.s32 s15, $0x3F  }
0xd: {  	s16 =	smov.u32 @p2 s12  }
0xe: {  	s18 =	smov.u32 s11;
	s12 =	sadd.s32 $0x20, s11;
	p3 =	sgt.s32 s16, $0x1F  }
0xf: {  	p1 =	slt.u32 s8, $0x2;
	s18 =	smov.u32 @p3 s12  }
0x10: {  	s8 =	sadd.s32 $0x1, s8;
	s15 =	simm.s32 @p2 $0x0;
	p2 =	sgt.s32 s18, $0x1F  }
0x11: {  	s18 =	smov.u32 @p2 s5;
	p2 =	sne.s32 s8, $0x12  }
.Ltmp1:
0x12: {  	s17 =	simm.s32 @!p1 $0x2;
	(pc) =	sbr.rel @!p2 .LBB1_8-.Ltmp1, $4  }
0x13: {  	s13 =	smov.u32 s10;
	_ =	swait.ge @!p1 [sflag:s17], $0x4000  }
0x14: {  	s14 =	smov.u32 s11;
	p0 =	por !p0, !p0;
	[sflag:s17] =	ssyncset.done @!p1 $0x0  }
0x15: {  	s16 =	simm.s32 @p3 $0x0;
	s12 =	smov.u32 s9;
	[sflag:s17] =	ssyncadd.s32 @!p1 $0xFFFFC000  }
0x16: {  	s9 =	smov.u32 s15;
	s10 =	smov.u32 s16;
	s11 =	smov.u32 s18  }
.LBB1_1:
0x17: {  	p1 =	sgt.u32 s8, $0xF  }
0x18: {  	s15 =	sxor.u32 @!p1 $0xFFFFFFFF, s8;
	s16 =	sshll.u32 @!p1 s11, $0xF;
	s17 =	sshll.u32 @!p1 s10, $0xA  }
0x19: {  	s18 =	sshll.u32 @!p1 s9, $0x4;
	s15 =	sshll.u32 @!p1 s15, $0xE;
	s16 =	sadd.s32 @!p1 s2, s16  }
0x1a: {  	s18 =	sand.u32 @!p1 $0x3F0, s18;
	s15 =	sand.u32 @!p1 $0x4000, s15;
	s16 =	sadd.s32 @!p1 s17, s16  }
0x1b: {  	s17 =	simm.s32 @!p1 $0x200;
	s16 =	sadd.s32 @!p1 s18, s16;
	s18 =	simm.s32 @!p1 $0x2000  }
0x1c: {  	[tilespmem:s15], [sflag:$0x1] =	stream.strided.gather @!p1 [hbm4b:s16+s17], $0x4000, s18, s17, $0x38;
	[tilespmem:$0x10000] =	vst v63  }
0x1d: {  	p1 =	seq.s32 s8, $0x0  }
0x1e: {  	p2 =	seq.s32 @!p1 s8, $0x11  }
0x1f: {  	p1 =	por p1, p2  }
.Ltmp2:
0x20: {  	_ = 	snop;
	(pc) =	sbr.rel @p1 .LBB1_7-.Ltmp2, $1  }
0x21: {  	_ =	sdelay $0x3  }
0x22: {  	s15 =	simm.s32 $0x1;
	_ =	swait.ge [sflag:s3], $0x4000;
	s18 =	sshll.u32 s8, $0xE  }
0x23: {  	s15 =	simm.s32 @!p0 $0x0;
	[sflag:s3] =	ssyncset.done $0x0;
	s31 =	sand.u32 $0x4000, s18  }
0x24: {  	s18 =	simm.s32 $0x0;
	s15 =	sshll.u32 s15, $0xE;
	[sflag:s3] =	ssyncadd.s32 $0xFFFFC000  }
0x25: {  	s16 =	sor.u32 $0x8040, s15;
	s17 =	sor.u32 $0x40, s15;
	s15 =	sor.u32 $0x8000, s31  }
.LBB1_3:
0x26: {  	v0 =	vmov s17;
	_ =	sdelay $0x3  }
0x27: {  	s20 =	simm.s32 $0x0  }
0x28: {  	v6 =	vld.idx.msk [tilespmem:v0+s20+$0x30 ss:$0x1], $0xffff  }
0x29: {  	v7 =	vld.idx.msk [tilespmem:v0+s20+$0xFFFFFFC0 ss:$0x1], $0xffff  }
0x2a: {  	v5 =	vld.idx.msk [tilespmem:v0+s20+$0xFFFFFFD0 ss:$0x1], $0xffff  }
0x2b: {  	v4 =	vld.idx.msk [tilespmem:v0+s20+$0xFFFFFFE0 ss:$0x1], $0xffff  }
0x2c: {  	v3 =	vld.idx.msk [tilespmem:v0+s20+$0xFFFFFFF0 ss:$0x1], $0xffff  }
0x2d: {  	v1 =	vld.idx.msk [tilespmem:v0+s20+$0x0 ss:$0x1], $0xffff  }
0x2e: {  	v2 =	vld.idx.msk [tilespmem:v0+s20+$0x10 ss:$0x1], $0xffff;
	[tilespmem:s16+$0x30] =	vst v6  }
0x2f: {  	s19 =	simm.s32 $0x80;
	s21 =	simm.s32 $0x400;
	[tilespmem:s16+$0xFFFFFFC0] =	vst v7;
	v6 =	vld.idx.msk [tilespmem:v0+s20+$0x20 ss:$0x1], $0xffff;
	s20 =	smov.u32 s16  }
.LBB1_4:
0x30: {  	p1 =	sne.s32 s21, $0x600;
	v7 =	vld.idx.msk [tilespmem:v0+s19+$0x30 ss:$0x1], $0xffff;
	[tilespmem:s20+$0xFFFFFFD0] =	vst v5  }
0x31: {  	v8 =	vld.idx.msk [tilespmem:v0+s19+$0xFFFFFFC0 ss:$0x1], $0xffff;
	[tilespmem:s20+$0xFFFFFFE0] =	vst v4  }
0x32: {  	v5 =	vld.idx.msk [tilespmem:v0+s19+$0xFFFFFFD0 ss:$0x1], $0xffff;
	[tilespmem:s20+$0xFFFFFFF0] =	vst v3  }
.Ltmp3:
0x33: {  	v4 =	vld.idx.msk [tilespmem:v0+s19+$0xFFFFFFE0 ss:$0x1], $0xffff;
	[tilespmem:s20+$0x0] =	vst v1;
	(pc) =	sbr.rel @p1 .LBB1_4-.Ltmp3, $4  }
0x34: {  	v3 =	vld.idx.msk [tilespmem:v0+s19+$0xFFFFFFF0 ss:$0x1], $0xffff;
	[tilespmem:s20+$0x10] =	vst v2  }
0x35: {  	v1 =	vld.idx.msk [tilespmem:v0+s19+$0x0 ss:$0x1], $0xffff;
	[tilespmem:s20+$0x20] =	vst v6;
	s20 =	sadd.s32 $0x1000, s20  }
0x36: {  	v2 =	vld.idx.msk [tilespmem:v0+s19+$0x10 ss:$0x1], $0xffff;
	[tilespmem:s20+$0x30] =	vst v7  }
0x37: {  	[tilespmem:s20+$0xFFFFFFC0] =	vst v8;
	v6 =	vld.idx.msk [tilespmem:v0+s19+$0x20 ss:$0x1], $0xffff;
	s19 =	sshra.s32 s21, $0x2;
	s21 =	sadd.s32 $0x200, s21  }
0x38: {  	_ =	sdelay $0x2  }
0x39: {  	[tilespmem:s20+$0xFFFFFFD0] =	vst v5  }
0x3a: {  	v56 =	vld.idx.msk [tilespmem:v0+s19+$0x30 ss:$0x1], $0xffff;
	[tilespmem:s20+$0xFFFFFFE0] =	vst v4  }
0x3b: {  	v57 =	vld.idx.msk [tilespmem:v0+s19+$0xFFFFFFC0 ss:$0x1], $0xffff;
	[tilespmem:s20+$0xFFFFFFF0] =	vst v3  }
0x3c: {  	v58 =	vld.idx.msk [tilespmem:v0+s19+$0xFFFFFFD0 ss:$0x1], $0xffff;
	[tilespmem:s20+$0x0] =	vst v1  }
0x3d: {  	v59 =	vld.idx.msk [tilespmem:v0+s19+$0xFFFFFFE0 ss:$0x1], $0xffff;
	[tilespmem:s20+$0x10] =	vst v2  }
0x3e: {  	v60 =	vld.idx.msk [tilespmem:v0+s19+$0xFFFFFFF0 ss:$0x1], $0xffff;
	s31 =	sadd.s32 $0x1000, s20;
	[tilespmem:s20+$0x20] =	vst v6  }
0x3f: {  	v61 =	vld.idx.msk [tilespmem:v0+s19+$0x0 ss:$0x1], $0xffff;
	[tilespmem:s31+$0x30] =	vst v56  }
0x40: {  	v62 =	vld.idx.msk [tilespmem:v0+s19+$0x10 ss:$0x1], $0xffff;
	s18 =	sadd.s32 $0x1, s18;
	[tilespmem:s31+$0xFFFFFFC0] =	vst v57  }
0x41: {  	v63 =	vld.idx.msk [tilespmem:v0+s19+$0x20 ss:$0x1], $0xffff;
	p1 =	sne.s32 s18, $0x20;
	[tilespmem:s31+$0xFFFFFFD0] =	vst v58  }
.Ltmp4:
0x42: {  	[tilespmem:s31+$0xFFFFFFE0] =	vst v59;
	(pc) =	sbr.rel @p1 .LBB1_3-.Ltmp4, $4  }
0x43: {  	[tilespmem:s31+$0xFFFFFFF0] =	vst v60  }
0x44: {  	[tilespmem:s31+$0x0] =	vst v61  }
0x45: {  	[tilespmem:s31+$0x10] =	vst v62  }
0x46: {  	s16 =	sadd.s32 $0x80, s16;
	s17 =	sadd.s32 $0x200, s17;
	[tilespmem:s31+$0x20] =	vst v63  }
.Ltmp5:
0x47: {  	s13 =	sshll.u32 s13, $0x9;
	s14 =	sshll.u32 s14, $0x4;
	(pc) =	sbr.rel .LBB1_7-.Ltmp5, $4  }
0x48: {  	s14 =	sand.u32 $0x1F0, s14;
	s13 =	sadd.s32 s4, s13  }
0x49: {  	s12 =	sshll.u32 s12, $0xE;
	s13 =	sadd.s32 s14, s13  }
0x4a: {  	s12 =	sadd.s32 s12, s13  }
0x4b: {  	[hbm4b:s12+s6] =	stream.strided.scatter [tilespmem:s15], [sflag:$0x2], $0x4000, s7, s6, $0x38;
	[tilespmem:$0x10000] =	vst v63  }
.LBB1_8:
0x4c: {  	_ =	sfence.sel $0x180000  }
0x4d: {  	s2 =	simm.s32 $0x1;
	[bflag:$0x0] =	sbarrier.arrive $0xFFFF  }
0x4e: {  	s31 =	simm.s32 $0x2;
	[sflag:s2] =	ssyncpa.u1 $0x1  }
0x4f: {  	[sflag:s31] =	ssyncpa.u1 $0x1  }
0x50: {  	p0 =	sne.s32 s1, $0x0;
	_ =	strace $0x90000050  }
0x51: {  	s0 =	sadd.s32 @!p0 $0x100000, s0;
	[bflag:$0x2] =	sbarrier.arrive $0xFFFF  }
0x52: {  	[sflag:s0] =	ssyncadd.tile.s32 @!p0 $0x1;
	_ =	shalt  }
.Lfunc_end1:
_tile_overlayer_lowered:
.L_overlay_start_2:
0x53: {  	(tag) =	ssettag $0x2  }
0x54: {  	s0 =	rddreg [dreg:$0x0];
	s2 =	stileid.u32  }
0x55: {  	s1 =	rddreg [dreg:$0x1];
	p0 =	sne.s32 s2, $0x0  }
0x56: {  	s3 =	rddreg [dreg:$0x2];
	[bflag:$0x3] =	sbarrier.arrive $0xFFFF;
	s2 =	simm.s32 @!p0 $0x1C01  }
0x57: {  	[timem:s3], [sflag:s2] =	dma.local @!p0 [hbm:s0], s1  }
0x58: {  	s0 =	simm.s32 @!p0 $0x1  }
0x59: {  	_ =	swait.ge @!p0 [sflag:s0], s1  }
0x5a: {  	s1 =	ssub.s32 @!p0 $0x0, s1;
	[sflag:s0] =	ssyncset.done @!p0 $0x0  }
0x5b: {  	[sflag:s0] =	ssyncadd.s32 @!p0 s1  }
0x5c: {  	[bflag:$0x3] =	sbarrier.arrive $0xFFFF  }
0x5d: {  	_ =	shalt  }

</sc_bundles>
